<compile_context>
chip_gen: v7x
topology: tpu7x:2x2x1
jax: 0.10.2.dev20260603
libtpu: 0.0.44.dev20260713+nightly
codegen_flags: <defaults>
</compile_context>

<pallas_src>
import jax
import jax.numpy as jnp
from jax import lax
from jax.experimental import pallas as pl
from jax.experimental.pallas import tpu as pltpu
from jax.experimental.pallas import tpu_sc as plsc

BATCH = 16384
HIST = 50
EMBED_DIM = 32

N = BATCH * HIST
NUM_WORKERS = 32
PER_WORKER = N // NUM_WORKERS
CHUNK = 640
NCHUNK = PER_WORKER // CHUNK
NGATHER = 4
NROWBUF = 5


def _gather_body(x_hbm, table_hbm, out_hbm, idx_all, row_bufs, gsems, wsems):
    wid = lax.axis_index("s") * 2 + lax.axis_index("c")
    base = wid * PER_WORKER

    pltpu.sync_copy(x_hbm.at[pl.ds(base, PER_WORKER)], idx_all)

    def start_gather(i):
        return pltpu.async_copy(
            table_hbm.at[idx_all.at[pl.ds(i * CHUNK, CHUNK)]],
            row_bufs[i % NROWBUF], gsems[i % NGATHER])

    def start_write(i):
        return pltpu.async_copy(row_bufs[i % NROWBUF],
                                out_hbm.at[pl.ds(base + i * CHUNK, CHUNK)],
                                wsems[i % NROWBUF])

    gathers = {}
    writes = {}
    for j in range(min(NGATHER, NCHUNK)):
        gathers[j] = start_gather(j)
    for i in range(NCHUNK):
        gathers.pop(i).wait()
        writes[i] = start_write(i)
        j = i + NGATHER
        if j < NCHUNK:
            if j - NROWBUF >= 0:
                writes.pop(j - NROWBUF).wait()
            gathers[j] = start_gather(j)
    for j in sorted(writes):
        writes.pop(j).wait()


@jax.jit
def _gather(xf, table):
    mesh = plsc.VectorSubcoreMesh(core_axis_name="c", subcore_axis_name="s")
    return pl.kernel(
        _gather_body,
        out_type=jax.ShapeDtypeStruct((N, EMBED_DIM), jnp.float32),
        mesh=mesh,
        compiler_params=pltpu.CompilerParams(use_tc_tiling_on_sc=False),
        scratch_types=[
            pltpu.VMEM((PER_WORKER,), jnp.int32),
            [pltpu.VMEM((CHUNK, EMBED_DIM), jnp.float32)
             for _ in range(NROWBUF)],
            [pltpu.SemaphoreType.DMA for _ in range(NGATHER)],
            [pltpu.SemaphoreType.DMA for _ in range(NROWBUF)],
        ],
    )(xf, table)


def kernel(x, table):
    xf = x.reshape(-1).astype(jnp.int32)
    out = _gather(xf, table)
    return out.reshape(BATCH, HIST, EMBED_DIM)

# --- scband reference (transcript-rebuilt; emitter-appended) ---
"""Pipeline reference for scband-token-vocab-1580547975202 (READ-ONLY COPY).

The authoritative reference and input builder live on the scoring server;
editing this copy changes nothing except your own understanding.
"""

import jax, jax.numpy as jnp
import numpy as np

VOCAB_SIZE = 1000000
EMBED_DIM = 32
BATCH = 16384
HIST = 50

def setup_inputs(seed: int = 0) -> dict:
    key = jax.random.key(seed)
    k_idx, k_tab = jax.random.split(key)
    x = jax.random.randint(k_idx, (BATCH, HIST), 0, VOCAB_SIZE, dtype=jnp.int64 if jax.config.jax_enable_x64 else jnp.int32)
    # hk.Embed default initializer: truncated normal with stddev = 1/sqrt(vocab_size)
    table = jax.random.truncated_normal(k_tab, -2.0, 2.0, (VOCAB_SIZE, EMBED_DIM), dtype=jnp.float32) * (1.0 / np.sqrt(VOCAB_SIZE))
    return {"x": x, "table": table}

def reference(x, table):
    # hk.Embed(...)(x) is a plain gather of rows from the embedding table
    return jnp.take(table, x, axis=0)

if __name__ == "__main__":
    import jax
    _d = setup_inputs()
    print(jax.jit(kernel)(*tuple(_d.values())))

</pallas_src>

<mosaic_0001>
#map = affine_map<(d0, d1) -> (0)>
#map1 = affine_map<(d0, d1) -> (0, 0)>
module attributes {stable_mosaic.version = 14 : i64} {
  func.func @_gather_body(%arg0: i32, %arg1: i32, %arg2: memref<819200xi32, #tpu.memory_space<hbm>>, %arg3: memref<1000000x32xf32, #tpu.memory_space<hbm>>, %arg4: memref<819200x32xf32, #tpu.memory_space<hbm>>, %arg5: memref<25600xi32, #tpu.memory_space<vmem>>, %arg6: memref<640x32xf32, #tpu.memory_space<vmem>>, %arg7: memref<640x32xf32, #tpu.memory_space<vmem>>, %arg8: memref<640x32xf32, #tpu.memory_space<vmem>>, %arg9: memref<640x32xf32, #tpu.memory_space<vmem>>, %arg10: memref<640x32xf32, #tpu.memory_space<vmem>>, %arg11: memref<!tpu.dma_semaphore, #tpu.memory_space<semaphore_mem>>, %arg12: memref<!tpu.dma_semaphore, #tpu.memory_space<semaphore_mem>>, %arg13: memref<!tpu.dma_semaphore, #tpu.memory_space<semaphore_mem>>, %arg14: memref<!tpu.dma_semaphore, #tpu.memory_space<semaphore_mem>>, %arg15: memref<!tpu.dma_semaphore, #tpu.memory_space<semaphore_mem>>, %arg16: memref<!tpu.dma_semaphore, #tpu.memory_space<semaphore_mem>>, %arg17: memref<!tpu.dma_semaphore, #tpu.memory_space<semaphore_mem>>, %arg18: memref<!tpu.dma_semaphore, #tpu.memory_space<semaphore_mem>>, %arg19: memref<!tpu.dma_semaphore, #tpu.memory_space<semaphore_mem>>) attributes {dimension_semantics = [#tpu.dimension_semantics<core_parallel>, #tpu.dimension_semantics<subcore_parallel>], iteration_bounds = array<i64: 2, 16>, scalar_prefetch = 0 : i64, scratch_operands = 15 : i64, tpu.core_type = #tpu.core_type<sc_vector_subcore>, window_params = [{transform_indices = #map}, {transform_indices = #map1}, {transform_indices = #map1}]} {
    %mul3A = arith.constant 2 : i32
    %mul3A_0 = arith.muli %arg1, %mul3A : i32
    %add3A = arith.addi %mul3A_0, %arg0 : i32
    %mul3A_1 = arith.constant 25600 : i32
    %mul3A_2 = arith.muli %add3A, %mul3A_1 : i32
    "tpu.region"() ({
      %run_scoped3A = tpu.sem_alloc : memref<!tpu.dma_semaphore, #tpu.memory_space<semaphore_mem>>
      %dma_start3A_801 = tpu.memref_slice %arg2[%mul3A_2] : memref<819200xi32, #tpu.memory_space<hbm>> -> memref<25600xi32, #tpu.memory_space<hbm>>
      %dma_start3A_802 = tpu.memref_slice %arg2[%mul3A_2] : memref<819200xi32, #tpu.memory_space<hbm>> -> memref<25600xi32, #tpu.memory_space<hbm>>
      tpu.enqueue_dma source(%dma_start3A_802 : memref<25600xi32, #tpu.memory_space<hbm>>) target(%arg5 : memref<25600xi32, #tpu.memory_space<vmem>>) target_semaphore(%run_scoped3A : memref<!tpu.dma_semaphore, #tpu.memory_space<semaphore_mem>>)
      %dma_wait3A_803 = tpu.memref_slice %arg2[%mul3A_2] : memref<819200xi32, #tpu.memory_space<hbm>> -> memref<25600xi32, #tpu.memory_space<hbm>>
      %dma_wait3A_804 = tpu.memref_slice %arg2[%mul3A_2] : memref<819200xi32, #tpu.memory_space<hbm>> -> memref<25600xi32, #tpu.memory_space<hbm>>
      tpu.wait_dma2 semaphore(%run_scoped3A : memref<!tpu.dma_semaphore, #tpu.memory_space<semaphore_mem>>) src(%dma_wait3A_804 : memref<25600xi32, #tpu.memory_space<hbm>>) dst(%arg5 : memref<25600xi32, #tpu.memory_space<vmem>>)
      tpu.yield
    }) : () -> ()
    %dma_start3A = arith.constant 0 : i32
    %dma_start3A_3 = tpu.memref_slice %arg5[%dma_start3A] : memref<25600xi32, #tpu.memory_space<vmem>> -> memref<640xi32, #tpu.memory_space<vmem>>
    %dma_start3A_4 = arith.constant 0 : i32
    %dma_start3A_5 = arith.constant 0 : i32
    %dma_start3A_6 = tpu.memref_slice %arg3[%dma_start3A_4, %dma_start3A_5] : memref<1000000x32xf32, #tpu.memory_space<hbm>> -> memref<1000000x32xf32, #tpu.memory_space<hbm>>
    tpu.enqueue_indirect_dma source(%dma_start3A_6 : memref<1000000x32xf32, #tpu.memory_space<hbm>>) target(%arg6 : memref<640x32xf32, #tpu.memory_space<vmem>>) offsets(%dma_start3A_3 : memref<640xi32, #tpu.memory_space<vmem>>) semaphore(%arg11 : memref<!tpu.dma_semaphore, #tpu.memory_space<semaphore_mem>>)
    %dma_start3A_7 = arith.constant 640 : i32
    %dma_start3A_8 = tpu.memref_slice %arg5[%dma_start3A_7] : memref<25600xi32, #tpu.memory_space<vmem>> -> memref<640xi32, #tpu.memory_space<vmem>>
    %dma_start3A_9 = arith.constant 0 : i32
    %dma_start3A_10 = arith.constant 0 : i32
    %dma_start3A_11 = tpu.memref_slice %arg3[%dma_start3A_9, %dma_start3A_10] : memref<1000000x32xf32, #tpu.memory_space<hbm>> -> memref<1000000x32xf32, #tpu.memory_space<hbm>>
    tpu.enqueue_indirect_dma source(%dma_start3A_11 : memref<1000000x32xf32, #tpu.memory_space<hbm>>) target(%arg7 : memref<640x32xf32, #tpu.memory_space<vmem>>) offsets(%dma_start3A_8 : memref<640xi32, #tpu.memory_space<vmem>>) semaphore(%arg12 : memref<!tpu.dma_semaphore, #tpu.memory_space<semaphore_mem>>)
    %dma_start3A_12 = arith.constant 1280 : i32
    %dma_start3A_13 = tpu.memref_slice %arg5[%dma_start3A_12] : memref<25600xi32, #tpu.memory_space<vmem>> -> memref<640xi32, #tpu.memory_space<vmem>>
    %dma_start3A_14 = arith.constant 0 : i32
    %dma_start3A_15 = arith.constant 0 : i32
    %dma_start3A_16 = tpu.memref_slice %arg3[%dma_start3A_14, %dma_start3A_15] : memref<1000000x32xf32, #tpu.memory_space<hbm>> -> memref<1000000x32xf32, #tpu.memory_space<hbm>>
    tpu.enqueue_indirect_dma source(%dma_start3A_16 : memref<1000000x32xf32, #tpu.memory_space<hbm>>) target(%arg8 : memref<640x32xf32, #tpu.memory_space<vmem>>) offsets(%dma_start3A_13 : memref<640xi32, #tpu.memory_space<vmem>>) semaphore(%arg13 : memref<!tpu.dma_semaphore, #tpu.memory_space<semaphore_mem>>)
    %dma_start3A_17 = arith.constant 1920 : i32
    %dma_start3A_18 = tpu.memref_slice %arg5[%dma_start3A_17] : memref<25600xi32, #tpu.memory_space<vmem>> -> memref<640xi32, #tpu.memory_space<vmem>>
    %dma_start3A_19 = arith.constant 0 : i32
    %dma_start3A_20 = arith.constant 0 : i32
    %dma_start3A_21 = tpu.memref_slice %arg3[%dma_start3A_19, %dma_start3A_20] : memref<1000000x32xf32, #tpu.memory_space<hbm>> -> memref<1000000x32xf32, #tpu.memory_space<hbm>>
    tpu.enqueue_indirect_dma source(%dma_start3A_21 : memref<1000000x32xf32, #tpu.memory_space<hbm>>) target(%arg9 : memref<640x32xf32, #tpu.memory_space<vmem>>) offsets(%dma_start3A_18 : memref<640xi32, #tpu.memory_space<vmem>>) semaphore(%arg14 : memref<!tpu.dma_semaphore, #tpu.memory_space<semaphore_mem>>)
    %dma_wait3A = arith.constant 0 : i32
    %dma_wait3A_22 = tpu.memref_slice %arg5[%dma_wait3A] : memref<25600xi32, #tpu.memory_space<vmem>> -> memref<640xi32, #tpu.memory_space<vmem>>
    %dma_wait3A_23 = arith.constant 0 : i32
    %dma_wait3A_24 = arith.constant 0 : i32
    %dma_wait3A_25 = tpu.memref_slice %arg3[%dma_wait3A_23, %dma_wait3A_24] : memref<1000000x32xf32, #tpu.memory_space<hbm>> -> memref<1000000x32xf32, #tpu.memory_space<hbm>>
    tpu.wait_indirect_dma semaphore(%arg11 : memref<!tpu.dma_semaphore, #tpu.memory_space<semaphore_mem>>) src(%dma_wait3A_25 : memref<1000000x32xf32, #tpu.memory_space<hbm>>) dst(%arg6 : memref<640x32xf32, #tpu.memory_space<vmem>>)
    %add3A_26 = arith.constant 0 : i32
    %add3A_27 = arith.addi %mul3A_2, %add3A_26 : i32
    %dma_start3A_28 = arith.constant 0 : i32
    %dma_start3A_29 = tpu.memref_slice %arg4[%add3A_27, %dma_start3A_28] : memref<819200x32xf32, #tpu.memory_space<hbm>> -> memref<640x32xf32, #tpu.memory_space<hbm>>
    %dma_start3A_30 = arith.constant 0 : i32
    %dma_start3A_31 = tpu.memref_slice %arg4[%add3A_27, %dma_start3A_30] : memref<819200x32xf32, #tpu.memory_space<hbm>> -> memref<640x32xf32, #tpu.memory_space<hbm>>
    tpu.enqueue_dma source(%arg6 : memref<640x32xf32, #tpu.memory_space<vmem>>) target(%dma_start3A_31 : memref<640x32xf32, #tpu.memory_space<hbm>>) target_semaphore(%arg15 : memref<!tpu.dma_semaphore, #tpu.memory_space<semaphore_mem>>)
    %dma_start3A_32 = arith.constant 2560 : i32
    %dma_start3A_33 = tpu.memref_slice %arg5[%dma_start3A_32] : memref<25600xi32, #tpu.memory_space<vmem>> -> memref<640xi32, #tpu.memory_space<vmem>>
    %dma_start3A_34 = arith.constant 0 : i32
    %dma_start3A_35 = arith.constant 0 : i32
    %dma_start3A_36 = tpu.memref_slice %arg3[%dma_start3A_34, %dma_start3A_35] : memref<1000000x32xf32, #tpu.memory_space<hbm>> -> memref<1000000x32xf32, #tpu.memory_space<hbm>>
    tpu.enqueue_indirect_dma source(%dma_start3A_36 : memref<1000000x32xf32, #tpu.memory_space<hbm>>) target(%arg10 : memref<640x32xf32, #tpu.memory_space<vmem>>) offsets(%dma_start3A_33 : memref<640xi32, #tpu.memory_space<vmem>>) semaphore(%arg11 : memref<!tpu.dma_semaphore, #tpu.memory_space<semaphore_mem>>)
    %dma_wait3A_37 = arith.constant 640 : i32
    %dma_wait3A_38 = tpu.memref_slice %arg5[%dma_wait3A_37] : memref<25600xi32, #tpu.memory_space<vmem>> -> memref<640xi32, #tpu.memory_space<vmem>>
    %dma_wait3A_39 = arith.constant 0 : i32
    %dma_wait3A_40 = arith.constant 0 : i32
    %dma_wait3A_41 = tpu.memref_slice %arg3[%dma_wait3A_39, %dma_wait3A_40] : memref<1000000x32xf32, #tpu.memory_space<hbm>> -> memref<1000000x32xf32, #tpu.memory_space<hbm>>
    tpu.wait_indirect_dma semaphore(%arg12 : memref<!tpu.dma_semaphore, #tpu.memory_space<semaphore_mem>>) src(%dma_wait3A_41 : memref<1000000x32xf32, #tpu.memory_space<hbm>>) dst(%arg7 : memref<640x32xf32, #tpu.memory_space<vmem>>)
    %add3A_42 = arith.constant 640 : i32
    %add3A_43 = arith.addi %mul3A_2, %add3A_42 : i32
    %dma_start3A_44 = arith.constant 0 : i32
    %dma_start3A_45 = tpu.memref_slice %arg4[%add3A_43, %dma_start3A_44] : memref<819200x32xf32, #tpu.memory_space<hbm>> -> memref<640x32xf32, #tpu.memory_space<hbm>>
    %dma_start3A_46 = arith.constant 0 : i32
    %dma_start3A_47 = tpu.memref_slice %arg4[%add3A_43, %dma_start3A_46] : memref<819200x32xf32, #tpu.memory_space<hbm>> -> memref<640x32xf32, #tpu.memory_space<hbm>>
    tpu.enqueue_dma source(%arg7 : memref<640x32xf32, #tpu.memory_space<vmem>>) target(%dma_start3A_47 : memref<640x32xf32, #tpu.memory_space<hbm>>) target_semaphore(%arg16 : memref<!tpu.dma_semaphore, #tpu.memory_space<semaphore_mem>>)
    %dma_wait3A_48 = arith.constant 0 : i32
    %dma_wait3A_49 = tpu.memref_slice %arg4[%add3A_27, %dma_wait3A_48] : memref<819200x32xf32, #tpu.memory_space<hbm>> -> memref<640x32xf32, #tpu.memory_space<hbm>>
    %dma_wait3A_50 = arith.constant 0 : i32
    %dma_wait3A_51 = tpu.memref_slice %arg4[%add3A_27, %dma_wait3A_50] : memref<819200x32xf32, #tpu.memory_space<hbm>> -> memref<640x32xf32, #tpu.memory_space<hbm>>
    tpu.wait_dma2 semaphore(%arg15 : memref<!tpu.dma_semaphore, #tpu.memory_space<semaphore_mem>>) src(%arg6 : memref<640x32xf32, #tpu.memory_space<vmem>>) dst(%dma_wait3A_51 : memref<640x32xf32, #tpu.memory_space<hbm>>)
    %dma_start3A_52 = arith.constant 3200 : i32
    %dma_start3A_53 = tpu.memref_slice %arg5[%dma_start3A_52] : memref<25600xi32, #tpu.memory_space<vmem>> -> memref<640xi32, #tpu.memory_space<vmem>>
    %dma_start3A_54 = arith.constant 0 : i32
    %dma_start3A_55 = arith.constant 0 : i32
    %dma_start3A_56 = tpu.memref_slice %arg3[%dma_start3A_54, %dma_start3A_55] : memref<1000000x32xf32, #tpu.memory_space<hbm>> -> memref<1000000x32xf32, #tpu.memory_space<hbm>>
    tpu.enqueue_indirect_dma source(%dma_start3A_56 : memref<1000000x32xf32, #tpu.memory_space<hbm>>) target(%arg6 : memref<640x32xf32, #tpu.memory_space<vmem>>) offsets(%dma_start3A_53 : memref<640xi32, #tpu.memory_space<vmem>>) semaphore(%arg12 : memref<!tpu.dma_semaphore, #tpu.memory_space<semaphore_mem>>)
    %dma_wait3A_57 = arith.constant 1280 : i32
    %dma_wait3A_58 = tpu.memref_slice %arg5[%dma_wait3A_57] : memref<25600xi32, #tpu.memory_space<vmem>> -> memref<640xi32, #tpu.memory_space<vmem>>
    %dma_wait3A_59 = arith.constant 0 : i32
    %dma_wait3A_60 = arith.constant 0 : i32
    %dma_wait3A_61 = tpu.memref_slice %arg3[%dma_wait3A_59, %dma_wait3A_60] : memref<1000000x32xf32, #tpu.memory_space<hbm>> -> memref<1000000x32xf32, #tpu.memory_space<hbm>>
    tpu.wait_indirect_dma semaphore(%arg13 : memref<!tpu.dma_semaphore, #tpu.memory_space<semaphore_mem>>) src(%dma_wait3A_61 : memref<1000000x32xf32, #tpu.memory_space<hbm>>) dst(%arg8 : memref<640x32xf32, #tpu.memory_space<vmem>>)
    %add3A_62 = arith.constant 1280 : i32
    %add3A_63 = arith.addi %mul3A_2, %add3A_62 : i32
    %dma_start3A_64 = arith.constant 0 : i32
    %dma_start3A_65 = tpu.memref_slice %arg4[%add3A_63, %dma_start3A_64] : memref<819200x32xf32, #tpu.memory_space<hbm>> -> memref<640x32xf32, #tpu.memory_space<hbm>>
    %dma_start3A_66 = arith.constant 0 : i32
    %dma_start3A_67 = tpu.memref_slice %arg4[%add3A_63, %dma_start3A_66] : memref<819200x32xf32, #tpu.memory_space<hbm>> -> memref<640x32xf32, #tpu.memory_space<hbm>>
    tpu.enqueue_dma source(%arg8 : memref<640x32xf32, #tpu.memory_space<vmem>>) target(%dma_start3A_67 : memref<640x32xf32, #tpu.memory_space<hbm>>) target_semaphore(%arg17 : memref<!tpu.dma_semaphore, #tpu.memory_space<semaphore_mem>>)
    %dma_wait3A_68 = arith.constant 0 : i32
    %dma_wait3A_69 = tpu.memref_slice %arg4[%add3A_43, %dma_wait3A_68] : memref<819200x32xf32, #tpu.memory_space<hbm>> -> memref<640x32xf32, #tpu.memory_space<hbm>>
    %dma_wait3A_70 = arith.constant 0 : i32
    %dma_wait3A_71 = tpu.memref_slice %arg4[%add3A_43, %dma_wait3A_70] : memref<819200x32xf32, #tpu.memory_space<hbm>> -> memref<640x32xf32, #tpu.memory_space<hbm>>
    tpu.wait_dma2 semaphore(%arg16 : memref<!tpu.dma_semaphore, #tpu.memory_space<semaphore_mem>>) src(%arg7 : memref<640x32xf32, #tpu.memory_space<vmem>>) dst(%dma_wait3A_71 : memref<640x32xf32, #tpu.memory_space<hbm>>)
    %dma_start3A_72 = arith.constant 3840 : i32
    %dma_start3A_73 = tpu.memref_slice %arg5[%dma_start3A_72] : memref<25600xi32, #tpu.memory_space<vmem>> -> memref<640xi32, #tpu.memory_space<vmem>>
    %dma_start3A_74 = arith.constant 0 : i32
    %dma_start3A_75 = arith.constant 0 : i32
    %dma_start3A_76 = tpu.memref_slice %arg3[%dma_start3A_74, %dma_start3A_75] : memref<1000000x32xf32, #tpu.memory_space<hbm>> -> memref<1000000x32xf32, #tpu.memory_space<hbm>>
    tpu.enqueue_indirect_dma source(%dma_start3A_76 : memref<1000000x32xf32, #tpu.memory_space<hbm>>) target(%arg7 : memref<640x32xf32, #tpu.memory_space<vmem>>) offsets(%dma_start3A_73 : memref<640xi32, #tpu.memory_space<vmem>>) semaphore(%arg13 : memref<!tpu.dma_semaphore, #tpu.memory_space<semaphore_mem>>)
    %dma_wait3A_77 = arith.constant 1920 : i32
    %dma_wait3A_78 = tpu.memref_slice %arg5[%dma_wait3A_77] : memref<25600xi32, #tpu.memory_space<vmem>> -> memref<640xi32, #tpu.memory_space<vmem>>
    %dma_wait3A_79 = arith.constant 0 : i32
    %dma_wait3A_80 = arith.constant 0 : i32
    %dma_wait3A_81 = tpu.memref_slice %arg3[%dma_wait3A_79, %dma_wait3A_80] : memref<1000000x32xf32, #tpu.memory_space<hbm>> -> memref<1000000x32xf32, #tpu.memory_space<hbm>>
    tpu.wait_indirect_dma semaphore(%arg14 : memref<!tpu.dma_semaphore, #tpu.memory_space<semaphore_mem>>) src(%dma_wait3A_81 : memref<1000000x32xf32, #tpu.memory_space<hbm>>) dst(%arg9 : memref<640x32xf32, #tpu.memory_space<vmem>>)
    %add3A_82 = arith.constant 1920 : i32
    %add3A_83 = arith.addi %mul3A_2, %add3A_82 : i32
    %dma_start3A_84 = arith.constant 0 : i32
    %dma_start3A_85 = tpu.memref_slice %arg4[%add3A_83, %dma_start3A_84] : memref<819200x32xf32, #tpu.memory_space<hbm>> -> memref<640x32xf32, #tpu.memory_space<hbm>>
    %dma_start3A_86 = arith.constant 0 : i32
    %dma_start3A_87 = tpu.memref_slice %arg4[%add3A_83, %dma_start3A_86] : memref<819200x32xf32, #tpu.memory_space<hbm>> -> memref<640x32xf32, #tpu.memory_space<hbm>>
    tpu.enqueue_dma source(%arg9 : memref<640x32xf32, #tpu.memory_space<vmem>>) target(%dma_start3A_87 : memref<640x32xf32, #tpu.memory_space<hbm>>) target_semaphore(%arg18 : memref<!tpu.dma_semaphore, #tpu.memory_space<semaphore_mem>>)
    %dma_wait3A_88 = arith.constant 0 : i32
    %dma_wait3A_89 = tpu.memref_slice %arg4[%add3A_63, %dma_wait3A_88] : memref<819200x32xf32, #tpu.memory_space<hbm>> -> memref<640x32xf32, #tpu.memory_space<hbm>>
    %dma_wait3A_90 = arith.constant 0 : i32
    %dma_wait3A_91 = tpu.memref_slice %arg4[%add3A_63, %dma_wait3A_90] : memref<819200x32xf32, #tpu.memory_space<hbm>> -> memref<640x32xf32, #tpu.memory_space<hbm>>
    tpu.wait_dma2 semaphore(%arg17 : memref<!tpu.dma_semaphore, #tpu.memory_space<semaphore_mem>>) src(%arg8 : memref<640x32xf32, #tpu.memory_space<vmem>>) dst(%dma_wait3A_91 : memref<640x32xf32, #tpu.memory_space<hbm>>)
    %dma_start3A_92 = arith.constant 4480 : i32
    %dma_start3A_93 = tpu.memref_slice %arg5[%dma_start3A_92] : memref<25600xi32, #tpu.memory_space<vmem>> -> memref<640xi32, #tpu.memory_space<vmem>>
    %dma_start3A_94 = arith.constant 0 : i32
    %dma_start3A_95 = arith.constant 0 : i32
    %dma_start3A_96 = tpu.memref_slice %arg3[%dma_start3A_94, %dma_start3A_95] : memref<1000000x32xf32, #tpu.memory_space<hbm>> -> memref<1000000x32xf32, #tpu.memory_space<hbm>>
    tpu.enqueue_indirect_dma source(%dma_start3A_96 : memref<1000000x32xf32, #tpu.memory_space<hbm>>) target(%arg8 : memref<640x32xf32, #tpu.memory_space<vmem>>) offsets(%dma_start3A_93 : memref<640xi32, #tpu.memory_space<vmem>>) semaphore(%arg14 : memref<!tpu.dma_semaphore, #tpu.memory_space<semaphore_mem>>)
    %dma_wait3A_97 = arith.constant 2560 : i32
    %dma_wait3A_98 = tpu.memref_slice %arg5[%dma_wait3A_97] : memref<25600xi32, #tpu.memory_space<vmem>> -> memref<640xi32, #tpu.memory_space<vmem>>
    %dma_wait3A_99 = arith.constant 0 : i32
    %dma_wait3A_100 = arith.constant 0 : i32
    %dma_wait3A_101 = tpu.memref_slice %arg3[%dma_wait3A_99, %dma_wait3A_100] : memref<1000000x32xf32, #tpu.memory_space<hbm>> -> memref<1000000x32xf32, #tpu.memory_space<hbm>>
    tpu.wait_indirect_dma semaphore(%arg11 : memref<!tpu.dma_semaphore, #tpu.memory_space<semaphore_mem>>) src(%dma_wait3A_101 : memref<1000000x32xf32, #tpu.memory_space<hbm>>) dst(%arg10 : memref<640x32xf32, #tpu.memory_space<vmem>>)
    %add3A_102 = arith.constant 2560 : i32
    %add3A_103 = arith.addi %mul3A_2, %add3A_102 : i32
    %dma_start3A_104 = arith.constant 0 : i32
    %dma_start3A_105 = tpu.memref_slice %arg4[%add3A_103, %dma_start3A_104] : memref<819200x32xf32, #tpu.memory_space<hbm>> -> memref<640x32xf32, #tpu.memory_space<hbm>>
    %dma_start3A_106 = arith.constant 0 : i32
    %dma_start3A_107 = tpu.memref_slice %arg4[%add3A_103, %dma_start3A_106] : memref<819200x32xf32, #tpu.memory_space<hbm>> -> memref<640x32xf32, #tpu.memory_space<hbm>>
    tpu.enqueue_dma source(%arg10 : memref<640x32xf32, #tpu.memory_space<vmem>>) target(%dma_start3A_107 : memref<640x32xf32, #tpu.memory_space<hbm>>) target_semaphore(%arg19 : memref<!tpu.dma_semaphore, #tpu.memory_space<semaphore_mem>>)
    %dma_wait3A_108 = arith.constant 0 : i32
    %dma_wait3A_109 = tpu.memref_slice %arg4[%add3A_83, %dma_wait3A_108] : memref<819200x32xf32, #tpu.memory_space<hbm>> -> memref<640x32xf32, #tpu.memory_space<hbm>>
    %dma_wait3A_110 = arith.constant 0 : i32
    %dma_wait3A_111 = tpu.memref_slice %arg4[%add3A_83, %dma_wait3A_110] : memref<819200x32xf32, #tpu.memory_space<hbm>> -> memref<640x32xf32, #tpu.memory_space<hbm>>
    tpu.wait_dma2 semaphore(%arg18 : memref<!tpu.dma_semaphore, #tpu.memory_space<semaphore_mem>>) src(%arg9 : memref<640x32xf32, #tpu.memory_space<vmem>>) dst(%dma_wait3A_111 : memref<640x32xf32, #tpu.memory_space<hbm>>)
    %dma_start3A_112 = arith.constant 5120 : i32
    %dma_start3A_113 = tpu.memref_slice %arg5[%dma_start3A_112] : memref<25600xi32, #tpu.memory_space<vmem>> -> memref<640xi32, #tpu.memory_space<vmem>>
    %dma_start3A_114 = arith.constant 0 : i32
    %dma_start3A_115 = arith.constant 0 : i32
    %dma_start3A_116 = tpu.memref_slice %arg3[%dma_start3A_114, %dma_start3A_115] : memref<1000000x32xf32, #tpu.memory_space<hbm>> -> memref<1000000x32xf32, #tpu.memory_space<hbm>>
    tpu.enqueue_indirect_dma source(%dma_start3A_116 : memref<1000000x32xf32, #tpu.memory_space<hbm>>) target(%arg9 : memref<640x32xf32, #tpu.memory_space<vmem>>) offsets(%dma_start3A_113 : memref<640xi32, #tpu.memory_space<vmem>>) semaphore(%arg11 : memref<!tpu.dma_semaphore, #tpu.memory_space<semaphore_mem>>)
    %dma_wait3A_117 = arith.constant 3200 : i32
    %dma_wait3A_118 = tpu.memref_slice %arg5[%dma_wait3A_117] : memref<25600xi32, #tpu.memory_space<vmem>> -> memref<640xi32, #tpu.memory_space<vmem>>
    %dma_wait3A_119 = arith.constant 0 : i32
    %dma_wait3A_120 = arith.constant 0 : i32
    %dma_wait3A_121 = tpu.memref_slice %arg3[%dma_wait3A_119, %dma_wait3A_120] : memref<1000000x32xf32, #tpu.memory_space<hbm>> -> memref<1000000x32xf32, #tpu.memory_space<hbm>>
    tpu.wait_indirect_dma semaphore(%arg12 : memref<!tpu.dma_semaphore, #tpu.memory_space<semaphore_mem>>) src(%dma_wait3A_121 : memref<1000000x32xf32, #tpu.memory_space<hbm>>) dst(%arg6 : memref<640x32xf32, #tpu.memory_space<vmem>>)
    %add3A_122 = arith.constant 3200 : i32
    %add3A_123 = arith.addi %mul3A_2, %add3A_122 : i32
    %dma_start3A_124 = arith.constant 0 : i32
    %dma_start3A_125 = tpu.memref_slice %arg4[%add3A_123, %dma_start3A_124] : memref<819200x32xf32, #tpu.memory_space<hbm>> -> memref<640x32xf32, #tpu.memory_space<hbm>>
    %dma_start3A_126 = arith.constant 0 : i32
    %dma_start3A_127 = tpu.memref_slice %arg4[%add3A_123, %dma_start3A_126] : memref<819200x32xf32, #tpu.memory_space<hbm>> -> memref<640x32xf32, #tpu.memory_space<hbm>>
    tpu.enqueue_dma source(%arg6 : memref<640x32xf32, #tpu.memory_space<vmem>>) target(%dma_start3A_127 : memref<640x32xf32, #tpu.memory_space<hbm>>) target_semaphore(%arg15 : memref<!tpu.dma_semaphore, #tpu.memory_space<semaphore_mem>>)
    %dma_wait3A_128 = arith.constant 0 : i32
    %dma_wait3A_129 = tpu.memref_slice %arg4[%add3A_103, %dma_wait3A_128] : memref<819200x32xf32, #tpu.memory_space<hbm>> -> memref<640x32xf32, #tpu.memory_space<hbm>>
    %dma_wait3A_130 = arith.constant 0 : i32
    %dma_wait3A_131 = tpu.memref_slice %arg4[%add3A_103, %dma_wait3A_130] : memref<819200x32xf32, #tpu.memory_space<hbm>> -> memref<640x32xf32, #tpu.memory_space<hbm>>
    tpu.wait_dma2 semaphore(%arg19 : memref<!tpu.dma_semaphore, #tpu.memory_space<semaphore_mem>>) src(%arg10 : memref<640x32xf32, #tpu.memory_space<vmem>>) dst(%dma_wait3A_131 : memref<640x32xf32, #tpu.memory_space<hbm>>)
    %dma_start3A_132 = arith.constant 5760 : i32
    %dma_start3A_133 = tpu.memref_slice %arg5[%dma_start3A_132] : memref<25600xi32, #tpu.memory_space<vmem>> -> memref<640xi32, #tpu.memory_space<vmem>>
    %dma_start3A_134 = arith.constant 0 : i32
    %dma_start3A_135 = arith.constant 0 : i32
    %dma_start3A_136 = tpu.memref_slice %arg3[%dma_start3A_134, %dma_start3A_135] : memref<1000000x32xf32, #tpu.memory_space<hbm>> -> memref<1000000x32xf32, #tpu.memory_space<hbm>>
    tpu.enqueue_indirect_dma source(%dma_start3A_136 : memref<1000000x32xf32, #tpu.memory_space<hbm>>) target(%arg10 : memref<640x32xf32, #tpu.memory_space<vmem>>) offsets(%dma_start3A_133 : memref<640xi32, #tpu.memory_space<vmem>>) semaphore(%arg12 : memref<!tpu.dma_semaphore, #tpu.memory_space<semaphore_mem>>)
    %dma_wait3A_137 = arith.constant 3840 : i32
    %dma_wait3A_138 = tpu.memref_slice %arg5[%dma_wait3A_137] : memref<25600xi32, #tpu.memory_space<vmem>> -> memref<640xi32, #tpu.memory_space<vmem>>
    %dma_wait3A_139 = arith.constant 0 : i32
    %dma_wait3A_140 = arith.constant 0 : i32
    %dma_wait3A_141 = tpu.memref_slice %arg3[%dma_wait3A_139, %dma_wait3A_140] : memref<1000000x32xf32, #tpu.memory_space<hbm>> -> memref<1000000x32xf32, #tpu.memory_space<hbm>>
    tpu.wait_indirect_dma semaphore(%arg13 : memref<!tpu.dma_semaphore, #tpu.memory_space<semaphore_mem>>) src(%dma_wait3A_141 : memref<1000000x32xf32, #tpu.memory_space<hbm>>) dst(%arg7 : memref<640x32xf32, #tpu.memory_space<vmem>>)
    %add3A_142 = arith.constant 3840 : i32
    %add3A_143 = arith.addi %mul3A_2, %add3A_142 : i32
    %dma_start3A_144 = arith.constant 0 : i32
    %dma_start3A_145 = tpu.memref_slice %arg4[%add3A_143, %dma_start3A_144] : memref<819200x32xf32, #tpu.memory_space<hbm>> -> memref<640x32xf32, #tpu.memory_space<hbm>>
    %dma_start3A_146 = arith.constant 0 : i32
    %dma_start3A_147 = tpu.memref_slice %arg4[%add3A_143, %dma_start3A_146] : memref<819200x32xf32, #tpu.memory_space<hbm>> -> memref<640x32xf32, #tpu.memory_space<hbm>>
    tpu.enqueue_dma source(%arg7 : memref<640x32xf32, #tpu.memory_space<vmem>>) target(%dma_start3A_147 : memref<640x32xf32, #tpu.memory_space<hbm>>) target_semaphore(%arg16 : memref<!tpu.dma_semaphore, #tpu.memory_space<semaphore_mem>>)
    %dma_wait3A_148 = arith.constant 0 : i32
    %dma_wait3A_149 = tpu.memref_slice %arg4[%add3A_123, %dma_wait3A_148] : memref<819200x32xf32, #tpu.memory_space<hbm>> -> memref<640x32xf32, #tpu.memory_space<hbm>>
    %dma_wait3A_150 = arith.constant 0 : i32
    %dma_wait3A_151 = tpu.memref_slice %arg4[%add3A_123, %dma_wait3A_150] : memref<819200x32xf32, #tpu.memory_space<hbm>> -> memref<640x32xf32, #tpu.memory_space<hbm>>
    tpu.wait_dma2 semaphore(%arg15 : memref<!tpu.dma_semaphore, #tpu.memory_space<semaphore_mem>>) src(%arg6 : memref<640x32xf32, #tpu.memory_space<vmem>>) dst(%dma_wait3A_151 : memref<640x32xf32, #tpu.memory_space<hbm>>)
    %dma_start3A_152 = arith.constant 6400 : i32
    %dma_start3A_153 = tpu.memref_slice %arg5[%dma_start3A_152] : memref<25600xi32, #tpu.memory_space<vmem>> -> memref<640xi32, #tpu.memory_space<vmem>>
    %dma_start3A_154 = arith.constant 0 : i32
    %dma_start3A_155 = arith.constant 0 : i32
    %dma_start3A_156 = tpu.memref_slice %arg3[%dma_start3A_154, %dma_start3A_155] : memref<1000000x32xf32, #tpu.memory_space<hbm>> -> memref<1000000x32xf32, #tpu.memory_space<hbm>>
    tpu.enqueue_indirect_dma source(%dma_start3A_156 : memref<1000000x32xf32, #tpu.memory_space<hbm>>) target(%arg6 : memref<640x32xf32, #tpu.memory_space<vmem>>) offsets(%dma_start3A_153 : memref<640xi32, #tpu.memory_space<vmem>>) semaphore(%arg13 : memref<!tpu.dma_semaphore, #tpu.memory_space<semaphore_mem>>)
    %dma_wait3A_157 = arith.constant 4480 : i32
    %dma_wait3A_158 = tpu.memref_slice %arg5[%dma_wait3A_157] : memref<25600xi32, #tpu.memory_space<vmem>> -> memref<640xi32, #tpu.memory_space<vmem>>
    %dma_wait3A_159 = arith.constant 0 : i32
    %dma_wait3A_160 = arith.constant 0 : i32
    %dma_wait3A_161 = tpu.memref_slice %arg3[%dma_wait3A_159, %dma_wait3A_160] : memref<1000000x32xf32, #tpu.memory_space<hbm>> -> memref<1000000x32xf32, #tpu.memory_space<hbm>>
    tpu.wait_indirect_dma semaphore(%arg14 : memref<!tpu.dma_semaphore, #tpu.memory_space<semaphore_mem>>) src(%dma_wait3A_161 : memref<1000000x32xf32, #tpu.memory_space<hbm>>) dst(%arg8 : memref<640x32xf32, #tpu.memory_space<vmem>>)
    %add3A_162 = arith.constant 4480 : i32
    %add3A_163 = arith.addi %mul3A_2, %add3A_162 : i32
    %dma_start3A_164 = arith.constant 0 : i32
    %dma_start3A_165 = tpu.memref_slice %arg4[%add3A_163, %dma_start3A_164] : memref<819200x32xf32, #tpu.memory_space<hbm>> -> memref<640x32xf32, #tpu.memory_space<hbm>>
    %dma_start3A_166 = arith.constant 0 : i32
    %dma_start3A_167 = tpu.memref_slice %arg4[%add3A_163, %dma_start3A_166] : memref<819200x32xf32, #tpu.memory_space<hbm>> -> memref<640x32xf32, #tpu.memory_space<hbm>>
    tpu.enqueue_dma source(%arg8 : memref<640x32xf32, #tpu.memory_space<vmem>>) target(%dma_start3A_167 : memref<640x32xf32, #tpu.memory_space<hbm>>) target_semaphore(%arg17 : memref<!tpu.dma_semaphore, #tpu.memory_space<semaphore_mem>>)
    %dma_wait3A_168 = arith.constant 0 : i32
    %dma_wait3A_169 = tpu.memref_slice %arg4[%add3A_143, %dma_wait3A_168] : memref<819200x32xf32, #tpu.memory_space<hbm>> -> memref<640x32xf32, #tpu.memory_space<hbm>>
    %dma_wait3A_170 = arith.constant 0 : i32
    %dma_wait3A_171 = tpu.memref_slice %arg4[%add3A_143, %dma_wait3A_170] : memref<819200x32xf32, #tpu.memory_space<hbm>> -> memref<640x32xf32, #tpu.memory_space<hbm>>
    tpu.wait_dma2 semaphore(%arg16 : memref<!tpu.dma_semaphore, #tpu.memory_space<semaphore_mem>>) src(%arg7 : memref<640x32xf32, #tpu.memory_space<vmem>>) dst(%dma_wait3A_171 : memref<640x32xf32, #tpu.memory_space<hbm>>)
    %dma_start3A_172 = arith.constant 7040 : i32
    %dma_start3A_173 = tpu.memref_slice %arg5[%dma_start3A_172] : memref<25600xi32, #tpu.memory_space<vmem>> -> memref<640xi32, #tpu.memory_space<vmem>>
    %dma_start3A_174 = arith.constant 0 : i32
    %dma_start3A_175 = arith.constant 0 : i32
    %dma_start3A_176 = tpu.memref_slice %arg3[%dma_start3A_174, %dma_start3A_175] : memref<1000000x32xf32, #tpu.memory_space<hbm>> -> memref<1000000x32xf32, #tpu.memory_space<hbm>>
    tpu.enqueue_indirect_dma source(%dma_start3A_176 : memref<1000000x32xf32, #tpu.memory_space<hbm>>) target(%arg7 : memref<640x32xf32, #tpu.memory_space<vmem>>) offsets(%dma_start3A_173 : memref<640xi32, #tpu.memory_space<vmem>>) semaphore(%arg14 : memref<!tpu.dma_semaphore, #tpu.memory_space<semaphore_mem>>)
    %dma_wait3A_177 = arith.constant 5120 : i32
    %dma_wait3A_178 = tpu.memref_slice %arg5[%dma_wait3A_177] : memref<25600xi32, #tpu.memory_space<vmem>> -> memref<640xi32, #tpu.memory_space<vmem>>
    %dma_wait3A_179 = arith.constant 0 : i32
    %dma_wait3A_180 = arith.constant 0 : i32
    %dma_wait3A_181 = tpu.memref_slice %arg3[%dma_wait3A_179, %dma_wait3A_180] : memref<1000000x32xf32, #tpu.memory_space<hbm>> -> memref<1000000x32xf32, #tpu.memory_space<hbm>>
    tpu.wait_indirect_dma semaphore(%arg11 : memref<!tpu.dma_semaphore, #tpu.memory_space<semaphore_mem>>) src(%dma_wait3A_181 : memref<1000000x32xf32, #tpu.memory_space<hbm>>) dst(%arg9 : memref<640x32xf32, #tpu.memory_space<vmem>>)
    %add3A_182 = arith.constant 5120 : i32
    %add3A_183 = arith.addi %mul3A_2, %add3A_182 : i32
    %dma_start3A_184 = arith.constant 0 : i32
    %dma_start3A_185 = tpu.memref_slice %arg4[%add3A_183, %dma_start3A_184] : memref<819200x32xf32, #tpu.memory_space<hbm>> -> memref<640x32xf32, #tpu.memory_space<hbm>>
    %dma_start3A_186 = arith.constant 0 : i32
    %dma_start3A_187 = tpu.memref_slice %arg4[%add3A_183, %dma_start3A_186] : memref<819200x32xf32, #tpu.memory_space<hbm>> -> memref<640x32xf32, #tpu.memory_space<hbm>>
    tpu.enqueue_dma source(%arg9 : memref<640x32xf32, #tpu.memory_space<vmem>>) target(%dma_start3A_187 : memref<640x32xf32, #tpu.memory_space<hbm>>) target_semaphore(%arg18 : memref<!tpu.dma_semaphore, #tpu.memory_space<semaphore_mem>>)
    %dma_wait3A_188 = arith.constant 0 : i32
    %dma_wait3A_189 = tpu.memref_slice %arg4[%add3A_163, %dma_wait3A_188] : memref<819200x32xf32, #tpu.memory_space<hbm>> -> memref<640x32xf32, #tpu.memory_space<hbm>>
    %dma_wait3A_190 = arith.constant 0 : i32
    %dma_wait3A_191 = tpu.memref_slice %arg4[%add3A_163, %dma_wait3A_190] : memref<819200x32xf32, #tpu.memory_space<hbm>> -> memref<640x32xf32, #tpu.memory_space<hbm>>
    tpu.wait_dma2 semaphore(%arg17 : memref<!tpu.dma_semaphore, #tpu.memory_space<semaphore_mem>>) src(%arg8 : memref<640x32xf32, #tpu.memory_space<vmem>>) dst(%dma_wait3A_191 : memref<640x32xf32, #tpu.memory_space<hbm>>)
    %dma_start3A_192 = arith.constant 7680 : i32
    %dma_start3A_193 = tpu.memref_slice %arg5[%dma_start3A_192] : memref<25600xi32, #tpu.memory_space<vmem>> -> memref<640xi32, #tpu.memory_space<vmem>>
    %dma_start3A_194 = arith.constant 0 : i32
    %dma_start3A_195 = arith.constant 0 : i32
    %dma_start3A_196 = tpu.memref_slice %arg3[%dma_start3A_194, %dma_start3A_195] : memref<1000000x32xf32, #tpu.memory_space<hbm>> -> memref<1000000x32xf32, #tpu.memory_space<hbm>>
    tpu.enqueue_indirect_dma source(%dma_start3A_196 : memref<1000000x32xf32, #tpu.memory_space<hbm>>) target(%arg8 : memref<640x32xf32, #tpu.memory_space<vmem>>) offsets(%dma_start3A_193 : memref<640xi32, #tpu.memory_space<vmem>>) semaphore(%arg11 : memref<!tpu.dma_semaphore, #tpu.memory_space<semaphore_mem>>)
    %dma_wait3A_197 = arith.constant 5760 : i32
    %dma_wait3A_198 = tpu.memref_slice %arg5[%dma_wait3A_197] : memref<25600xi32, #tpu.memory_space<vmem>> -> memref<640xi32, #tpu.memory_space<vmem>>
    %dma_wait3A_199 = arith.constant 0 : i32
    %dma_wait3A_200 = arith.constant 0 : i32
    %dma_wait3A_201 = tpu.memref_slice %arg3[%dma_wait3A_199, %dma_wait3A_200] : memref<1000000x32xf32, #tpu.memory_space<hbm>> -> memref<1000000x32xf32, #tpu.memory_space<hbm>>
    tpu.wait_indirect_dma semaphore(%arg12 : memref<!tpu.dma_semaphore, #tpu.memory_space<semaphore_mem>>) src(%dma_wait3A_201 : memref<1000000x32xf32, #tpu.memory_space<hbm>>) dst(%arg10 : memref<640x32xf32, #tpu.memory_space<vmem>>)
    %add3A_202 = arith.constant 5760 : i32
    %add3A_203 = arith.addi %mul3A_2, %add3A_202 : i32
    %dma_start3A_204 = arith.constant 0 : i32
    %dma_start3A_205 = tpu.memref_slice %arg4[%add3A_203, %dma_start3A_204] : memref<819200x32xf32, #tpu.memory_space<hbm>> -> memref<640x32xf32, #tpu.memory_space<hbm>>
    %dma_start3A_206 = arith.constant 0 : i32
    %dma_start3A_207 = tpu.memref_slice %arg4[%add3A_203, %dma_start3A_206] : memref<819200x32xf32, #tpu.memory_space<hbm>> -> memref<640x32xf32, #tpu.memory_space<hbm>>
    tpu.enqueue_dma source(%arg10 : memref<640x32xf32, #tpu.memory_space<vmem>>) target(%dma_start3A_207 : memref<640x32xf32, #tpu.memory_space<hbm>>) target_semaphore(%arg19 : memref<!tpu.dma_semaphore, #tpu.memory_space<semaphore_mem>>)
    %dma_wait3A_208 = arith.constant 0 : i32
    %dma_wait3A_209 = tpu.memref_slice %arg4[%add3A_183, %dma_wait3A_208] : memref<819200x32xf32, #tpu.memory_space<hbm>> -> memref<640x32xf32, #tpu.memory_space<hbm>>
    %dma_wait3A_210 = arith.constant 0 : i32
    %dma_wait3A_211 = tpu.memref_slice %arg4[%add3A_183, %dma_wait3A_210] : memref<819200x32xf32, #tpu.memory_space<hbm>> -> memref<640x32xf32, #tpu.memory_space<hbm>>
    tpu.wait_dma2 semaphore(%arg18 : memref<!tpu.dma_semaphore, #tpu.memory_space<semaphore_mem>>) src(%arg9 : memref<640x32xf32, #tpu.memory_space<vmem>>) dst(%dma_wait3A_211 : memref<640x32xf32, #tpu.memory_space<hbm>>)
    %dma_start3A_212 = arith.constant 8320 : i32
    %dma_start3A_213 = tpu.memref_slice %arg5[%dma_start3A_212] : memref<25600xi32, #tpu.memory_space<vmem>> -> memref<640xi32, #tpu.memory_space<vmem>>
    %dma_start3A_214 = arith.constant 0 : i32
    %dma_start3A_215 = arith.constant 0 : i32
    %dma_start3A_216 = tpu.memref_slice %arg3[%dma_start3A_214, %dma_start3A_215] : memref<1000000x32xf32, #tpu.memory_space<hbm>> -> memref<1000000x32xf32, #tpu.memory_space<hbm>>
    tpu.enqueue_indirect_dma source(%dma_start3A_216 : memref<1000000x32xf32, #tpu.memory_space<hbm>>) target(%arg9 : memref<640x32xf32, #tpu.memory_space<vmem>>) offsets(%dma_start3A_213 : memref<640xi32, #tpu.memory_space<vmem>>) semaphore(%arg12 : memref<!tpu.dma_semaphore, #tpu.memory_space<semaphore_mem>>)
    %dma_wait3A_217 = arith.constant 6400 : i32
    %dma_wait3A_218 = tpu.memref_slice %arg5[%dma_wait3A_217] : memref<25600xi32, #tpu.memory_space<vmem>> -> memref<640xi32, #tpu.memory_space<vmem>>
    %dma_wait3A_219 = arith.constant 0 : i32
    %dma_wait3A_220 = arith.constant 0 : i32
    %dma_wait3A_221 = tpu.memref_slice %arg3[%dma_wait3A_219, %dma_wait3A_220] : memref<1000000x32xf32, #tpu.memory_space<hbm>> -> memref<1000000x32xf32, #tpu.memory_space<hbm>>
    tpu.wait_indirect_dma semaphore(%arg13 : memref<!tpu.dma_semaphore, #tpu.memory_space<semaphore_mem>>) src(%dma_wait3A_221 : memref<1000000x32xf32, #tpu.memory_space<hbm>>) dst(%arg6 : memref<640x32xf32, #tpu.memory_space<vmem>>)
    %add3A_222 = arith.constant 6400 : i32
    %add3A_223 = arith.addi %mul3A_2, %add3A_222 : i32
    %dma_start3A_224 = arith.constant 0 : i32
    %dma_start3A_225 = tpu.memref_slice %arg4[%add3A_223, %dma_start3A_224] : memref<819200x32xf32, #tpu.memory_space<hbm>> -> memref<640x32xf32, #tpu.memory_space<hbm>>
    %dma_start3A_226 = arith.constant 0 : i32
    %dma_start3A_227 = tpu.memref_slice %arg4[%add3A_223, %dma_start3A_226] : memref<819200x32xf32, #tpu.memory_space<hbm>> -> memref<640x32xf32, #tpu.memory_space<hbm>>
    tpu.enqueue_dma source(%arg6 : memref<640x32xf32, #tpu.memory_space<vmem>>) target(%dma_start3A_227 : memref<640x32xf32, #tpu.memory_space<hbm>>) target_semaphore(%arg15 : memref<!tpu.dma_semaphore, #tpu.memory_space<semaphore_mem>>)
    %dma_wait3A_228 = arith.constant 0 : i32
    %dma_wait3A_229 = tpu.memref_slice %arg4[%add3A_203, %dma_wait3A_228] : memref<819200x32xf32, #tpu.memory_space<hbm>> -> memref<640x32xf32, #tpu.memory_space<hbm>>
    %dma_wait3A_230 = arith.constant 0 : i32
    %dma_wait3A_231 = tpu.memref_slice %arg4[%add3A_203, %dma_wait3A_230] : memref<819200x32xf32, #tpu.memory_space<hbm>> -> memref<640x32xf32, #tpu.memory_space<hbm>>
    tpu.wait_dma2 semaphore(%arg19 : memref<!tpu.dma_semaphore, #tpu.memory_space<semaphore_mem>>) src(%arg10 : memref<640x32xf32, #tpu.memory_space<vmem>>) dst(%dma_wait3A_231 : memref<640x32xf32, #tpu.memory_space<hbm>>)
    %dma_start3A_232 = arith.constant 8960 : i32
    %dma_start3A_233 = tpu.memref_slice %arg5[%dma_start3A_232] : memref<25600xi32, #tpu.memory_space<vmem>> -> memref<640xi32, #tpu.memory_space<vmem>>
    %dma_start3A_234 = arith.constant 0 : i32
    %dma_start3A_235 = arith.constant 0 : i32
    %dma_start3A_236 = tpu.memref_slice %arg3[%dma_start3A_234, %dma_start3A_235] : memref<1000000x32xf32, #tpu.memory_space<hbm>> -> memref<1000000x32xf32, #tpu.memory_space<hbm>>
    tpu.enqueue_indirect_dma source(%dma_start3A_236 : memref<1000000x32xf32, #tpu.memory_space<hbm>>) target(%arg10 : memref<640x32xf32, #tpu.memory_space<vmem>>) offsets(%dma_start3A_233 : memref<640xi32, #tpu.memory_space<vmem>>) semaphore(%arg13 : memref<!tpu.dma_semaphore, #tpu.memory_space<semaphore_mem>>)
    %dma_wait3A_237 = arith.constant 7040 : i32
    %dma_wait3A_238 = tpu.memref_slice %arg5[%dma_wait3A_237] : memref<25600xi32, #tpu.memory_space<vmem>> -> memref<640xi32, #tpu.memory_space<vmem>>
    %dma_wait3A_239 = arith.constant 0 : i32
    %dma_wait3A_240 = arith.constant 0 : i32
    %dma_wait3A_241 = tpu.memref_slice %arg3[%dma_wait3A_239, %dma_wait3A_240] : memref<1000000x32xf32, #tpu.memory_space<hbm>> -> memref<1000000x32xf32, #tpu.memory_space<hbm>>
    tpu.wait_indirect_dma semaphore(%arg14 : memref<!tpu.dma_semaphore, #tpu.memory_space<semaphore_mem>>) src(%dma_wait3A_241 : memref<1000000x32xf32, #tpu.memory_space<hbm>>) dst(%arg7 : memref<640x32xf32, #tpu.memory_space<vmem>>)
    %add3A_242 = arith.constant 7040 : i32
    %add3A_243 = arith.addi %mul3A_2, %add3A_242 : i32
    %dma_start3A_244 = arith.constant 0 : i32
    %dma_start3A_245 = tpu.memref_slice %arg4[%add3A_243, %dma_start3A_244] : memref<819200x32xf32, #tpu.memory_space<hbm>> -> memref<640x32xf32, #tpu.memory_space<hbm>>
    %dma_start3A_246 = arith.constant 0 : i32
    %dma_start3A_247 = tpu.memref_slice %arg4[%add3A_243, %dma_start3A_246] : memref<819200x32xf32, #tpu.memory_space<hbm>> -> memref<640x32xf32, #tpu.memory_space<hbm>>
    tpu.enqueue_dma source(%arg7 : memref<640x32xf32, #tpu.memory_space<vmem>>) target(%dma_start3A_247 : memref<640x32xf32, #tpu.memory_space<hbm>>) target_semaphore(%arg16 : memref<!tpu.dma_semaphore, #tpu.memory_space<semaphore_mem>>)
    %dma_wait3A_248 = arith.constant 0 : i32
    %dma_wait3A_249 = tpu.memref_slice %arg4[%add3A_223, %dma_wait3A_248] : memref<819200x32xf32, #tpu.memory_space<hbm>> -> memref<640x32xf32, #tpu.memory_space<hbm>>
    %dma_wait3A_250 = arith.constant 0 : i32
    %dma_wait3A_251 = tpu.memref_slice %arg4[%add3A_223, %dma_wait3A_250] : memref<819200x32xf32, #tpu.memory_space<hbm>> -> memref<640x32xf32, #tpu.memory_space<hbm>>
    tpu.wait_dma2 semaphore(%arg15 : memref<!tpu.dma_semaphore, #tpu.memory_space<semaphore_mem>>) src(%arg6 : memref<640x32xf32, #tpu.memory_space<vmem>>) dst(%dma_wait3A_251 : memref<640x32xf32, #tpu.memory_space<hbm>>)
    %dma_start3A_252 = arith.constant 9600 : i32
    %dma_start3A_253 = tpu.memref_slice %arg5[%dma_start3A_252] : memref<25600xi32, #tpu.memory_space<vmem>> -> memref<640xi32, #tpu.memory_space<vmem>>
    %dma_start3A_254 = arith.constant 0 : i32
    %dma_start3A_255 = arith.constant 0 : i32
    %dma_start3A_256 = tpu.memref_slice %arg3[%dma_start3A_254, %dma_start3A_255] : memref<1000000x32xf32, #tpu.memory_space<hbm>> -> memref<1000000x32xf32, #tpu.memory_space<hbm>>
    tpu.enqueue_indirect_dma source(%dma_start3A_256 : memref<1000000x32xf32, #tpu.memory_space<hbm>>) target(%arg6 : memref<640x32xf32, #tpu.memory_space<vmem>>) offsets(%dma_start3A_253 : memref<640xi32, #tpu.memory_space<vmem>>) semaphore(%arg14 : memref<!tpu.dma_semaphore, #tpu.memory_space<semaphore_mem>>)
    %dma_wait3A_257 = arith.constant 7680 : i32
    %dma_wait3A_258 = tpu.memref_slice %arg5[%dma_wait3A_257] : memref<25600xi32, #tpu.memory_space<vmem>> -> memref<640xi32, #tpu.memory_space<vmem>>
    %dma_wait3A_259 = arith.constant 0 : i32
    %dma_wait3A_260 = arith.constant 0 : i32
    %dma_wait3A_261 = tpu.memref_slice %arg3[%dma_wait3A_259, %dma_wait3A_260] : memref<1000000x32xf32, #tpu.memory_space<hbm>> -> memref<1000000x32xf32, #tpu.memory_space<hbm>>
    tpu.wait_indirect_dma semaphore(%arg11 : memref<!tpu.dma_semaphore, #tpu.memory_space<semaphore_mem>>) src(%dma_wait3A_261 : memref<1000000x32xf32, #tpu.memory_space<hbm>>) dst(%arg8 : memref<640x32xf32, #tpu.memory_space<vmem>>)
    %add3A_262 = arith.constant 7680 : i32
    %add3A_263 = arith.addi %mul3A_2, %add3A_262 : i32
    %dma_start3A_264 = arith.constant 0 : i32
    %dma_start3A_265 = tpu.memref_slice %arg4[%add3A_263, %dma_start3A_264] : memref<819200x32xf32, #tpu.memory_space<hbm>> -> memref<640x32xf32, #tpu.memory_space<hbm>>
    %dma_start3A_266 = arith.constant 0 : i32
    %dma_start3A_267 = tpu.memref_slice %arg4[%add3A_263, %dma_start3A_266] : memref<819200x32xf32, #tpu.memory_space<hbm>> -> memref<640x32xf32, #tpu.memory_space<hbm>>
    tpu.enqueue_dma source(%arg8 : memref<640x32xf32, #tpu.memory_space<vmem>>) target(%dma_start3A_267 : memref<640x32xf32, #tpu.memory_space<hbm>>) target_semaphore(%arg17 : memref<!tpu.dma_semaphore, #tpu.memory_space<semaphore_mem>>)
    %dma_wait3A_268 = arith.constant 0 : i32
    %dma_wait3A_269 = tpu.memref_slice %arg4[%add3A_243, %dma_wait3A_268] : memref<819200x32xf32, #tpu.memory_space<hbm>> -> memref<640x32xf32, #tpu.memory_space<hbm>>
    %dma_wait3A_270 = arith.constant 0 : i32
    %dma_wait3A_271 = tpu.memref_slice %arg4[%add3A_243, %dma_wait3A_270] : memref<819200x32xf32, #tpu.memory_space<hbm>> -> memref<640x32xf32, #tpu.memory_space<hbm>>
    tpu.wait_dma2 semaphore(%arg16 : memref<!tpu.dma_semaphore, #tpu.memory_space<semaphore_mem>>) src(%arg7 : memref<640x32xf32, #tpu.memory_space<vmem>>) dst(%dma_wait3A_271 : memref<640x32xf32, #tpu.memory_space<hbm>>)
    %dma_start3A_272 = arith.constant 10240 : i32
    %dma_start3A_273 = tpu.memref_slice %arg5[%dma_start3A_272] : memref<25600xi32, #tpu.memory_space<vmem>> -> memref<640xi32, #tpu.memory_space<vmem>>
    %dma_start3A_274 = arith.constant 0 : i32
    %dma_start3A_275 = arith.constant 0 : i32
    %dma_start3A_276 = tpu.memref_slice %arg3[%dma_start3A_274, %dma_start3A_275] : memref<1000000x32xf32, #tpu.memory_space<hbm>> -> memref<1000000x32xf32, #tpu.memory_space<hbm>>
    tpu.enqueue_indirect_dma source(%dma_start3A_276 : memref<1000000x32xf32, #tpu.memory_space<hbm>>) target(%arg7 : memref<640x32xf32, #tpu.memory_space<vmem>>) offsets(%dma_start3A_273 : memref<640xi32, #tpu.memory_space<vmem>>) semaphore(%arg11 : memref<!tpu.dma_semaphore, #tpu.memory_space<semaphore_mem>>)
    %dma_wait3A_277 = arith.constant 8320 : i32
    %dma_wait3A_278 = tpu.memref_slice %arg5[%dma_wait3A_277] : memref<25600xi32, #tpu.memory_space<vmem>> -> memref<640xi32, #tpu.memory_space<vmem>>
    %dma_wait3A_279 = arith.constant 0 : i32
    %dma_wait3A_280 = arith.constant 0 : i32
    %dma_wait3A_281 = tpu.memref_slice %arg3[%dma_wait3A_279, %dma_wait3A_280] : memref<1000000x32xf32, #tpu.memory_space<hbm>> -> memref<1000000x32xf32, #tpu.memory_space<hbm>>
    tpu.wait_indirect_dma semaphore(%arg12 : memref<!tpu.dma_semaphore, #tpu.memory_space<semaphore_mem>>) src(%dma_wait3A_281 : memref<1000000x32xf32, #tpu.memory_space<hbm>>) dst(%arg9 : memref<640x32xf32, #tpu.memory_space<vmem>>)
    %add3A_282 = arith.constant 8320 : i32
    %add3A_283 = arith.addi %mul3A_2, %add3A_282 : i32
    %dma_start3A_284 = arith.constant 0 : i32
    %dma_start3A_285 = tpu.memref_slice %arg4[%add3A_283, %dma_start3A_284] : memref<819200x32xf32, #tpu.memory_space<hbm>> -> memref<640x32xf32, #tpu.memory_space<hbm>>
    %dma_start3A_286 = arith.constant 0 : i32
    %dma_start3A_287 = tpu.memref_slice %arg4[%add3A_283, %dma_start3A_286] : memref<819200x32xf32, #tpu.memory_space<hbm>> -> memref<640x32xf32, #tpu.memory_space<hbm>>
    tpu.enqueue_dma source(%arg9 : memref<640x32xf32, #tpu.memory_space<vmem>>) target(%dma_start3A_287 : memref<640x32xf32, #tpu.memory_space<hbm>>) target_semaphore(%arg18 : memref<!tpu.dma_semaphore, #tpu.memory_space<semaphore_mem>>)
    %dma_wait3A_288 = arith.constant 0 : i32
    %dma_wait3A_289 = tpu.memref_slice %arg4[%add3A_263, %dma_wait3A_288] : memref<819200x32xf32, #tpu.memory_space<hbm>> -> memref<640x32xf32, #tpu.memory_space<hbm>>
    %dma_wait3A_290 = arith.constant 0 : i32
    %dma_wait3A_291 = tpu.memref_slice %arg4[%add3A_263, %dma_wait3A_290] : memref<819200x32xf32, #tpu.memory_space<hbm>> -> memref<640x32xf32, #tpu.memory_space<hbm>>
    tpu.wait_dma2 semaphore(%arg17 : memref<!tpu.dma_semaphore, #tpu.memory_space<semaphore_mem>>) src(%arg8 : memref<640x32xf32, #tpu.memory_space<vmem>>) dst(%dma_wait3A_291 : memref<640x32xf32, #tpu.memory_space<hbm>>)
    %dma_start3A_292 = arith.constant 10880 : i32
    %dma_start3A_293 = tpu.memref_slice %arg5[%dma_start3A_292] : memref<25600xi32, #tpu.memory_space<vmem>> -> memref<640xi32, #tpu.memory_space<vmem>>
    %dma_start3A_294 = arith.constant 0 : i32
    %dma_start3A_295 = arith.constant 0 : i32
    %dma_start3A_296 = tpu.memref_slice %arg3[%dma_start3A_294, %dma_start3A_295] : memref<1000000x32xf32, #tpu.memory_space<hbm>> -> memref<1000000x32xf32, #tpu.memory_space<hbm>>
    tpu.enqueue_indirect_dma source(%dma_start3A_296 : memref<1000000x32xf32, #tpu.memory_space<hbm>>) target(%arg8 : memref<640x32xf32, #tpu.memory_space<vmem>>) offsets(%dma_start3A_293 : memref<640xi32, #tpu.memory_space<vmem>>) semaphore(%arg12 : memref<!tpu.dma_semaphore, #tpu.memory_space<semaphore_mem>>)
    %dma_wait3A_297 = arith.constant 8960 : i32
    %dma_wait3A_298 = tpu.memref_slice %arg5[%dma_wait3A_297] : memref<25600xi32, #tpu.memory_space<vmem>> -> memref<640xi32, #tpu.memory_space<vmem>>
    %dma_wait3A_299 = arith.constant 0 : i32
    %dma_wait3A_300 = arith.constant 0 : i32
    %dma_wait3A_301 = tpu.memref_slice %arg3[%dma_wait3A_299, %dma_wait3A_300] : memref<1000000x32xf32, #tpu.memory_space<hbm>> -> memref<1000000x32xf32, #tpu.memory_space<hbm>>
    tpu.wait_indirect_dma semaphore(%arg13 : memref<!tpu.dma_semaphore, #tpu.memory_space<semaphore_mem>>) src(%dma_wait3A_301 : memref<1000000x32xf32, #tpu.memory_space<hbm>>) dst(%arg10 : memref<640x32xf32, #tpu.memory_space<vmem>>)
    %add3A_302 = arith.constant 8960 : i32
    %add3A_303 = arith.addi %mul3A_2, %add3A_302 : i32
    %dma_start3A_304 = arith.constant 0 : i32
    %dma_start3A_305 = tpu.memref_slice %arg4[%add3A_303, %dma_start3A_304] : memref<819200x32xf32, #tpu.memory_space<hbm>> -> memref<640x32xf32, #tpu.memory_space<hbm>>
    %dma_start3A_306 = arith.constant 0 : i32
    %dma_start3A_307 = tpu.memref_slice %arg4[%add3A_303, %dma_start3A_306] : memref<819200x32xf32, #tpu.memory_space<hbm>> -> memref<640x32xf32, #tpu.memory_space<hbm>>
    tpu.enqueue_dma source(%arg10 : memref<640x32xf32, #tpu.memory_space<vmem>>) target(%dma_start3A_307 : memref<640x32xf32, #tpu.memory_space<hbm>>) target_semaphore(%arg19 : memref<!tpu.dma_semaphore, #tpu.memory_space<semaphore_mem>>)
    %dma_wait3A_308 = arith.constant 0 : i32
    %dma_wait3A_309 = tpu.memref_slice %arg4[%add3A_283, %dma_wait3A_308] : memref<819200x32xf32, #tpu.memory_space<hbm>> -> memref<640x32xf32, #tpu.memory_space<hbm>>
    %dma_wait3A_310 = arith.constant 0 : i32
    %dma_wait3A_311 = tpu.memref_slice %arg4[%add3A_283, %dma_wait3A_310] : memref<819200x32xf32, #tpu.memory_space<hbm>> -> memref<640x32xf32, #tpu.memory_space<hbm>>
    tpu.wait_dma2 semaphore(%arg18 : memref<!tpu.dma_semaphore, #tpu.memory_space<semaphore_mem>>) src(%arg9 : memref<640x32xf32, #tpu.memory_space<vmem>>) dst(%dma_wait3A_311 : memref<640x32xf32, #tpu.memory_space<hbm>>)
    %dma_start3A_312 = arith.constant 11520 : i32
    %dma_start3A_313 = tpu.memref_slice %arg5[%dma_start3A_312] : memref<25600xi32, #tpu.memory_space<vmem>> -> memref<640xi32, #tpu.memory_space<vmem>>
    %dma_start3A_314 = arith.constant 0 : i32
    %dma_start3A_315 = arith.constant 0 : i32
    %dma_start3A_316 = tpu.memref_slice %arg3[%dma_start3A_314, %dma_start3A_315] : memref<1000000x32xf32, #tpu.memory_space<hbm>> -> memref<1000000x32xf32, #tpu.memory_space<hbm>>
    tpu.enqueue_indirect_dma source(%dma_start3A_316 : memref<1000000x32xf32, #tpu.memory_space<hbm>>) target(%arg9 : memref<640x32xf32, #tpu.memory_space<vmem>>) offsets(%dma_start3A_313 : memref<640xi32, #tpu.memory_space<vmem>>) semaphore(%arg13 : memref<!tpu.dma_semaphore, #tpu.memory_space<semaphore_mem>>)
    %dma_wait3A_317 = arith.constant 9600 : i32
    %dma_wait3A_318 = tpu.memref_slice %arg5[%dma_wait3A_317] : memref<25600xi32, #tpu.memory_space<vmem>> -> memref<640xi32, #tpu.memory_space<vmem>>
    %dma_wait3A_319 = arith.constant 0 : i32
    %dma_wait3A_320 = arith.constant 0 : i32
    %dma_wait3A_321 = tpu.memref_slice %arg3[%dma_wait3A_319, %dma_wait3A_320] : memref<1000000x32xf32, #tpu.memory_space<hbm>> -> memref<1000000x32xf32, #tpu.memory_space<hbm>>
    tpu.wait_indirect_dma semaphore(%arg14 : memref<!tpu.dma_semaphore, #tpu.memory_space<semaphore_mem>>) src(%dma_wait3A_321 : memref<1000000x32xf32, #tpu.memory_space<hbm>>) dst(%arg6 : memref<640x32xf32, #tpu.memory_space<vmem>>)
    %add3A_322 = arith.constant 9600 : i32
    %add3A_323 = arith.addi %mul3A_2, %add3A_322 : i32
    %dma_start3A_324 = arith.constant 0 : i32
    %dma_start3A_325 = tpu.memref_slice %arg4[%add3A_323, %dma_start3A_324] : memref<819200x32xf32, #tpu.memory_space<hbm>> -> memref<640x32xf32, #tpu.memory_space<hbm>>
    %dma_start3A_326 = arith.constant 0 : i32
    %dma_start3A_327 = tpu.memref_slice %arg4[%add3A_323, %dma_start3A_326] : memref<819200x32xf32, #tpu.memory_space<hbm>> -> memref<640x32xf32, #tpu.memory_space<hbm>>
    tpu.enqueue_dma source(%arg6 : memref<640x32xf32, #tpu.memory_space<vmem>>) target(%dma_start3A_327 : memref<640x32xf32, #tpu.memory_space<hbm>>) target_semaphore(%arg15 : memref<!tpu.dma_semaphore, #tpu.memory_space<semaphore_mem>>)
    %dma_wait3A_328 = arith.constant 0 : i32
    %dma_wait3A_329 = tpu.memref_slice %arg4[%add3A_303, %dma_wait3A_328] : memref<819200x32xf32, #tpu.memory_space<hbm>> -> memref<640x32xf32, #tpu.memory_space<hbm>>
    %dma_wait3A_330 = arith.constant 0 : i32
    %dma_wait3A_331 = tpu.memref_slice %arg4[%add3A_303, %dma_wait3A_330] : memref<819200x32xf32, #tpu.memory_space<hbm>> -> memref<640x32xf32, #tpu.memory_space<hbm>>
    tpu.wait_dma2 semaphore(%arg19 : memref<!tpu.dma_semaphore, #tpu.memory_space<semaphore_mem>>) src(%arg10 : memref<640x32xf32, #tpu.memory_space<vmem>>) dst(%dma_wait3A_331 : memref<640x32xf32, #tpu.memory_space<hbm>>)
    %dma_start3A_332 = arith.constant 12160 : i32
    %dma_start3A_333 = tpu.memref_slice %arg5[%dma_start3A_332] : memref<25600xi32, #tpu.memory_space<vmem>> -> memref<640xi32, #tpu.memory_space<vmem>>
    %dma_start3A_334 = arith.constant 0 : i32
    %dma_start3A_335 = arith.constant 0 : i32
    %dma_start3A_336 = tpu.memref_slice %arg3[%dma_start3A_334, %dma_start3A_335] : memref<1000000x32xf32, #tpu.memory_space<hbm>> -> memref<1000000x32xf32, #tpu.memory_space<hbm>>
    tpu.enqueue_indirect_dma source(%dma_start3A_336 : memref<1000000x32xf32, #tpu.memory_space<hbm>>) target(%arg10 : memref<640x32xf32, #tpu.memory_space<vmem>>) offsets(%dma_start3A_333 : memref<640xi32, #tpu.memory_space<vmem>>) semaphore(%arg14 : memref<!tpu.dma_semaphore, #tpu.memory_space<semaphore_mem>>)
    %dma_wait3A_337 = arith.constant 10240 : i32
    %dma_wait3A_338 = tpu.memref_slice %arg5[%dma_wait3A_337] : memref<25600xi32, #tpu.memory_space<vmem>> -> memref<640xi32, #tpu.memory_space<vmem>>
    %dma_wait3A_339 = arith.constant 0 : i32
    %dma_wait3A_340 = arith.constant 0 : i32
    %dma_wait3A_341 = tpu.memref_slice %arg3[%dma_wait3A_339, %dma_wait3A_340] : memref<1000000x32xf32, #tpu.memory_space<hbm>> -> memref<1000000x32xf32, #tpu.memory_space<hbm>>
    tpu.wait_indirect_dma semaphore(%arg11 : memref<!tpu.dma_semaphore, #tpu.memory_space<semaphore_mem>>) src(%dma_wait3A_341 : memref<1000000x32xf32, #tpu.memory_space<hbm>>) dst(%arg7 : memref<640x32xf32, #tpu.memory_space<vmem>>)
    %add3A_342 = arith.constant 10240 : i32
    %add3A_343 = arith.addi %mul3A_2, %add3A_342 : i32
    %dma_start3A_344 = arith.constant 0 : i32
    %dma_start3A_345 = tpu.memref_slice %arg4[%add3A_343, %dma_start3A_344] : memref<819200x32xf32, #tpu.memory_space<hbm>> -> memref<640x32xf32, #tpu.memory_space<hbm>>
    %dma_start3A_346 = arith.constant 0 : i32
    %dma_start3A_347 = tpu.memref_slice %arg4[%add3A_343, %dma_start3A_346] : memref<819200x32xf32, #tpu.memory_space<hbm>> -> memref<640x32xf32, #tpu.memory_space<hbm>>
    tpu.enqueue_dma source(%arg7 : memref<640x32xf32, #tpu.memory_space<vmem>>) target(%dma_start3A_347 : memref<640x32xf32, #tpu.memory_space<hbm>>) target_semaphore(%arg16 : memref<!tpu.dma_semaphore, #tpu.memory_space<semaphore_mem>>)
    %dma_wait3A_348 = arith.constant 0 : i32
    %dma_wait3A_349 = tpu.memref_slice %arg4[%add3A_323, %dma_wait3A_348] : memref<819200x32xf32, #tpu.memory_space<hbm>> -> memref<640x32xf32, #tpu.memory_space<hbm>>
    %dma_wait3A_350 = arith.constant 0 : i32
    %dma_wait3A_351 = tpu.memref_slice %arg4[%add3A_323, %dma_wait3A_350] : memref<819200x32xf32, #tpu.memory_space<hbm>> -> memref<640x32xf32, #tpu.memory_space<hbm>>
    tpu.wait_dma2 semaphore(%arg15 : memref<!tpu.dma_semaphore, #tpu.memory_space<semaphore_mem>>) src(%arg6 : memref<640x32xf32, #tpu.memory_space<vmem>>) dst(%dma_wait3A_351 : memref<640x32xf32, #tpu.memory_space<hbm>>)
    %dma_start3A_352 = arith.constant 12800 : i32
    %dma_start3A_353 = tpu.memref_slice %arg5[%dma_start3A_352] : memref<25600xi32, #tpu.memory_space<vmem>> -> memref<640xi32, #tpu.memory_space<vmem>>
    %dma_start3A_354 = arith.constant 0 : i32
    %dma_start3A_355 = arith.constant 0 : i32
    %dma_start3A_356 = tpu.memref_slice %arg3[%dma_start3A_354, %dma_start3A_355] : memref<1000000x32xf32, #tpu.memory_space<hbm>> -> memref<1000000x32xf32, #tpu.memory_space<hbm>>
    tpu.enqueue_indirect_dma source(%dma_start3A_356 : memref<1000000x32xf32, #tpu.memory_space<hbm>>) target(%arg6 : memref<640x32xf32, #tpu.memory_space<vmem>>) offsets(%dma_start3A_353 : memref<640xi32, #tpu.memory_space<vmem>>) semaphore(%arg11 : memref<!tpu.dma_semaphore, #tpu.memory_space<semaphore_mem>>)
    %dma_wait3A_357 = arith.constant 10880 : i32
    %dma_wait3A_358 = tpu.memref_slice %arg5[%dma_wait3A_357] : memref<25600xi32, #tpu.memory_space<vmem>> -> memref<640xi32, #tpu.memory_space<vmem>>
    %dma_wait3A_359 = arith.constant 0 : i32
    %dma_wait3A_360 = arith.constant 0 : i32
    %dma_wait3A_361 = tpu.memref_slice %arg3[%dma_wait3A_359, %dma_wait3A_360] : memref<1000000x32xf32, #tpu.memory_space<hbm>> -> memref<1000000x32xf32, #tpu.memory_space<hbm>>
    tpu.wait_indirect_dma semaphore(%arg12 : memref<!tpu.dma_semaphore, #tpu.memory_space<semaphore_mem>>) src(%dma_wait3A_361 : memref<1000000x32xf32, #tpu.memory_space<hbm>>) dst(%arg8 : memref<640x32xf32, #tpu.memory_space<vmem>>)
    %add3A_362 = arith.constant 10880 : i32
    %add3A_363 = arith.addi %mul3A_2, %add3A_362 : i32
    %dma_start3A_364 = arith.constant 0 : i32
    %dma_start3A_365 = tpu.memref_slice %arg4[%add3A_363, %dma_start3A_364] : memref<819200x32xf32, #tpu.memory_space<hbm>> -> memref<640x32xf32, #tpu.memory_space<hbm>>
    %dma_start3A_366 = arith.constant 0 : i32
    %dma_start3A_367 = tpu.memref_slice %arg4[%add3A_363, %dma_start3A_366] : memref<819200x32xf32, #tpu.memory_space<hbm>> -> memref<640x32xf32, #tpu.memory_space<hbm>>
    tpu.enqueue_dma source(%arg8 : memref<640x32xf32, #tpu.memory_space<vmem>>) target(%dma_start3A_367 : memref<640x32xf32, #tpu.memory_space<hbm>>) target_semaphore(%arg17 : memref<!tpu.dma_semaphore, #tpu.memory_space<semaphore_mem>>)
    %dma_wait3A_368 = arith.constant 0 : i32
    %dma_wait3A_369 = tpu.memref_slice %arg4[%add3A_343, %dma_wait3A_368] : memref<819200x32xf32, #tpu.memory_space<hbm>> -> memref<640x32xf32, #tpu.memory_space<hbm>>
    %dma_wait3A_370 = arith.constant 0 : i32
    %dma_wait3A_371 = tpu.memref_slice %arg4[%add3A_343, %dma_wait3A_370] : memref<819200x32xf32, #tpu.memory_space<hbm>> -> memref<640x32xf32, #tpu.memory_space<hbm>>
    tpu.wait_dma2 semaphore(%arg16 : memref<!tpu.dma_semaphore, #tpu.memory_space<semaphore_mem>>) src(%arg7 : memref<640x32xf32, #tpu.memory_space<vmem>>) dst(%dma_wait3A_371 : memref<640x32xf32, #tpu.memory_space<hbm>>)
    %dma_start3A_372 = arith.constant 13440 : i32
    %dma_start3A_373 = tpu.memref_slice %arg5[%dma_start3A_372] : memref<25600xi32, #tpu.memory_space<vmem>> -> memref<640xi32, #tpu.memory_space<vmem>>
    %dma_start3A_374 = arith.constant 0 : i32
    %dma_start3A_375 = arith.constant 0 : i32
    %dma_start3A_376 = tpu.memref_slice %arg3[%dma_start3A_374, %dma_start3A_375] : memref<1000000x32xf32, #tpu.memory_space<hbm>> -> memref<1000000x32xf32, #tpu.memory_space<hbm>>
    tpu.enqueue_indirect_dma source(%dma_start3A_376 : memref<1000000x32xf32, #tpu.memory_space<hbm>>) target(%arg7 : memref<640x32xf32, #tpu.memory_space<vmem>>) offsets(%dma_start3A_373 : memref<640xi32, #tpu.memory_space<vmem>>) semaphore(%arg12 : memref<!tpu.dma_semaphore, #tpu.memory_space<semaphore_mem>>)
    %dma_wait3A_377 = arith.constant 11520 : i32
    %dma_wait3A_378 = tpu.memref_slice %arg5[%dma_wait3A_377] : memref<25600xi32, #tpu.memory_space<vmem>> -> memref<640xi32, #tpu.memory_space<vmem>>
    %dma_wait3A_379 = arith.constant 0 : i32
    %dma_wait3A_380 = arith.constant 0 : i32
    %dma_wait3A_381 = tpu.memref_slice %arg3[%dma_wait3A_379, %dma_wait3A_380] : memref<1000000x32xf32, #tpu.memory_space<hbm>> -> memref<1000000x32xf32, #tpu.memory_space<hbm>>
    tpu.wait_indirect_dma semaphore(%arg13 : memref<!tpu.dma_semaphore, #tpu.memory_space<semaphore_mem>>) src(%dma_wait3A_381 : memref<1000000x32xf32, #tpu.memory_space<hbm>>) dst(%arg9 : memref<640x32xf32, #tpu.memory_space<vmem>>)
    %add3A_382 = arith.constant 11520 : i32
    %add3A_383 = arith.addi %mul3A_2, %add3A_382 : i32
    %dma_start3A_384 = arith.constant 0 : i32
    %dma_start3A_385 = tpu.memref_slice %arg4[%add3A_383, %dma_start3A_384] : memref<819200x32xf32, #tpu.memory_space<hbm>> -> memref<640x32xf32, #tpu.memory_space<hbm>>
    %dma_start3A_386 = arith.constant 0 : i32
    %dma_start3A_387 = tpu.memref_slice %arg4[%add3A_383, %dma_start3A_386] : memref<819200x32xf32, #tpu.memory_space<hbm>> -> memref<640x32xf32, #tpu.memory_space<hbm>>
    tpu.enqueue_dma source(%arg9 : memref<640x32xf32, #tpu.memory_space<vmem>>) target(%dma_start3A_387 : memref<640x32xf32, #tpu.memory_space<hbm>>) target_semaphore(%arg18 : memref<!tpu.dma_semaphore, #tpu.memory_space<semaphore_mem>>)
    %dma_wait3A_388 = arith.constant 0 : i32
    %dma_wait3A_389 = tpu.memref_slice %arg4[%add3A_363, %dma_wait3A_388] : memref<819200x32xf32, #tpu.memory_space<hbm>> -> memref<640x32xf32, #tpu.memory_space<hbm>>
    %dma_wait3A_390 = arith.constant 0 : i32
    %dma_wait3A_391 = tpu.memref_slice %arg4[%add3A_363, %dma_wait3A_390] : memref<819200x32xf32, #tpu.memory_space<hbm>> -> memref<640x32xf32, #tpu.memory_space<hbm>>
    tpu.wait_dma2 semaphore(%arg17 : memref<!tpu.dma_semaphore, #tpu.memory_space<semaphore_mem>>) src(%arg8 : memref<640x32xf32, #tpu.memory_space<vmem>>) dst(%dma_wait3A_391 : memref<640x32xf32, #tpu.memory_space<hbm>>)
    %dma_start3A_392 = arith.constant 14080 : i32
    %dma_start3A_393 = tpu.memref_slice %arg5[%dma_start3A_392] : memref<25600xi32, #tpu.memory_space<vmem>> -> memref<640xi32, #tpu.memory_space<vmem>>
    %dma_start3A_394 = arith.constant 0 : i32
    %dma_start3A_395 = arith.constant 0 : i32
    %dma_start3A_396 = tpu.memref_slice %arg3[%dma_start3A_394, %dma_start3A_395] : memref<1000000x32xf32, #tpu.memory_space<hbm>> -> memref<1000000x32xf32, #tpu.memory_space<hbm>>
    tpu.enqueue_indirect_dma source(%dma_start3A_396 : memref<1000000x32xf32, #tpu.memory_space<hbm>>) target(%arg8 : memref<640x32xf32, #tpu.memory_space<vmem>>) offsets(%dma_start3A_393 : memref<640xi32, #tpu.memory_space<vmem>>) semaphore(%arg13 : memref<!tpu.dma_semaphore, #tpu.memory_space<semaphore_mem>>)
    %dma_wait3A_397 = arith.constant 12160 : i32
    %dma_wait3A_398 = tpu.memref_slice %arg5[%dma_wait3A_397] : memref<25600xi32, #tpu.memory_space<vmem>> -> memref<640xi32, #tpu.memory_space<vmem>>
    %dma_wait3A_399 = arith.constant 0 : i32
    %dma_wait3A_400 = arith.constant 0 : i32
    %dma_wait3A_401 = tpu.memref_slice %arg3[%dma_wait3A_399, %dma_wait3A_400] : memref<1000000x32xf32, #tpu.memory_space<hbm>> -> memref<1000000x32xf32, #tpu.memory_space<hbm>>
    tpu.wait_indirect_dma semaphore(%arg14 : memref<!tpu.dma_semaphore, #tpu.memory_space<semaphore_mem>>) src(%dma_wait3A_401 : memref<1000000x32xf32, #tpu.memory_space<hbm>>) dst(%arg10 : memref<640x32xf32, #tpu.memory_space<vmem>>)
    %add3A_402 = arith.constant 12160 : i32
    %add3A_403 = arith.addi %mul3A_2, %add3A_402 : i32
    %dma_start3A_404 = arith.constant 0 : i32
    %dma_start3A_405 = tpu.memref_slice %arg4[%add3A_403, %dma_start3A_404] : memref<819200x32xf32, #tpu.memory_space<hbm>> -> memref<640x32xf32, #tpu.memory_space<hbm>>
    %dma_start3A_406 = arith.constant 0 : i32
    %dma_start3A_407 = tpu.memref_slice %arg4[%add3A_403, %dma_start3A_406] : memref<819200x32xf32, #tpu.memory_space<hbm>> -> memref<640x32xf32, #tpu.memory_space<hbm>>
    tpu.enqueue_dma source(%arg10 : memref<640x32xf32, #tpu.memory_space<vmem>>) target(%dma_start3A_407 : memref<640x32xf32, #tpu.memory_space<hbm>>) target_semaphore(%arg19 : memref<!tpu.dma_semaphore, #tpu.memory_space<semaphore_mem>>)
    %dma_wait3A_408 = arith.constant 0 : i32
    %dma_wait3A_409 = tpu.memref_slice %arg4[%add3A_383, %dma_wait3A_408] : memref<819200x32xf32, #tpu.memory_space<hbm>> -> memref<640x32xf32, #tpu.memory_space<hbm>>
    %dma_wait3A_410 = arith.constant 0 : i32
    %dma_wait3A_411 = tpu.memref_slice %arg4[%add3A_383, %dma_wait3A_410] : memref<819200x32xf32, #tpu.memory_space<hbm>> -> memref<640x32xf32, #tpu.memory_space<hbm>>
    tpu.wait_dma2 semaphore(%arg18 : memref<!tpu.dma_semaphore, #tpu.memory_space<semaphore_mem>>) src(%arg9 : memref<640x32xf32, #tpu.memory_space<vmem>>) dst(%dma_wait3A_411 : memref<640x32xf32, #tpu.memory_space<hbm>>)
    %dma_start3A_412 = arith.constant 14720 : i32
    %dma_start3A_413 = tpu.memref_slice %arg5[%dma_start3A_412] : memref<25600xi32, #tpu.memory_space<vmem>> -> memref<640xi32, #tpu.memory_space<vmem>>
    %dma_start3A_414 = arith.constant 0 : i32
    %dma_start3A_415 = arith.constant 0 : i32
    %dma_start3A_416 = tpu.memref_slice %arg3[%dma_start3A_414, %dma_start3A_415] : memref<1000000x32xf32, #tpu.memory_space<hbm>> -> memref<1000000x32xf32, #tpu.memory_space<hbm>>
    tpu.enqueue_indirect_dma source(%dma_start3A_416 : memref<1000000x32xf32, #tpu.memory_space<hbm>>) target(%arg9 : memref<640x32xf32, #tpu.memory_space<vmem>>) offsets(%dma_start3A_413 : memref<640xi32, #tpu.memory_space<vmem>>) semaphore(%arg14 : memref<!tpu.dma_semaphore, #tpu.memory_space<semaphore_mem>>)
    %dma_wait3A_417 = arith.constant 12800 : i32
    %dma_wait3A_418 = tpu.memref_slice %arg5[%dma_wait3A_417] : memref<25600xi32, #tpu.memory_space<vmem>> -> memref<640xi32, #tpu.memory_space<vmem>>
    %dma_wait3A_419 = arith.constant 0 : i32
    %dma_wait3A_420 = arith.constant 0 : i32
    %dma_wait3A_421 = tpu.memref_slice %arg3[%dma_wait3A_419, %dma_wait3A_420] : memref<1000000x32xf32, #tpu.memory_space<hbm>> -> memref<1000000x32xf32, #tpu.memory_space<hbm>>
    tpu.wait_indirect_dma semaphore(%arg11 : memref<!tpu.dma_semaphore, #tpu.memory_space<semaphore_mem>>) src(%dma_wait3A_421 : memref<1000000x32xf32, #tpu.memory_space<hbm>>) dst(%arg6 : memref<640x32xf32, #tpu.memory_space<vmem>>)
    %add3A_422 = arith.constant 12800 : i32
    %add3A_423 = arith.addi %mul3A_2, %add3A_422 : i32
    %dma_start3A_424 = arith.constant 0 : i32
    %dma_start3A_425 = tpu.memref_slice %arg4[%add3A_423, %dma_start3A_424] : memref<819200x32xf32, #tpu.memory_space<hbm>> -> memref<640x32xf32, #tpu.memory_space<hbm>>
    %dma_start3A_426 = arith.constant 0 : i32
    %dma_start3A_427 = tpu.memref_slice %arg4[%add3A_423, %dma_start3A_426] : memref<819200x32xf32, #tpu.memory_space<hbm>> -> memref<640x32xf32, #tpu.memory_space<hbm>>
    tpu.enqueue_dma source(%arg6 : memref<640x32xf32, #tpu.memory_space<vmem>>) target(%dma_start3A_427 : memref<640x32xf32, #tpu.memory_space<hbm>>) target_semaphore(%arg15 : memref<!tpu.dma_semaphore, #tpu.memory_space<semaphore_mem>>)
    %dma_wait3A_428 = arith.constant 0 : i32
    %dma_wait3A_429 = tpu.memref_slice %arg4[%add3A_403, %dma_wait3A_428] : memref<819200x32xf32, #tpu.memory_space<hbm>> -> memref<640x32xf32, #tpu.memory_space<hbm>>
    %dma_wait3A_430 = arith.constant 0 : i32
    %dma_wait3A_431 = tpu.memref_slice %arg4[%add3A_403, %dma_wait3A_430] : memref<819200x32xf32, #tpu.memory_space<hbm>> -> memref<640x32xf32, #tpu.memory_space<hbm>>
    tpu.wait_dma2 semaphore(%arg19 : memref<!tpu.dma_semaphore, #tpu.memory_space<semaphore_mem>>) src(%arg10 : memref<640x32xf32, #tpu.memory_space<vmem>>) dst(%dma_wait3A_431 : memref<640x32xf32, #tpu.memory_space<hbm>>)
    %dma_start3A_432 = arith.constant 15360 : i32
    %dma_start3A_433 = tpu.memref_slice %arg5[%dma_start3A_432] : memref<25600xi32, #tpu.memory_space<vmem>> -> memref<640xi32, #tpu.memory_space<vmem>>
    %dma_start3A_434 = arith.constant 0 : i32
    %dma_start3A_435 = arith.constant 0 : i32
    %dma_start3A_436 = tpu.memref_slice %arg3[%dma_start3A_434, %dma_start3A_435] : memref<1000000x32xf32, #tpu.memory_space<hbm>> -> memref<1000000x32xf32, #tpu.memory_space<hbm>>
    tpu.enqueue_indirect_dma source(%dma_start3A_436 : memref<1000000x32xf32, #tpu.memory_space<hbm>>) target(%arg10 : memref<640x32xf32, #tpu.memory_space<vmem>>) offsets(%dma_start3A_433 : memref<640xi32, #tpu.memory_space<vmem>>) semaphore(%arg11 : memref<!tpu.dma_semaphore, #tpu.memory_space<semaphore_mem>>)
    %dma_wait3A_437 = arith.constant 13440 : i32
    %dma_wait3A_438 = tpu.memref_slice %arg5[%dma_wait3A_437] : memref<25600xi32, #tpu.memory_space<vmem>> -> memref<640xi32, #tpu.memory_space<vmem>>
    %dma_wait3A_439 = arith.constant 0 : i32
    %dma_wait3A_440 = arith.constant 0 : i32
    %dma_wait3A_441 = tpu.memref_slice %arg3[%dma_wait3A_439, %dma_wait3A_440] : memref<1000000x32xf32, #tpu.memory_space<hbm>> -> memref<1000000x32xf32, #tpu.memory_space<hbm>>
    tpu.wait_indirect_dma semaphore(%arg12 : memref<!tpu.dma_semaphore, #tpu.memory_space<semaphore_mem>>) src(%dma_wait3A_441 : memref<1000000x32xf32, #tpu.memory_space<hbm>>) dst(%arg7 : memref<640x32xf32, #tpu.memory_space<vmem>>)
    %add3A_442 = arith.constant 13440 : i32
    %add3A_443 = arith.addi %mul3A_2, %add3A_442 : i32
    %dma_start3A_444 = arith.constant 0 : i32
    %dma_start3A_445 = tpu.memref_slice %arg4[%add3A_443, %dma_start3A_444] : memref<819200x32xf32, #tpu.memory_space<hbm>> -> memref<640x32xf32, #tpu.memory_space<hbm>>
    %dma_start3A_446 = arith.constant 0 : i32
    %dma_start3A_447 = tpu.memref_slice %arg4[%add3A_443, %dma_start3A_446] : memref<819200x32xf32, #tpu.memory_space<hbm>> -> memref<640x32xf32, #tpu.memory_space<hbm>>
    tpu.enqueue_dma source(%arg7 : memref<640x32xf32, #tpu.memory_space<vmem>>) target(%dma_start3A_447 : memref<640x32xf32, #tpu.memory_space<hbm>>) target_semaphore(%arg16 : memref<!tpu.dma_semaphore, #tpu.memory_space<semaphore_mem>>)
    %dma_wait3A_448 = arith.constant 0 : i32
    %dma_wait3A_449 = tpu.memref_slice %arg4[%add3A_423, %dma_wait3A_448] : memref<819200x32xf32, #tpu.memory_space<hbm>> -> memref<640x32xf32, #tpu.memory_space<hbm>>
    %dma_wait3A_450 = arith.constant 0 : i32
    %dma_wait3A_451 = tpu.memref_slice %arg4[%add3A_423, %dma_wait3A_450] : memref<819200x32xf32, #tpu.memory_space<hbm>> -> memref<640x32xf32, #tpu.memory_space<hbm>>
    tpu.wait_dma2 semaphore(%arg15 : memref<!tpu.dma_semaphore, #tpu.memory_space<semaphore_mem>>) src(%arg6 : memref<640x32xf32, #tpu.memory_space<vmem>>) dst(%dma_wait3A_451 : memref<640x32xf32, #tpu.memory_space<hbm>>)
    %dma_start3A_452 = arith.constant 16000 : i32
    %dma_start3A_453 = tpu.memref_slice %arg5[%dma_start3A_452] : memref<25600xi32, #tpu.memory_space<vmem>> -> memref<640xi32, #tpu.memory_space<vmem>>
    %dma_start3A_454 = arith.constant 0 : i32
    %dma_start3A_455 = arith.constant 0 : i32
    %dma_start3A_456 = tpu.memref_slice %arg3[%dma_start3A_454, %dma_start3A_455] : memref<1000000x32xf32, #tpu.memory_space<hbm>> -> memref<1000000x32xf32, #tpu.memory_space<hbm>>
    tpu.enqueue_indirect_dma source(%dma_start3A_456 : memref<1000000x32xf32, #tpu.memory_space<hbm>>) target(%arg6 : memref<640x32xf32, #tpu.memory_space<vmem>>) offsets(%dma_start3A_453 : memref<640xi32, #tpu.memory_space<vmem>>) semaphore(%arg12 : memref<!tpu.dma_semaphore, #tpu.memory_space<semaphore_mem>>)
    %dma_wait3A_457 = arith.constant 14080 : i32
    %dma_wait3A_458 = tpu.memref_slice %arg5[%dma_wait3A_457] : memref<25600xi32, #tpu.memory_space<vmem>> -> memref<640xi32, #tpu.memory_space<vmem>>
    %dma_wait3A_459 = arith.constant 0 : i32
    %dma_wait3A_460 = arith.constant 0 : i32
    %dma_wait3A_461 = tpu.memref_slice %arg3[%dma_wait3A_459, %dma_wait3A_460] : memref<1000000x32xf32, #tpu.memory_space<hbm>> -> memref<1000000x32xf32, #tpu.memory_space<hbm>>
    tpu.wait_indirect_dma semaphore(%arg13 : memref<!tpu.dma_semaphore, #tpu.memory_space<semaphore_mem>>) src(%dma_wait3A_461 : memref<1000000x32xf32, #tpu.memory_space<hbm>>) dst(%arg8 : memref<640x32xf32, #tpu.memory_space<vmem>>)
    %add3A_462 = arith.constant 14080 : i32
    %add3A_463 = arith.addi %mul3A_2, %add3A_462 : i32
    %dma_start3A_464 = arith.constant 0 : i32
    %dma_start3A_465 = tpu.memref_slice %arg4[%add3A_463, %dma_start3A_464] : memref<819200x32xf32, #tpu.memory_space<hbm>> -> memref<640x32xf32, #tpu.memory_space<hbm>>
    %dma_start3A_466 = arith.constant 0 : i32
    %dma_start3A_467 = tpu.memref_slice %arg4[%add3A_463, %dma_start3A_466] : memref<819200x32xf32, #tpu.memory_space<hbm>> -> memref<640x32xf32, #tpu.memory_space<hbm>>
    tpu.enqueue_dma source(%arg8 : memref<640x32xf32, #tpu.memory_space<vmem>>) target(%dma_start3A_467 : memref<640x32xf32, #tpu.memory_space<hbm>>) target_semaphore(%arg17 : memref<!tpu.dma_semaphore, #tpu.memory_space<semaphore_mem>>)
    %dma_wait3A_468 = arith.constant 0 : i32
    %dma_wait3A_469 = tpu.memref_slice %arg4[%add3A_443, %dma_wait3A_468] : memref<819200x32xf32, #tpu.memory_space<hbm>> -> memref<640x32xf32, #tpu.memory_space<hbm>>
    %dma_wait3A_470 = arith.constant 0 : i32
    %dma_wait3A_471 = tpu.memref_slice %arg4[%add3A_443, %dma_wait3A_470] : memref<819200x32xf32, #tpu.memory_space<hbm>> -> memref<640x32xf32, #tpu.memory_space<hbm>>
    tpu.wait_dma2 semaphore(%arg16 : memref<!tpu.dma_semaphore, #tpu.memory_space<semaphore_mem>>) src(%arg7 : memref<640x32xf32, #tpu.memory_space<vmem>>) dst(%dma_wait3A_471 : memref<640x32xf32, #tpu.memory_space<hbm>>)
    %dma_start3A_472 = arith.constant 16640 : i32
    %dma_start3A_473 = tpu.memref_slice %arg5[%dma_start3A_472] : memref<25600xi32, #tpu.memory_space<vmem>> -> memref<640xi32, #tpu.memory_space<vmem>>
    %dma_start3A_474 = arith.constant 0 : i32
    %dma_start3A_475 = arith.constant 0 : i32
    %dma_start3A_476 = tpu.memref_slice %arg3[%dma_start3A_474, %dma_start3A_475] : memref<1000000x32xf32, #tpu.memory_space<hbm>> -> memref<1000000x32xf32, #tpu.memory_space<hbm>>
    tpu.enqueue_indirect_dma source(%dma_start3A_476 : memref<1000000x32xf32, #tpu.memory_space<hbm>>) target(%arg7 : memref<640x32xf32, #tpu.memory_space<vmem>>) offsets(%dma_start3A_473 : memref<640xi32, #tpu.memory_space<vmem>>) semaphore(%arg13 : memref<!tpu.dma_semaphore, #tpu.memory_space<semaphore_mem>>)
    %dma_wait3A_477 = arith.constant 14720 : i32
    %dma_wait3A_478 = tpu.memref_slice %arg5[%dma_wait3A_477] : memref<25600xi32, #tpu.memory_space<vmem>> -> memref<640xi32, #tpu.memory_space<vmem>>
    %dma_wait3A_479 = arith.constant 0 : i32
    %dma_wait3A_480 = arith.constant 0 : i32
    %dma_wait3A_481 = tpu.memref_slice %arg3[%dma_wait3A_479, %dma_wait3A_480] : memref<1000000x32xf32, #tpu.memory_space<hbm>> -> memref<1000000x32xf32, #tpu.memory_space<hbm>>
    tpu.wait_indirect_dma semaphore(%arg14 : memref<!tpu.dma_semaphore, #tpu.memory_space<semaphore_mem>>) src(%dma_wait3A_481 : memref<1000000x32xf32, #tpu.memory_space<hbm>>) dst(%arg9 : memref<640x32xf32, #tpu.memory_space<vmem>>)
    %add3A_482 = arith.constant 14720 : i32
    %add3A_483 = arith.addi %mul3A_2, %add3A_482 : i32
    %dma_start3A_484 = arith.constant 0 : i32
    %dma_start3A_485 = tpu.memref_slice %arg4[%add3A_483, %dma_start3A_484] : memref<819200x32xf32, #tpu.memory_space<hbm>> -> memref<640x32xf32, #tpu.memory_space<hbm>>
    %dma_start3A_486 = arith.constant 0 : i32
    %dma_start3A_487 = tpu.memref_slice %arg4[%add3A_483, %dma_start3A_486] : memref<819200x32xf32, #tpu.memory_space<hbm>> -> memref<640x32xf32, #tpu.memory_space<hbm>>
    tpu.enqueue_dma source(%arg9 : memref<640x32xf32, #tpu.memory_space<vmem>>) target(%dma_start3A_487 : memref<640x32xf32, #tpu.memory_space<hbm>>) target_semaphore(%arg18 : memref<!tpu.dma_semaphore, #tpu.memory_space<semaphore_mem>>)
    %dma_wait3A_488 = arith.constant 0 : i32
    %dma_wait3A_489 = tpu.memref_slice %arg4[%add3A_463, %dma_wait3A_488] : memref<819200x32xf32, #tpu.memory_space<hbm>> -> memref<640x32xf32, #tpu.memory_space<hbm>>
    %dma_wait3A_490 = arith.constant 0 : i32
    %dma_wait3A_491 = tpu.memref_slice %arg4[%add3A_463, %dma_wait3A_490] : memref<819200x32xf32, #tpu.memory_space<hbm>> -> memref<640x32xf32, #tpu.memory_space<hbm>>
    tpu.wait_dma2 semaphore(%arg17 : memref<!tpu.dma_semaphore, #tpu.memory_space<semaphore_mem>>) src(%arg8 : memref<640x32xf32, #tpu.memory_space<vmem>>) dst(%dma_wait3A_491 : memref<640x32xf32, #tpu.memory_space<hbm>>)
    %dma_start3A_492 = arith.constant 17280 : i32
    %dma_start3A_493 = tpu.memref_slice %arg5[%dma_start3A_492] : memref<25600xi32, #tpu.memory_space<vmem>> -> memref<640xi32, #tpu.memory_space<vmem>>
    %dma_start3A_494 = arith.constant 0 : i32
    %dma_start3A_495 = arith.constant 0 : i32
    %dma_start3A_496 = tpu.memref_slice %arg3[%dma_start3A_494, %dma_start3A_495] : memref<1000000x32xf32, #tpu.memory_space<hbm>> -> memref<1000000x32xf32, #tpu.memory_space<hbm>>
    tpu.enqueue_indirect_dma source(%dma_start3A_496 : memref<1000000x32xf32, #tpu.memory_space<hbm>>) target(%arg8 : memref<640x32xf32, #tpu.memory_space<vmem>>) offsets(%dma_start3A_493 : memref<640xi32, #tpu.memory_space<vmem>>) semaphore(%arg14 : memref<!tpu.dma_semaphore, #tpu.memory_space<semaphore_mem>>)
    %dma_wait3A_497 = arith.constant 15360 : i32
    %dma_wait3A_498 = tpu.memref_slice %arg5[%dma_wait3A_497] : memref<25600xi32, #tpu.memory_space<vmem>> -> memref<640xi32, #tpu.memory_space<vmem>>
    %dma_wait3A_499 = arith.constant 0 : i32
    %dma_wait3A_500 = arith.constant 0 : i32
    %dma_wait3A_501 = tpu.memref_slice %arg3[%dma_wait3A_499, %dma_wait3A_500] : memref<1000000x32xf32, #tpu.memory_space<hbm>> -> memref<1000000x32xf32, #tpu.memory_space<hbm>>
    tpu.wait_indirect_dma semaphore(%arg11 : memref<!tpu.dma_semaphore, #tpu.memory_space<semaphore_mem>>) src(%dma_wait3A_501 : memref<1000000x32xf32, #tpu.memory_space<hbm>>) dst(%arg10 : memref<640x32xf32, #tpu.memory_space<vmem>>)
    %add3A_502 = arith.constant 15360 : i32
    %add3A_503 = arith.addi %mul3A_2, %add3A_502 : i32
    %dma_start3A_504 = arith.constant 0 : i32
    %dma_start3A_505 = tpu.memref_slice %arg4[%add3A_503, %dma_start3A_504] : memref<819200x32xf32, #tpu.memory_space<hbm>> -> memref<640x32xf32, #tpu.memory_space<hbm>>
    %dma_start3A_506 = arith.constant 0 : i32
    %dma_start3A_507 = tpu.memref_slice %arg4[%add3A_503, %dma_start3A_506] : memref<819200x32xf32, #tpu.memory_space<hbm>> -> memref<640x32xf32, #tpu.memory_space<hbm>>
    tpu.enqueue_dma source(%arg10 : memref<640x32xf32, #tpu.memory_space<vmem>>) target(%dma_start3A_507 : memref<640x32xf32, #tpu.memory_space<hbm>>) target_semaphore(%arg19 : memref<!tpu.dma_semaphore, #tpu.memory_space<semaphore_mem>>)
    %dma_wait3A_508 = arith.constant 0 : i32
    %dma_wait3A_509 = tpu.memref_slice %arg4[%add3A_483, %dma_wait3A_508] : memref<819200x32xf32, #tpu.memory_space<hbm>> -> memref<640x32xf32, #tpu.memory_space<hbm>>
    %dma_wait3A_510 = arith.constant 0 : i32
    %dma_wait3A_511 = tpu.memref_slice %arg4[%add3A_483, %dma_wait3A_510] : memref<819200x32xf32, #tpu.memory_space<hbm>> -> memref<640x32xf32, #tpu.memory_space<hbm>>
    tpu.wait_dma2 semaphore(%arg18 : memref<!tpu.dma_semaphore, #tpu.memory_space<semaphore_mem>>) src(%arg9 : memref<640x32xf32, #tpu.memory_space<vmem>>) dst(%dma_wait3A_511 : memref<640x32xf32, #tpu.memory_space<hbm>>)
    %dma_start3A_512 = arith.constant 17920 : i32
    %dma_start3A_513 = tpu.memref_slice %arg5[%dma_start3A_512] : memref<25600xi32, #tpu.memory_space<vmem>> -> memref<640xi32, #tpu.memory_space<vmem>>
    %dma_start3A_514 = arith.constant 0 : i32
    %dma_start3A_515 = arith.constant 0 : i32
    %dma_start3A_516 = tpu.memref_slice %arg3[%dma_start3A_514, %dma_start3A_515] : memref<1000000x32xf32, #tpu.memory_space<hbm>> -> memref<1000000x32xf32, #tpu.memory_space<hbm>>
    tpu.enqueue_indirect_dma source(%dma_start3A_516 : memref<1000000x32xf32, #tpu.memory_space<hbm>>) target(%arg9 : memref<640x32xf32, #tpu.memory_space<vmem>>) offsets(%dma_start3A_513 : memref<640xi32, #tpu.memory_space<vmem>>) semaphore(%arg11 : memref<!tpu.dma_semaphore, #tpu.memory_space<semaphore_mem>>)
    %dma_wait3A_517 = arith.constant 16000 : i32
    %dma_wait3A_518 = tpu.memref_slice %arg5[%dma_wait3A_517] : memref<25600xi32, #tpu.memory_space<vmem>> -> memref<640xi32, #tpu.memory_space<vmem>>
    %dma_wait3A_519 = arith.constant 0 : i32
    %dma_wait3A_520 = arith.constant 0 : i32
    %dma_wait3A_521 = tpu.memref_slice %arg3[%dma_wait3A_519, %dma_wait3A_520] : memref<1000000x32xf32, #tpu.memory_space<hbm>> -> memref<1000000x32xf32, #tpu.memory_space<hbm>>
    tpu.wait_indirect_dma semaphore(%arg12 : memref<!tpu.dma_semaphore, #tpu.memory_space<semaphore_mem>>) src(%dma_wait3A_521 : memref<1000000x32xf32, #tpu.memory_space<hbm>>) dst(%arg6 : memref<640x32xf32, #tpu.memory_space<vmem>>)
    %add3A_522 = arith.constant 16000 : i32
    %add3A_523 = arith.addi %mul3A_2, %add3A_522 : i32
    %dma_start3A_524 = arith.constant 0 : i32
    %dma_start3A_525 = tpu.memref_slice %arg4[%add3A_523, %dma_start3A_524] : memref<819200x32xf32, #tpu.memory_space<hbm>> -> memref<640x32xf32, #tpu.memory_space<hbm>>
    %dma_start3A_526 = arith.constant 0 : i32
    %dma_start3A_527 = tpu.memref_slice %arg4[%add3A_523, %dma_start3A_526] : memref<819200x32xf32, #tpu.memory_space<hbm>> -> memref<640x32xf32, #tpu.memory_space<hbm>>
    tpu.enqueue_dma source(%arg6 : memref<640x32xf32, #tpu.memory_space<vmem>>) target(%dma_start3A_527 : memref<640x32xf32, #tpu.memory_space<hbm>>) target_semaphore(%arg15 : memref<!tpu.dma_semaphore, #tpu.memory_space<semaphore_mem>>)
    %dma_wait3A_528 = arith.constant 0 : i32
    %dma_wait3A_529 = tpu.memref_slice %arg4[%add3A_503, %dma_wait3A_528] : memref<819200x32xf32, #tpu.memory_space<hbm>> -> memref<640x32xf32, #tpu.memory_space<hbm>>
    %dma_wait3A_530 = arith.constant 0 : i32
    %dma_wait3A_531 = tpu.memref_slice %arg4[%add3A_503, %dma_wait3A_530] : memref<819200x32xf32, #tpu.memory_space<hbm>> -> memref<640x32xf32, #tpu.memory_space<hbm>>
    tpu.wait_dma2 semaphore(%arg19 : memref<!tpu.dma_semaphore, #tpu.memory_space<semaphore_mem>>) src(%arg10 : memref<640x32xf32, #tpu.memory_space<vmem>>) dst(%dma_wait3A_531 : memref<640x32xf32, #tpu.memory_space<hbm>>)
    %dma_start3A_532 = arith.constant 18560 : i32
    %dma_start3A_533 = tpu.memref_slice %arg5[%dma_start3A_532] : memref<25600xi32, #tpu.memory_space<vmem>> -> memref<640xi32, #tpu.memory_space<vmem>>
    %dma_start3A_534 = arith.constant 0 : i32
    %dma_start3A_535 = arith.constant 0 : i32
    %dma_start3A_536 = tpu.memref_slice %arg3[%dma_start3A_534, %dma_start3A_535] : memref<1000000x32xf32, #tpu.memory_space<hbm>> -> memref<1000000x32xf32, #tpu.memory_space<hbm>>
    tpu.enqueue_indirect_dma source(%dma_start3A_536 : memref<1000000x32xf32, #tpu.memory_space<hbm>>) target(%arg10 : memref<640x32xf32, #tpu.memory_space<vmem>>) offsets(%dma_start3A_533 : memref<640xi32, #tpu.memory_space<vmem>>) semaphore(%arg12 : memref<!tpu.dma_semaphore, #tpu.memory_space<semaphore_mem>>)
    %dma_wait3A_537 = arith.constant 16640 : i32
    %dma_wait3A_538 = tpu.memref_slice %arg5[%dma_wait3A_537] : memref<25600xi32, #tpu.memory_space<vmem>> -> memref<640xi32, #tpu.memory_space<vmem>>
    %dma_wait3A_539 = arith.constant 0 : i32
    %dma_wait3A_540 = arith.constant 0 : i32
    %dma_wait3A_541 = tpu.memref_slice %arg3[%dma_wait3A_539, %dma_wait3A_540] : memref<1000000x32xf32, #tpu.memory_space<hbm>> -> memref<1000000x32xf32, #tpu.memory_space<hbm>>
    tpu.wait_indirect_dma semaphore(%arg13 : memref<!tpu.dma_semaphore, #tpu.memory_space<semaphore_mem>>) src(%dma_wait3A_541 : memref<1000000x32xf32, #tpu.memory_space<hbm>>) dst(%arg7 : memref<640x32xf32, #tpu.memory_space<vmem>>)
    %add3A_542 = arith.constant 16640 : i32
    %add3A_543 = arith.addi %mul3A_2, %add3A_542 : i32
    %dma_start3A_544 = arith.constant 0 : i32
    %dma_start3A_545 = tpu.memref_slice %arg4[%add3A_543, %dma_start3A_544] : memref<819200x32xf32, #tpu.memory_space<hbm>> -> memref<640x32xf32, #tpu.memory_space<hbm>>
    %dma_start3A_546 = arith.constant 0 : i32
    %dma_start3A_547 = tpu.memref_slice %arg4[%add3A_543, %dma_start3A_546] : memref<819200x32xf32, #tpu.memory_space<hbm>> -> memref<640x32xf32, #tpu.memory_space<hbm>>
    tpu.enqueue_dma source(%arg7 : memref<640x32xf32, #tpu.memory_space<vmem>>) target(%dma_start3A_547 : memref<640x32xf32, #tpu.memory_space<hbm>>) target_semaphore(%arg16 : memref<!tpu.dma_semaphore, #tpu.memory_space<semaphore_mem>>)
    %dma_wait3A_548 = arith.constant 0 : i32
    %dma_wait3A_549 = tpu.memref_slice %arg4[%add3A_523, %dma_wait3A_548] : memref<819200x32xf32, #tpu.memory_space<hbm>> -> memref<640x32xf32, #tpu.memory_space<hbm>>
    %dma_wait3A_550 = arith.constant 0 : i32
    %dma_wait3A_551 = tpu.memref_slice %arg4[%add3A_523, %dma_wait3A_550] : memref<819200x32xf32, #tpu.memory_space<hbm>> -> memref<640x32xf32, #tpu.memory_space<hbm>>
    tpu.wait_dma2 semaphore(%arg15 : memref<!tpu.dma_semaphore, #tpu.memory_space<semaphore_mem>>) src(%arg6 : memref<640x32xf32, #tpu.memory_space<vmem>>) dst(%dma_wait3A_551 : memref<640x32xf32, #tpu.memory_space<hbm>>)
    %dma_start3A_552 = arith.constant 19200 : i32
    %dma_start3A_553 = tpu.memref_slice %arg5[%dma_start3A_552] : memref<25600xi32, #tpu.memory_space<vmem>> -> memref<640xi32, #tpu.memory_space<vmem>>
    %dma_start3A_554 = arith.constant 0 : i32
    %dma_start3A_555 = arith.constant 0 : i32
    %dma_start3A_556 = tpu.memref_slice %arg3[%dma_start3A_554, %dma_start3A_555] : memref<1000000x32xf32, #tpu.memory_space<hbm>> -> memref<1000000x32xf32, #tpu.memory_space<hbm>>
    tpu.enqueue_indirect_dma source(%dma_start3A_556 : memref<1000000x32xf32, #tpu.memory_space<hbm>>) target(%arg6 : memref<640x32xf32, #tpu.memory_space<vmem>>) offsets(%dma_start3A_553 : memref<640xi32, #tpu.memory_space<vmem>>) semaphore(%arg13 : memref<!tpu.dma_semaphore, #tpu.memory_space<semaphore_mem>>)
    %dma_wait3A_557 = arith.constant 17280 : i32
    %dma_wait3A_558 = tpu.memref_slice %arg5[%dma_wait3A_557] : memref<25600xi32, #tpu.memory_space<vmem>> -> memref<640xi32, #tpu.memory_space<vmem>>
    %dma_wait3A_559 = arith.constant 0 : i32
    %dma_wait3A_560 = arith.constant 0 : i32
    %dma_wait3A_561 = tpu.memref_slice %arg3[%dma_wait3A_559, %dma_wait3A_560] : memref<1000000x32xf32, #tpu.memory_space<hbm>> -> memref<1000000x32xf32, #tpu.memory_space<hbm>>
    tpu.wait_indirect_dma semaphore(%arg14 : memref<!tpu.dma_semaphore, #tpu.memory_space<semaphore_mem>>) src(%dma_wait3A_561 : memref<1000000x32xf32, #tpu.memory_space<hbm>>) dst(%arg8 : memref<640x32xf32, #tpu.memory_space<vmem>>)
    %add3A_562 = arith.constant 17280 : i32
    %add3A_563 = arith.addi %mul3A_2, %add3A_562 : i32
    %dma_start3A_564 = arith.constant 0 : i32
    %dma_start3A_565 = tpu.memref_slice %arg4[%add3A_563, %dma_start3A_564] : memref<819200x32xf32, #tpu.memory_space<hbm>> -> memref<640x32xf32, #tpu.memory_space<hbm>>
    %dma_start3A_566 = arith.constant 0 : i32
    %dma_start3A_567 = tpu.memref_slice %arg4[%add3A_563, %dma_start3A_566] : memref<819200x32xf32, #tpu.memory_space<hbm>> -> memref<640x32xf32, #tpu.memory_space<hbm>>
    tpu.enqueue_dma source(%arg8 : memref<640x32xf32, #tpu.memory_space<vmem>>) target(%dma_start3A_567 : memref<640x32xf32, #tpu.memory_space<hbm>>) target_semaphore(%arg17 : memref<!tpu.dma_semaphore, #tpu.memory_space<semaphore_mem>>)
    %dma_wait3A_568 = arith.constant 0 : i32
    %dma_wait3A_569 = tpu.memref_slice %arg4[%add3A_543, %dma_wait3A_568] : memref<819200x32xf32, #tpu.memory_space<hbm>> -> memref<640x32xf32, #tpu.memory_space<hbm>>
    %dma_wait3A_570 = arith.constant 0 : i32
    %dma_wait3A_571 = tpu.memref_slice %arg4[%add3A_543, %dma_wait3A_570] : memref<819200x32xf32, #tpu.memory_space<hbm>> -> memref<640x32xf32, #tpu.memory_space<hbm>>
    tpu.wait_dma2 semaphore(%arg16 : memref<!tpu.dma_semaphore, #tpu.memory_space<semaphore_mem>>) src(%arg7 : memref<640x32xf32, #tpu.memory_space<vmem>>) dst(%dma_wait3A_571 : memref<640x32xf32, #tpu.memory_space<hbm>>)
    %dma_start3A_572 = arith.constant 19840 : i32
    %dma_start3A_573 = tpu.memref_slice %arg5[%dma_start3A_572] : memref<25600xi32, #tpu.memory_space<vmem>> -> memref<640xi32, #tpu.memory_space<vmem>>
    %dma_start3A_574 = arith.constant 0 : i32
    %dma_start3A_575 = arith.constant 0 : i32
    %dma_start3A_576 = tpu.memref_slice %arg3[%dma_start3A_574, %dma_start3A_575] : memref<1000000x32xf32, #tpu.memory_space<hbm>> -> memref<1000000x32xf32, #tpu.memory_space<hbm>>
    tpu.enqueue_indirect_dma source(%dma_start3A_576 : memref<1000000x32xf32, #tpu.memory_space<hbm>>) target(%arg7 : memref<640x32xf32, #tpu.memory_space<vmem>>) offsets(%dma_start3A_573 : memref<640xi32, #tpu.memory_space<vmem>>) semaphore(%arg14 : memref<!tpu.dma_semaphore, #tpu.memory_space<semaphore_mem>>)
    %dma_wait3A_577 = arith.constant 17920 : i32
    %dma_wait3A_578 = tpu.memref_slice %arg5[%dma_wait3A_577] : memref<25600xi32, #tpu.memory_space<vmem>> -> memref<640xi32, #tpu.memory_space<vmem>>
    %dma_wait3A_579 = arith.constant 0 : i32
    %dma_wait3A_580 = arith.constant 0 : i32
    %dma_wait3A_581 = tpu.memref_slice %arg3[%dma_wait3A_579, %dma_wait3A_580] : memref<1000000x32xf32, #tpu.memory_space<hbm>> -> memref<1000000x32xf32, #tpu.memory_space<hbm>>
    tpu.wait_indirect_dma semaphore(%arg11 : memref<!tpu.dma_semaphore, #tpu.memory_space<semaphore_mem>>) src(%dma_wait3A_581 : memref<1000000x32xf32, #tpu.memory_space<hbm>>) dst(%arg9 : memref<640x32xf32, #tpu.memory_space<vmem>>)
    %add3A_582 = arith.constant 17920 : i32
    %add3A_583 = arith.addi %mul3A_2, %add3A_582 : i32
    %dma_start3A_584 = arith.constant 0 : i32
    %dma_start3A_585 = tpu.memref_slice %arg4[%add3A_583, %dma_start3A_584] : memref<819200x32xf32, #tpu.memory_space<hbm>> -> memref<640x32xf32, #tpu.memory_space<hbm>>
    %dma_start3A_586 = arith.constant 0 : i32
    %dma_start3A_587 = tpu.memref_slice %arg4[%add3A_583, %dma_start3A_586] : memref<819200x32xf32, #tpu.memory_space<hbm>> -> memref<640x32xf32, #tpu.memory_space<hbm>>
    tpu.enqueue_dma source(%arg9 : memref<640x32xf32, #tpu.memory_space<vmem>>) target(%dma_start3A_587 : memref<640x32xf32, #tpu.memory_space<hbm>>) target_semaphore(%arg18 : memref<!tpu.dma_semaphore, #tpu.memory_space<semaphore_mem>>)
    %dma_wait3A_588 = arith.constant 0 : i32
    %dma_wait3A_589 = tpu.memref_slice %arg4[%add3A_563, %dma_wait3A_588] : memref<819200x32xf32, #tpu.memory_space<hbm>> -> memref<640x32xf32, #tpu.memory_space<hbm>>
    %dma_wait3A_590 = arith.constant 0 : i32
    %dma_wait3A_591 = tpu.memref_slice %arg4[%add3A_563, %dma_wait3A_590] : memref<819200x32xf32, #tpu.memory_space<hbm>> -> memref<640x32xf32, #tpu.memory_space<hbm>>
    tpu.wait_dma2 semaphore(%arg17 : memref<!tpu.dma_semaphore, #tpu.memory_space<semaphore_mem>>) src(%arg8 : memref<640x32xf32, #tpu.memory_space<vmem>>) dst(%dma_wait3A_591 : memref<640x32xf32, #tpu.memory_space<hbm>>)
    %dma_start3A_592 = arith.constant 20480 : i32
    %dma_start3A_593 = tpu.memref_slice %arg5[%dma_start3A_592] : memref<25600xi32, #tpu.memory_space<vmem>> -> memref<640xi32, #tpu.memory_space<vmem>>
    %dma_start3A_594 = arith.constant 0 : i32
    %dma_start3A_595 = arith.constant 0 : i32
    %dma_start3A_596 = tpu.memref_slice %arg3[%dma_start3A_594, %dma_start3A_595] : memref<1000000x32xf32, #tpu.memory_space<hbm>> -> memref<1000000x32xf32, #tpu.memory_space<hbm>>
    tpu.enqueue_indirect_dma source(%dma_start3A_596 : memref<1000000x32xf32, #tpu.memory_space<hbm>>) target(%arg8 : memref<640x32xf32, #tpu.memory_space<vmem>>) offsets(%dma_start3A_593 : memref<640xi32, #tpu.memory_space<vmem>>) semaphore(%arg11 : memref<!tpu.dma_semaphore, #tpu.memory_space<semaphore_mem>>)
    %dma_wait3A_597 = arith.constant 18560 : i32
    %dma_wait3A_598 = tpu.memref_slice %arg5[%dma_wait3A_597] : memref<25600xi32, #tpu.memory_space<vmem>> -> memref<640xi32, #tpu.memory_space<vmem>>
    %dma_wait3A_599 = arith.constant 0 : i32
    %dma_wait3A_600 = arith.constant 0 : i32
    %dma_wait3A_601 = tpu.memref_slice %arg3[%dma_wait3A_599, %dma_wait3A_600] : memref<1000000x32xf32, #tpu.memory_space<hbm>> -> memref<1000000x32xf32, #tpu.memory_space<hbm>>
    tpu.wait_indirect_dma semaphore(%arg12 : memref<!tpu.dma_semaphore, #tpu.memory_space<semaphore_mem>>) src(%dma_wait3A_601 : memref<1000000x32xf32, #tpu.memory_space<hbm>>) dst(%arg10 : memref<640x32xf32, #tpu.memory_space<vmem>>)
    %add3A_602 = arith.constant 18560 : i32
    %add3A_603 = arith.addi %mul3A_2, %add3A_602 : i32
    %dma_start3A_604 = arith.constant 0 : i32
    %dma_start3A_605 = tpu.memref_slice %arg4[%add3A_603, %dma_start3A_604] : memref<819200x32xf32, #tpu.memory_space<hbm>> -> memref<640x32xf32, #tpu.memory_space<hbm>>
    %dma_start3A_606 = arith.constant 0 : i32
    %dma_start3A_607 = tpu.memref_slice %arg4[%add3A_603, %dma_start3A_606] : memref<819200x32xf32, #tpu.memory_space<hbm>> -> memref<640x32xf32, #tpu.memory_space<hbm>>
    tpu.enqueue_dma source(%arg10 : memref<640x32xf32, #tpu.memory_space<vmem>>) target(%dma_start3A_607 : memref<640x32xf32, #tpu.memory_space<hbm>>) target_semaphore(%arg19 : memref<!tpu.dma_semaphore, #tpu.memory_space<semaphore_mem>>)
    %dma_wait3A_608 = arith.constant 0 : i32
    %dma_wait3A_609 = tpu.memref_slice %arg4[%add3A_583, %dma_wait3A_608] : memref<819200x32xf32, #tpu.memory_space<hbm>> -> memref<640x32xf32, #tpu.memory_space<hbm>>
    %dma_wait3A_610 = arith.constant 0 : i32
    %dma_wait3A_611 = tpu.memref_slice %arg4[%add3A_583, %dma_wait3A_610] : memref<819200x32xf32, #tpu.memory_space<hbm>> -> memref<640x32xf32, #tpu.memory_space<hbm>>
    tpu.wait_dma2 semaphore(%arg18 : memref<!tpu.dma_semaphore, #tpu.memory_space<semaphore_mem>>) src(%arg9 : memref<640x32xf32, #tpu.memory_space<vmem>>) dst(%dma_wait3A_611 : memref<640x32xf32, #tpu.memory_space<hbm>>)
    %dma_start3A_612 = arith.constant 21120 : i32
    %dma_start3A_613 = tpu.memref_slice %arg5[%dma_start3A_612] : memref<25600xi32, #tpu.memory_space<vmem>> -> memref<640xi32, #tpu.memory_space<vmem>>
    %dma_start3A_614 = arith.constant 0 : i32
    %dma_start3A_615 = arith.constant 0 : i32
    %dma_start3A_616 = tpu.memref_slice %arg3[%dma_start3A_614, %dma_start3A_615] : memref<1000000x32xf32, #tpu.memory_space<hbm>> -> memref<1000000x32xf32, #tpu.memory_space<hbm>>
    tpu.enqueue_indirect_dma source(%dma_start3A_616 : memref<1000000x32xf32, #tpu.memory_space<hbm>>) target(%arg9 : memref<640x32xf32, #tpu.memory_space<vmem>>) offsets(%dma_start3A_613 : memref<640xi32, #tpu.memory_space<vmem>>) semaphore(%arg12 : memref<!tpu.dma_semaphore, #tpu.memory_space<semaphore_mem>>)
    %dma_wait3A_617 = arith.constant 19200 : i32
    %dma_wait3A_618 = tpu.memref_slice %arg5[%dma_wait3A_617] : memref<25600xi32, #tpu.memory_space<vmem>> -> memref<640xi32, #tpu.memory_space<vmem>>
    %dma_wait3A_619 = arith.constant 0 : i32
    %dma_wait3A_620 = arith.constant 0 : i32
    %dma_wait3A_621 = tpu.memref_slice %arg3[%dma_wait3A_619, %dma_wait3A_620] : memref<1000000x32xf32, #tpu.memory_space<hbm>> -> memref<1000000x32xf32, #tpu.memory_space<hbm>>
    tpu.wait_indirect_dma semaphore(%arg13 : memref<!tpu.dma_semaphore, #tpu.memory_space<semaphore_mem>>) src(%dma_wait3A_621 : memref<1000000x32xf32, #tpu.memory_space<hbm>>) dst(%arg6 : memref<640x32xf32, #tpu.memory_space<vmem>>)
    %add3A_622 = arith.constant 19200 : i32
    %add3A_623 = arith.addi %mul3A_2, %add3A_622 : i32
    %dma_start3A_624 = arith.constant 0 : i32
    %dma_start3A_625 = tpu.memref_slice %arg4[%add3A_623, %dma_start3A_624] : memref<819200x32xf32, #tpu.memory_space<hbm>> -> memref<640x32xf32, #tpu.memory_space<hbm>>
    %dma_start3A_626 = arith.constant 0 : i32
    %dma_start3A_627 = tpu.memref_slice %arg4[%add3A_623, %dma_start3A_626] : memref<819200x32xf32, #tpu.memory_space<hbm>> -> memref<640x32xf32, #tpu.memory_space<hbm>>
    tpu.enqueue_dma source(%arg6 : memref<640x32xf32, #tpu.memory_space<vmem>>) target(%dma_start3A_627 : memref<640x32xf32, #tpu.memory_space<hbm>>) target_semaphore(%arg15 : memref<!tpu.dma_semaphore, #tpu.memory_space<semaphore_mem>>)
    %dma_wait3A_628 = arith.constant 0 : i32
    %dma_wait3A_629 = tpu.memref_slice %arg4[%add3A_603, %dma_wait3A_628] : memref<819200x32xf32, #tpu.memory_space<hbm>> -> memref<640x32xf32, #tpu.memory_space<hbm>>
    %dma_wait3A_630 = arith.constant 0 : i32
    %dma_wait3A_631 = tpu.memref_slice %arg4[%add3A_603, %dma_wait3A_630] : memref<819200x32xf32, #tpu.memory_space<hbm>> -> memref<640x32xf32, #tpu.memory_space<hbm>>
    tpu.wait_dma2 semaphore(%arg19 : memref<!tpu.dma_semaphore, #tpu.memory_space<semaphore_mem>>) src(%arg10 : memref<640x32xf32, #tpu.memory_space<vmem>>) dst(%dma_wait3A_631 : memref<640x32xf32, #tpu.memory_space<hbm>>)
    %dma_start3A_632 = arith.constant 21760 : i32
    %dma_start3A_633 = tpu.memref_slice %arg5[%dma_start3A_632] : memref<25600xi32, #tpu.memory_space<vmem>> -> memref<640xi32, #tpu.memory_space<vmem>>
    %dma_start3A_634 = arith.constant 0 : i32
    %dma_start3A_635 = arith.constant 0 : i32
    %dma_start3A_636 = tpu.memref_slice %arg3[%dma_start3A_634, %dma_start3A_635] : memref<1000000x32xf32, #tpu.memory_space<hbm>> -> memref<1000000x32xf32, #tpu.memory_space<hbm>>
    tpu.enqueue_indirect_dma source(%dma_start3A_636 : memref<1000000x32xf32, #tpu.memory_space<hbm>>) target(%arg10 : memref<640x32xf32, #tpu.memory_space<vmem>>) offsets(%dma_start3A_633 : memref<640xi32, #tpu.memory_space<vmem>>) semaphore(%arg13 : memref<!tpu.dma_semaphore, #tpu.memory_space<semaphore_mem>>)
    %dma_wait3A_637 = arith.constant 19840 : i32
    %dma_wait3A_638 = tpu.memref_slice %arg5[%dma_wait3A_637] : memref<25600xi32, #tpu.memory_space<vmem>> -> memref<640xi32, #tpu.memory_space<vmem>>
    %dma_wait3A_639 = arith.constant 0 : i32
    %dma_wait3A_640 = arith.constant 0 : i32
    %dma_wait3A_641 = tpu.memref_slice %arg3[%dma_wait3A_639, %dma_wait3A_640] : memref<1000000x32xf32, #tpu.memory_space<hbm>> -> memref<1000000x32xf32, #tpu.memory_space<hbm>>
    tpu.wait_indirect_dma semaphore(%arg14 : memref<!tpu.dma_semaphore, #tpu.memory_space<semaphore_mem>>) src(%dma_wait3A_641 : memref<1000000x32xf32, #tpu.memory_space<hbm>>) dst(%arg7 : memref<640x32xf32, #tpu.memory_space<vmem>>)
    %add3A_642 = arith.constant 19840 : i32
    %add3A_643 = arith.addi %mul3A_2, %add3A_642 : i32
    %dma_start3A_644 = arith.constant 0 : i32
    %dma_start3A_645 = tpu.memref_slice %arg4[%add3A_643, %dma_start3A_644] : memref<819200x32xf32, #tpu.memory_space<hbm>> -> memref<640x32xf32, #tpu.memory_space<hbm>>
    %dma_start3A_646 = arith.constant 0 : i32
    %dma_start3A_647 = tpu.memref_slice %arg4[%add3A_643, %dma_start3A_646] : memref<819200x32xf32, #tpu.memory_space<hbm>> -> memref<640x32xf32, #tpu.memory_space<hbm>>
    tpu.enqueue_dma source(%arg7 : memref<640x32xf32, #tpu.memory_space<vmem>>) target(%dma_start3A_647 : memref<640x32xf32, #tpu.memory_space<hbm>>) target_semaphore(%arg16 : memref<!tpu.dma_semaphore, #tpu.memory_space<semaphore_mem>>)
    %dma_wait3A_648 = arith.constant 0 : i32
    %dma_wait3A_649 = tpu.memref_slice %arg4[%add3A_623, %dma_wait3A_648] : memref<819200x32xf32, #tpu.memory_space<hbm>> -> memref<640x32xf32, #tpu.memory_space<hbm>>
    %dma_wait3A_650 = arith.constant 0 : i32
    %dma_wait3A_651 = tpu.memref_slice %arg4[%add3A_623, %dma_wait3A_650] : memref<819200x32xf32, #tpu.memory_space<hbm>> -> memref<640x32xf32, #tpu.memory_space<hbm>>
    tpu.wait_dma2 semaphore(%arg15 : memref<!tpu.dma_semaphore, #tpu.memory_space<semaphore_mem>>) src(%arg6 : memref<640x32xf32, #tpu.memory_space<vmem>>) dst(%dma_wait3A_651 : memref<640x32xf32, #tpu.memory_space<hbm>>)
    %dma_start3A_652 = arith.constant 22400 : i32
    %dma_start3A_653 = tpu.memref_slice %arg5[%dma_start3A_652] : memref<25600xi32, #tpu.memory_space<vmem>> -> memref<640xi32, #tpu.memory_space<vmem>>
    %dma_start3A_654 = arith.constant 0 : i32
    %dma_start3A_655 = arith.constant 0 : i32
    %dma_start3A_656 = tpu.memref_slice %arg3[%dma_start3A_654, %dma_start3A_655] : memref<1000000x32xf32, #tpu.memory_space<hbm>> -> memref<1000000x32xf32, #tpu.memory_space<hbm>>
    tpu.enqueue_indirect_dma source(%dma_start3A_656 : memref<1000000x32xf32, #tpu.memory_space<hbm>>) target(%arg6 : memref<640x32xf32, #tpu.memory_space<vmem>>) offsets(%dma_start3A_653 : memref<640xi32, #tpu.memory_space<vmem>>) semaphore(%arg14 : memref<!tpu.dma_semaphore, #tpu.memory_space<semaphore_mem>>)
    %dma_wait3A_657 = arith.constant 20480 : i32
    %dma_wait3A_658 = tpu.memref_slice %arg5[%dma_wait3A_657] : memref<25600xi32, #tpu.memory_space<vmem>> -> memref<640xi32, #tpu.memory_space<vmem>>
    %dma_wait3A_659 = arith.constant 0 : i32
    %dma_wait3A_660 = arith.constant 0 : i32
    %dma_wait3A_661 = tpu.memref_slice %arg3[%dma_wait3A_659, %dma_wait3A_660] : memref<1000000x32xf32, #tpu.memory_space<hbm>> -> memref<1000000x32xf32, #tpu.memory_space<hbm>>
    tpu.wait_indirect_dma semaphore(%arg11 : memref<!tpu.dma_semaphore, #tpu.memory_space<semaphore_mem>>) src(%dma_wait3A_661 : memref<1000000x32xf32, #tpu.memory_space<hbm>>) dst(%arg8 : memref<640x32xf32, #tpu.memory_space<vmem>>)
    %add3A_662 = arith.constant 20480 : i32
    %add3A_663 = arith.addi %mul3A_2, %add3A_662 : i32
    %dma_start3A_664 = arith.constant 0 : i32
    %dma_start3A_665 = tpu.memref_slice %arg4[%add3A_663, %dma_start3A_664] : memref<819200x32xf32, #tpu.memory_space<hbm>> -> memref<640x32xf32, #tpu.memory_space<hbm>>
    %dma_start3A_666 = arith.constant 0 : i32
    %dma_start3A_667 = tpu.memref_slice %arg4[%add3A_663, %dma_start3A_666] : memref<819200x32xf32, #tpu.memory_space<hbm>> -> memref<640x32xf32, #tpu.memory_space<hbm>>
    tpu.enqueue_dma source(%arg8 : memref<640x32xf32, #tpu.memory_space<vmem>>) target(%dma_start3A_667 : memref<640x32xf32, #tpu.memory_space<hbm>>) target_semaphore(%arg17 : memref<!tpu.dma_semaphore, #tpu.memory_space<semaphore_mem>>)
    %dma_wait3A_668 = arith.constant 0 : i32
    %dma_wait3A_669 = tpu.memref_slice %arg4[%add3A_643, %dma_wait3A_668] : memref<819200x32xf32, #tpu.memory_space<hbm>> -> memref<640x32xf32, #tpu.memory_space<hbm>>
    %dma_wait3A_670 = arith.constant 0 : i32
    %dma_wait3A_671 = tpu.memref_slice %arg4[%add3A_643, %dma_wait3A_670] : memref<819200x32xf32, #tpu.memory_space<hbm>> -> memref<640x32xf32, #tpu.memory_space<hbm>>
    tpu.wait_dma2 semaphore(%arg16 : memref<!tpu.dma_semaphore, #tpu.memory_space<semaphore_mem>>) src(%arg7 : memref<640x32xf32, #tpu.memory_space<vmem>>) dst(%dma_wait3A_671 : memref<640x32xf32, #tpu.memory_space<hbm>>)
    %dma_start3A_672 = arith.constant 23040 : i32
    %dma_start3A_673 = tpu.memref_slice %arg5[%dma_start3A_672] : memref<25600xi32, #tpu.memory_space<vmem>> -> memref<640xi32, #tpu.memory_space<vmem>>
    %dma_start3A_674 = arith.constant 0 : i32
    %dma_start3A_675 = arith.constant 0 : i32
    %dma_start3A_676 = tpu.memref_slice %arg3[%dma_start3A_674, %dma_start3A_675] : memref<1000000x32xf32, #tpu.memory_space<hbm>> -> memref<1000000x32xf32, #tpu.memory_space<hbm>>
    tpu.enqueue_indirect_dma source(%dma_start3A_676 : memref<1000000x32xf32, #tpu.memory_space<hbm>>) target(%arg7 : memref<640x32xf32, #tpu.memory_space<vmem>>) offsets(%dma_start3A_673 : memref<640xi32, #tpu.memory_space<vmem>>) semaphore(%arg11 : memref<!tpu.dma_semaphore, #tpu.memory_space<semaphore_mem>>)
    %dma_wait3A_677 = arith.constant 21120 : i32
    %dma_wait3A_678 = tpu.memref_slice %arg5[%dma_wait3A_677] : memref<25600xi32, #tpu.memory_space<vmem>> -> memref<640xi32, #tpu.memory_space<vmem>>
    %dma_wait3A_679 = arith.constant 0 : i32
    %dma_wait3A_680 = arith.constant 0 : i32
    %dma_wait3A_681 = tpu.memref_slice %arg3[%dma_wait3A_679, %dma_wait3A_680] : memref<1000000x32xf32, #tpu.memory_space<hbm>> -> memref<1000000x32xf32, #tpu.memory_space<hbm>>
    tpu.wait_indirect_dma semaphore(%arg12 : memref<!tpu.dma_semaphore, #tpu.memory_space<semaphore_mem>>) src(%dma_wait3A_681 : memref<1000000x32xf32, #tpu.memory_space<hbm>>) dst(%arg9 : memref<640x32xf32, #tpu.memory_space<vmem>>)
    %add3A_682 = arith.constant 21120 : i32
    %add3A_683 = arith.addi %mul3A_2, %add3A_682 : i32
    %dma_start3A_684 = arith.constant 0 : i32
    %dma_start3A_685 = tpu.memref_slice %arg4[%add3A_683, %dma_start3A_684] : memref<819200x32xf32, #tpu.memory_space<hbm>> -> memref<640x32xf32, #tpu.memory_space<hbm>>
    %dma_start3A_686 = arith.constant 0 : i32
    %dma_start3A_687 = tpu.memref_slice %arg4[%add3A_683, %dma_start3A_686] : memref<819200x32xf32, #tpu.memory_space<hbm>> -> memref<640x32xf32, #tpu.memory_space<hbm>>
    tpu.enqueue_dma source(%arg9 : memref<640x32xf32, #tpu.memory_space<vmem>>) target(%dma_start3A_687 : memref<640x32xf32, #tpu.memory_space<hbm>>) target_semaphore(%arg18 : memref<!tpu.dma_semaphore, #tpu.memory_space<semaphore_mem>>)
    %dma_wait3A_688 = arith.constant 0 : i32
    %dma_wait3A_689 = tpu.memref_slice %arg4[%add3A_663, %dma_wait3A_688] : memref<819200x32xf32, #tpu.memory_space<hbm>> -> memref<640x32xf32, #tpu.memory_space<hbm>>
    %dma_wait3A_690 = arith.constant 0 : i32
    %dma_wait3A_691 = tpu.memref_slice %arg4[%add3A_663, %dma_wait3A_690] : memref<819200x32xf32, #tpu.memory_space<hbm>> -> memref<640x32xf32, #tpu.memory_space<hbm>>
    tpu.wait_dma2 semaphore(%arg17 : memref<!tpu.dma_semaphore, #tpu.memory_space<semaphore_mem>>) src(%arg8 : memref<640x32xf32, #tpu.memory_space<vmem>>) dst(%dma_wait3A_691 : memref<640x32xf32, #tpu.memory_space<hbm>>)
    %dma_start3A_692 = arith.constant 23680 : i32
    %dma_start3A_693 = tpu.memref_slice %arg5[%dma_start3A_692] : memref<25600xi32, #tpu.memory_space<vmem>> -> memref<640xi32, #tpu.memory_space<vmem>>
    %dma_start3A_694 = arith.constant 0 : i32
    %dma_start3A_695 = arith.constant 0 : i32
    %dma_start3A_696 = tpu.memref_slice %arg3[%dma_start3A_694, %dma_start3A_695] : memref<1000000x32xf32, #tpu.memory_space<hbm>> -> memref<1000000x32xf32, #tpu.memory_space<hbm>>
    tpu.enqueue_indirect_dma source(%dma_start3A_696 : memref<1000000x32xf32, #tpu.memory_space<hbm>>) target(%arg8 : memref<640x32xf32, #tpu.memory_space<vmem>>) offsets(%dma_start3A_693 : memref<640xi32, #tpu.memory_space<vmem>>) semaphore(%arg12 : memref<!tpu.dma_semaphore, #tpu.memory_space<semaphore_mem>>)
    %dma_wait3A_697 = arith.constant 21760 : i32
    %dma_wait3A_698 = tpu.memref_slice %arg5[%dma_wait3A_697] : memref<25600xi32, #tpu.memory_space<vmem>> -> memref<640xi32, #tpu.memory_space<vmem>>
    %dma_wait3A_699 = arith.constant 0 : i32
    %dma_wait3A_700 = arith.constant 0 : i32
    %dma_wait3A_701 = tpu.memref_slice %arg3[%dma_wait3A_699, %dma_wait3A_700] : memref<1000000x32xf32, #tpu.memory_space<hbm>> -> memref<1000000x32xf32, #tpu.memory_space<hbm>>
    tpu.wait_indirect_dma semaphore(%arg13 : memref<!tpu.dma_semaphore, #tpu.memory_space<semaphore_mem>>) src(%dma_wait3A_701 : memref<1000000x32xf32, #tpu.memory_space<hbm>>) dst(%arg10 : memref<640x32xf32, #tpu.memory_space<vmem>>)
    %add3A_702 = arith.constant 21760 : i32
    %add3A_703 = arith.addi %mul3A_2, %add3A_702 : i32
    %dma_start3A_704 = arith.constant 0 : i32
    %dma_start3A_705 = tpu.memref_slice %arg4[%add3A_703, %dma_start3A_704] : memref<819200x32xf32, #tpu.memory_space<hbm>> -> memref<640x32xf32, #tpu.memory_space<hbm>>
    %dma_start3A_706 = arith.constant 0 : i32
    %dma_start3A_707 = tpu.memref_slice %arg4[%add3A_703, %dma_start3A_706] : memref<819200x32xf32, #tpu.memory_space<hbm>> -> memref<640x32xf32, #tpu.memory_space<hbm>>
    tpu.enqueue_dma source(%arg10 : memref<640x32xf32, #tpu.memory_space<vmem>>) target(%dma_start3A_707 : memref<640x32xf32, #tpu.memory_space<hbm>>) target_semaphore(%arg19 : memref<!tpu.dma_semaphore, #tpu.memory_space<semaphore_mem>>)
    %dma_wait3A_708 = arith.constant 0 : i32
    %dma_wait3A_709 = tpu.memref_slice %arg4[%add3A_683, %dma_wait3A_708] : memref<819200x32xf32, #tpu.memory_space<hbm>> -> memref<640x32xf32, #tpu.memory_space<hbm>>
    %dma_wait3A_710 = arith.constant 0 : i32
    %dma_wait3A_711 = tpu.memref_slice %arg4[%add3A_683, %dma_wait3A_710] : memref<819200x32xf32, #tpu.memory_space<hbm>> -> memref<640x32xf32, #tpu.memory_space<hbm>>
    tpu.wait_dma2 semaphore(%arg18 : memref<!tpu.dma_semaphore, #tpu.memory_space<semaphore_mem>>) src(%arg9 : memref<640x32xf32, #tpu.memory_space<vmem>>) dst(%dma_wait3A_711 : memref<640x32xf32, #tpu.memory_space<hbm>>)
    %dma_start3A_712 = arith.constant 24320 : i32
    %dma_start3A_713 = tpu.memref_slice %arg5[%dma_start3A_712] : memref<25600xi32, #tpu.memory_space<vmem>> -> memref<640xi32, #tpu.memory_space<vmem>>
    %dma_start3A_714 = arith.constant 0 : i32
    %dma_start3A_715 = arith.constant 0 : i32
    %dma_start3A_716 = tpu.memref_slice %arg3[%dma_start3A_714, %dma_start3A_715] : memref<1000000x32xf32, #tpu.memory_space<hbm>> -> memref<1000000x32xf32, #tpu.memory_space<hbm>>
    tpu.enqueue_indirect_dma source(%dma_start3A_716 : memref<1000000x32xf32, #tpu.memory_space<hbm>>) target(%arg9 : memref<640x32xf32, #tpu.memory_space<vmem>>) offsets(%dma_start3A_713 : memref<640xi32, #tpu.memory_space<vmem>>) semaphore(%arg13 : memref<!tpu.dma_semaphore, #tpu.memory_space<semaphore_mem>>)
    %dma_wait3A_717 = arith.constant 22400 : i32
    %dma_wait3A_718 = tpu.memref_slice %arg5[%dma_wait3A_717] : memref<25600xi32, #tpu.memory_space<vmem>> -> memref<640xi32, #tpu.memory_space<vmem>>
    %dma_wait3A_719 = arith.constant 0 : i32
    %dma_wait3A_720 = arith.constant 0 : i32
    %dma_wait3A_721 = tpu.memref_slice %arg3[%dma_wait3A_719, %dma_wait3A_720] : memref<1000000x32xf32, #tpu.memory_space<hbm>> -> memref<1000000x32xf32, #tpu.memory_space<hbm>>
    tpu.wait_indirect_dma semaphore(%arg14 : memref<!tpu.dma_semaphore, #tpu.memory_space<semaphore_mem>>) src(%dma_wait3A_721 : memref<1000000x32xf32, #tpu.memory_space<hbm>>) dst(%arg6 : memref<640x32xf32, #tpu.memory_space<vmem>>)
    %add3A_722 = arith.constant 22400 : i32
    %add3A_723 = arith.addi %mul3A_2, %add3A_722 : i32
    %dma_start3A_724 = arith.constant 0 : i32
    %dma_start3A_725 = tpu.memref_slice %arg4[%add3A_723, %dma_start3A_724] : memref<819200x32xf32, #tpu.memory_space<hbm>> -> memref<640x32xf32, #tpu.memory_space<hbm>>
    %dma_start3A_726 = arith.constant 0 : i32
    %dma_start3A_727 = tpu.memref_slice %arg4[%add3A_723, %dma_start3A_726] : memref<819200x32xf32, #tpu.memory_space<hbm>> -> memref<640x32xf32, #tpu.memory_space<hbm>>
    tpu.enqueue_dma source(%arg6 : memref<640x32xf32, #tpu.memory_space<vmem>>) target(%dma_start3A_727 : memref<640x32xf32, #tpu.memory_space<hbm>>) target_semaphore(%arg15 : memref<!tpu.dma_semaphore, #tpu.memory_space<semaphore_mem>>)
    %dma_wait3A_728 = arith.constant 0 : i32
    %dma_wait3A_729 = tpu.memref_slice %arg4[%add3A_703, %dma_wait3A_728] : memref<819200x32xf32, #tpu.memory_space<hbm>> -> memref<640x32xf32, #tpu.memory_space<hbm>>
    %dma_wait3A_730 = arith.constant 0 : i32
    %dma_wait3A_731 = tpu.memref_slice %arg4[%add3A_703, %dma_wait3A_730] : memref<819200x32xf32, #tpu.memory_space<hbm>> -> memref<640x32xf32, #tpu.memory_space<hbm>>
    tpu.wait_dma2 semaphore(%arg19 : memref<!tpu.dma_semaphore, #tpu.memory_space<semaphore_mem>>) src(%arg10 : memref<640x32xf32, #tpu.memory_space<vmem>>) dst(%dma_wait3A_731 : memref<640x32xf32, #tpu.memory_space<hbm>>)
    %dma_start3A_732 = arith.constant 24960 : i32
    %dma_start3A_733 = tpu.memref_slice %arg5[%dma_start3A_732] : memref<25600xi32, #tpu.memory_space<vmem>> -> memref<640xi32, #tpu.memory_space<vmem>>
    %dma_start3A_734 = arith.constant 0 : i32
    %dma_start3A_735 = arith.constant 0 : i32
    %dma_start3A_736 = tpu.memref_slice %arg3[%dma_start3A_734, %dma_start3A_735] : memref<1000000x32xf32, #tpu.memory_space<hbm>> -> memref<1000000x32xf32, #tpu.memory_space<hbm>>
    tpu.enqueue_indirect_dma source(%dma_start3A_736 : memref<1000000x32xf32, #tpu.memory_space<hbm>>) target(%arg10 : memref<640x32xf32, #tpu.memory_space<vmem>>) offsets(%dma_start3A_733 : memref<640xi32, #tpu.memory_space<vmem>>) semaphore(%arg14 : memref<!tpu.dma_semaphore, #tpu.memory_space<semaphore_mem>>)
    %dma_wait3A_737 = arith.constant 23040 : i32
    %dma_wait3A_738 = tpu.memref_slice %arg5[%dma_wait3A_737] : memref<25600xi32, #tpu.memory_space<vmem>> -> memref<640xi32, #tpu.memory_space<vmem>>
    %dma_wait3A_739 = arith.constant 0 : i32
    %dma_wait3A_740 = arith.constant 0 : i32
    %dma_wait3A_741 = tpu.memref_slice %arg3[%dma_wait3A_739, %dma_wait3A_740] : memref<1000000x32xf32, #tpu.memory_space<hbm>> -> memref<1000000x32xf32, #tpu.memory_space<hbm>>
    tpu.wait_indirect_dma semaphore(%arg11 : memref<!tpu.dma_semaphore, #tpu.memory_space<semaphore_mem>>) src(%dma_wait3A_741 : memref<1000000x32xf32, #tpu.memory_space<hbm>>) dst(%arg7 : memref<640x32xf32, #tpu.memory_space<vmem>>)
    %add3A_742 = arith.constant 23040 : i32
    %add3A_743 = arith.addi %mul3A_2, %add3A_742 : i32
    %dma_start3A_744 = arith.constant 0 : i32
    %dma_start3A_745 = tpu.memref_slice %arg4[%add3A_743, %dma_start3A_744] : memref<819200x32xf32, #tpu.memory_space<hbm>> -> memref<640x32xf32, #tpu.memory_space<hbm>>
    %dma_start3A_746 = arith.constant 0 : i32
    %dma_start3A_747 = tpu.memref_slice %arg4[%add3A_743, %dma_start3A_746] : memref<819200x32xf32, #tpu.memory_space<hbm>> -> memref<640x32xf32, #tpu.memory_space<hbm>>
    tpu.enqueue_dma source(%arg7 : memref<640x32xf32, #tpu.memory_space<vmem>>) target(%dma_start3A_747 : memref<640x32xf32, #tpu.memory_space<hbm>>) target_semaphore(%arg16 : memref<!tpu.dma_semaphore, #tpu.memory_space<semaphore_mem>>)
    %dma_wait3A_748 = arith.constant 23680 : i32
    %dma_wait3A_749 = tpu.memref_slice %arg5[%dma_wait3A_748] : memref<25600xi32, #tpu.memory_space<vmem>> -> memref<640xi32, #tpu.memory_space<vmem>>
    %dma_wait3A_750 = arith.constant 0 : i32
    %dma_wait3A_751 = arith.constant 0 : i32
    %dma_wait3A_752 = tpu.memref_slice %arg3[%dma_wait3A_750, %dma_wait3A_751] : memref<1000000x32xf32, #tpu.memory_space<hbm>> -> memref<1000000x32xf32, #tpu.memory_space<hbm>>
    tpu.wait_indirect_dma semaphore(%arg12 : memref<!tpu.dma_semaphore, #tpu.memory_space<semaphore_mem>>) src(%dma_wait3A_752 : memref<1000000x32xf32, #tpu.memory_space<hbm>>) dst(%arg8 : memref<640x32xf32, #tpu.memory_space<vmem>>)
    %add3A_753 = arith.constant 23680 : i32
    %add3A_754 = arith.addi %mul3A_2, %add3A_753 : i32
    %dma_start3A_755 = arith.constant 0 : i32
    %dma_start3A_756 = tpu.memref_slice %arg4[%add3A_754, %dma_start3A_755] : memref<819200x32xf32, #tpu.memory_space<hbm>> -> memref<640x32xf32, #tpu.memory_space<hbm>>
    %dma_start3A_757 = arith.constant 0 : i32
    %dma_start3A_758 = tpu.memref_slice %arg4[%add3A_754, %dma_start3A_757] : memref<819200x32xf32, #tpu.memory_space<hbm>> -> memref<640x32xf32, #tpu.memory_space<hbm>>
    tpu.enqueue_dma source(%arg8 : memref<640x32xf32, #tpu.memory_space<vmem>>) target(%dma_start3A_758 : memref<640x32xf32, #tpu.memory_space<hbm>>) target_semaphore(%arg17 : memref<!tpu.dma_semaphore, #tpu.memory_space<semaphore_mem>>)
    %dma_wait3A_759 = arith.constant 24320 : i32
    %dma_wait3A_760 = tpu.memref_slice %arg5[%dma_wait3A_759] : memref<25600xi32, #tpu.memory_space<vmem>> -> memref<640xi32, #tpu.memory_space<vmem>>
    %dma_wait3A_761 = arith.constant 0 : i32
    %dma_wait3A_762 = arith.constant 0 : i32
    %dma_wait3A_763 = tpu.memref_slice %arg3[%dma_wait3A_761, %dma_wait3A_762] : memref<1000000x32xf32, #tpu.memory_space<hbm>> -> memref<1000000x32xf32, #tpu.memory_space<hbm>>
    tpu.wait_indirect_dma semaphore(%arg13 : memref<!tpu.dma_semaphore, #tpu.memory_space<semaphore_mem>>) src(%dma_wait3A_763 : memref<1000000x32xf32, #tpu.memory_space<hbm>>) dst(%arg9 : memref<640x32xf32, #tpu.memory_space<vmem>>)
    %add3A_764 = arith.constant 24320 : i32
    %add3A_765 = arith.addi %mul3A_2, %add3A_764 : i32
    %dma_start3A_766 = arith.constant 0 : i32
    %dma_start3A_767 = tpu.memref_slice %arg4[%add3A_765, %dma_start3A_766] : memref<819200x32xf32, #tpu.memory_space<hbm>> -> memref<640x32xf32, #tpu.memory_space<hbm>>
    %dma_start3A_768 = arith.constant 0 : i32
    %dma_start3A_769 = tpu.memref_slice %arg4[%add3A_765, %dma_start3A_768] : memref<819200x32xf32, #tpu.memory_space<hbm>> -> memref<640x32xf32, #tpu.memory_space<hbm>>
    tpu.enqueue_dma source(%arg9 : memref<640x32xf32, #tpu.memory_space<vmem>>) target(%dma_start3A_769 : memref<640x32xf32, #tpu.memory_space<hbm>>) target_semaphore(%arg18 : memref<!tpu.dma_semaphore, #tpu.memory_space<semaphore_mem>>)
    %dma_wait3A_770 = arith.constant 24960 : i32
    %dma_wait3A_771 = tpu.memref_slice %arg5[%dma_wait3A_770] : memref<25600xi32, #tpu.memory_space<vmem>> -> memref<640xi32, #tpu.memory_space<vmem>>
    %dma_wait3A_772 = arith.constant 0 : i32
    %dma_wait3A_773 = arith.constant 0 : i32
    %dma_wait3A_774 = tpu.memref_slice %arg3[%dma_wait3A_772, %dma_wait3A_773] : memref<1000000x32xf32, #tpu.memory_space<hbm>> -> memref<1000000x32xf32, #tpu.memory_space<hbm>>
    tpu.wait_indirect_dma semaphore(%arg14 : memref<!tpu.dma_semaphore, #tpu.memory_space<semaphore_mem>>) src(%dma_wait3A_774 : memref<1000000x32xf32, #tpu.memory_space<hbm>>) dst(%arg10 : memref<640x32xf32, #tpu.memory_space<vmem>>)
    %add3A_775 = arith.constant 24960 : i32
    %add3A_776 = arith.addi %mul3A_2, %add3A_775 : i32
    %dma_start3A_777 = arith.constant 0 : i32
    %dma_start3A_778 = tpu.memref_slice %arg4[%add3A_776, %dma_start3A_777] : memref<819200x32xf32, #tpu.memory_space<hbm>> -> memref<640x32xf32, #tpu.memory_space<hbm>>
    %dma_start3A_779 = arith.constant 0 : i32
    %dma_start3A_780 = tpu.memref_slice %arg4[%add3A_776, %dma_start3A_779] : memref<819200x32xf32, #tpu.memory_space<hbm>> -> memref<640x32xf32, #tpu.memory_space<hbm>>
    tpu.enqueue_dma source(%arg10 : memref<640x32xf32, #tpu.memory_space<vmem>>) target(%dma_start3A_780 : memref<640x32xf32, #tpu.memory_space<hbm>>) target_semaphore(%arg19 : memref<!tpu.dma_semaphore, #tpu.memory_space<semaphore_mem>>)
    %dma_wait3A_781 = arith.constant 0 : i32
    %dma_wait3A_782 = tpu.memref_slice %arg4[%add3A_723, %dma_wait3A_781] : memref<819200x32xf32, #tpu.memory_space<hbm>> -> memref<640x32xf32, #tpu.memory_space<hbm>>
    %dma_wait3A_783 = arith.constant 0 : i32
    %dma_wait3A_784 = tpu.memref_slice %arg4[%add3A_723, %dma_wait3A_783] : memref<819200x32xf32, #tpu.memory_space<hbm>> -> memref<640x32xf32, #tpu.memory_space<hbm>>
    tpu.wait_dma2 semaphore(%arg15 : memref<!tpu.dma_semaphore, #tpu.memory_space<semaphore_mem>>) src(%arg6 : memref<640x32xf32, #tpu.memory_space<vmem>>) dst(%dma_wait3A_784 : memref<640x32xf32, #tpu.memory_space<hbm>>)
    %dma_wait3A_785 = arith.constant 0 : i32
    %dma_wait3A_786 = tpu.memref_slice %arg4[%add3A_743, %dma_wait3A_785] : memref<819200x32xf32, #tpu.memory_space<hbm>> -> memref<640x32xf32, #tpu.memory_space<hbm>>
    %dma_wait3A_787 = arith.constant 0 : i32
    %dma_wait3A_788 = tpu.memref_slice %arg4[%add3A_743, %dma_wait3A_787] : memref<819200x32xf32, #tpu.memory_space<hbm>> -> memref<640x32xf32, #tpu.memory_space<hbm>>
    tpu.wait_dma2 semaphore(%arg16 : memref<!tpu.dma_semaphore, #tpu.memory_space<semaphore_mem>>) src(%arg7 : memref<640x32xf32, #tpu.memory_space<vmem>>) dst(%dma_wait3A_788 : memref<640x32xf32, #tpu.memory_space<hbm>>)
    %dma_wait3A_789 = arith.constant 0 : i32
    %dma_wait3A_790 = tpu.memref_slice %arg4[%add3A_754, %dma_wait3A_789] : memref<819200x32xf32, #tpu.memory_space<hbm>> -> memref<640x32xf32, #tpu.memory_space<hbm>>
    %dma_wait3A_791 = arith.constant 0 : i32
    %dma_wait3A_792 = tpu.memref_slice %arg4[%add3A_754, %dma_wait3A_791] : memref<819200x32xf32, #tpu.memory_space<hbm>> -> memref<640x32xf32, #tpu.memory_space<hbm>>
    tpu.wait_dma2 semaphore(%arg17 : memref<!tpu.dma_semaphore, #tpu.memory_space<semaphore_mem>>) src(%arg8 : memref<640x32xf32, #tpu.memory_space<vmem>>) dst(%dma_wait3A_792 : memref<640x32xf32, #tpu.memory_space<hbm>>)
    %dma_wait3A_793 = arith.constant 0 : i32
    %dma_wait3A_794 = tpu.memref_slice %arg4[%add3A_765, %dma_wait3A_793] : memref<819200x32xf32, #tpu.memory_space<hbm>> -> memref<640x32xf32, #tpu.memory_space<hbm>>
    %dma_wait3A_795 = arith.constant 0 : i32
    %dma_wait3A_796 = tpu.memref_slice %arg4[%add3A_765, %dma_wait3A_795] : memref<819200x32xf32, #tpu.memory_space<hbm>> -> memref<640x32xf32, #tpu.memory_space<hbm>>
    tpu.wait_dma2 semaphore(%arg18 : memref<!tpu.dma_semaphore, #tpu.memory_space<semaphore_mem>>) src(%arg9 : memref<640x32xf32, #tpu.memory_space<vmem>>) dst(%dma_wait3A_796 : memref<640x32xf32, #tpu.memory_space<hbm>>)
    %dma_wait3A_797 = arith.constant 0 : i32
    %dma_wait3A_798 = tpu.memref_slice %arg4[%add3A_776, %dma_wait3A_797] : memref<819200x32xf32, #tpu.memory_space<hbm>> -> memref<640x32xf32, #tpu.memory_space<hbm>>
    %dma_wait3A_799 = arith.constant 0 : i32
    %dma_wait3A_800 = tpu.memref_slice %arg4[%add3A_776, %dma_wait3A_799] : memref<819200x32xf32, #tpu.memory_space<hbm>> -> memref<640x32xf32, #tpu.memory_space<hbm>>
    tpu.wait_dma2 semaphore(%arg19 : memref<!tpu.dma_semaphore, #tpu.memory_space<semaphore_mem>>) src(%arg10 : memref<640x32xf32, #tpu.memory_space<vmem>>) dst(%dma_wait3A_800 : memref<640x32xf32, #tpu.memory_space<hbm>>)
    return
  }
}

</mosaic_0001>

<sc_bundles>
// kernel: _gather.3.cloned.1.call-start
scs
__scs_entry_jumppad:
0x0: {  	(pc) =	sbr.rel $0x88, $3  }
0x1: {  	(tag) =	ssettag $0x0;
	lr =	simm.s32 $0x1  }
0x2: {  	[smem:$0x3F9F] =	sst lr;
	_ =	strace $0xD0000000  }
0x3: {  	_ = 	snop  }
0x4: {  	_ = 	snop  }
0x5: {  	_ = 	snop  }
0x6: {  	_ = 	snop  }
0x7: {  	_ = 	snop  }
__scs_overlays_trampoline_lowered:
0x8: {  	[smem:$0x3FAE] =	sst s0  }
0x9: {  	[smem:$0x3FAF] =	sst s1  }
0xa: {  	[smem:$0x3FB0] =	sst s2  }
0xb: {  	[smem:$0x3FB1] =	sst s3  }
0xc: {  	[smem:$0x3FB2] =	sst s4  }
0xd: {  	[smem:$0x3FB3] =	sst s5  }
0xe: {  	[smem:$0x3FB4] =	sst s6  }
0xf: {  	[smem:$0x3FB5] =	sst s7  }
0x10: {  	[smem:$0x3FB6] =	sst s8  }
0x11: {  	[smem:$0x3FB7] =	sst s9;
	s0 =	simm.s32 @!p0 $0x0  }
0x12: {  	s1 =	sld [smem:$0x3F9D];
	s0 =	simm.s32 @p0 $0x1  }
0x13: {  	[smem:$0x3FB8] =	sst s0;
	s0 =	simm.s32 @!p1 $0x0  }
0x14: {  	s2 =	sld [smem:$0x3F9C];
	s0 =	simm.s32 @p1 $0x1  }
0x15: {  	[smem:$0x3FB9] =	sst s0;
	s0 =	simm.s32 @!p2 $0x0  }
0x16: {  	s3 =	sld [smem:$0x3FDB];
	s0 =	simm.s32 @p2 $0x1  }
0x17: {  	s4 =	simm.s32 $0x1BF5;
	[smem:$0x3FBB] =	sst s0  }
0x18: {  	s0 =	sld [smem:$0x3F9E];
	_ =	swait.ge [sflag:s4], $0x0  }
0x19: {  	s7 =	sld [smem:$0x3F9F]  }
0x1a: {  	s8 =	sadd.s32 $0xFFFFE003, lr  }
0x1b: {  	s9 =	sadd.s32 $0xFFFFFEF7, lr;
	s5 =	simm.s32 $0xFFFFFFFF;
	p2 =	slt.u32 s8, $0xFFFFF086  }
0x1c: {  	p1 =	slt.u32 s9, $0xF7A;
	s5 =	simm.s32 @!p2 $0x0  }
0x1d: {  	s5 =	simm.s32 @p1 $0x1;
	p0 =	seq.s32 s7, s2  }
0x1e: {  	s7 =	smul.u32 @!p0 $0xF7A, s2;
	p2 =	seq.s32 @!p0 s5, $0x0  }
0x1f: {  	s9 =	smul.u32 $0xF7A, s1;
	s8 =	simm.s32 @!p0 $0x1BF5;
	p2 =	por !p2, p0  }
0x20: {  	[sflag:s8] =	ssyncset.s32 @!p0 $0xFFFFF086;
	s6 =	sadd.s32 @!p0 s3, s7;
	s7 =	simm.s32 @!p0 $0x108  }
0x21: {  	s3 =	sadd.s32 s3, s9;
	s6 =	sadd.s32 @!p0 $0x88, s6;
	s7 =	simm.s32 @p2 $0x1082  }
0x22: {  	[simem:s7], [sflag:s8] =	dma.local @!p0 [hbm:s6], $0xF7A  }
0x23: {  	s9 =	sor.u32 $0xD0000000, s2;
	s6 =	simm.s32 $0x108;
	_ =	swait.ge @!p0 [sflag:s8], $0x0  }
0x24: {  	s3 =	sadd.s32 $0x88, s3;
	s6 =	simm.s32 @!p1 $0x1082;
	[sflag:s4] =	ssyncset.s32 $0xFFFFF086  }
0x25: {  	[simem:s6], [sflag:s4] =	dma.local [hbm:s3], $0xF7A  }
0x26: {  	[smem:$0x3F9F] =	sst s1;
	(tag) =	ssettag s2;
	_ =	strace s9  }
0x27: {  	s1 =	sld [smem:$0x3FAF]  }
0x28: {  	s2 =	sld [smem:$0x3FB0]  }
0x29: {  	s4 =	sld [smem:$0x3FB2]  }
0x2a: {  	p0 =	seq.s32 s5, $0x0;
	s5 =	sld [smem:$0x3FB3]  }
0x2b: {  	s6 =	sld [smem:$0x3FB4]  }
0x2c: {  	s7 =	sld [smem:$0x3FB5]  }
0x2d: {  	s3 =	simm.s32 $0x108;
	s8 =	sld [smem:$0x3FB6]  }
0x2e: {  	s3 =	simm.s32 @!p0 $0x1082;
	s9 =	sld [smem:$0x3FB7]  }
0x2f: {  	lr =	sadd.s32 s0, s3;
	s0 =	sld [smem:$0x3FAE]  }
0x30: {  	s3 =	sld [smem:$0x3FB1]  }
0x31: {  	[smem:$0x3FBA] =	sst s10  }
0x32: {  	s10 =	sld [smem:$0x3FB8];
	_ =	sdelay $0x3  }
0x33: {  	p0 =	seq.s32 s10, $0x1;
	s10 =	sld [smem:$0x3FBA];
	_ =	sdelay $0x3  }
0x34: {  	[smem:$0x3FBA] =	sst s10  }
0x35: {  	s10 =	sld [smem:$0x3FB9];
	_ =	sdelay $0x3  }
0x36: {  	p1 =	seq.s32 s10, $0x1;
	s10 =	sld [smem:$0x3FBA];
	_ =	sdelay $0x3  }
0x37: {  	[smem:$0x3FBA] =	sst s10  }
0x38: {  	s10 =	sld [smem:$0x3FBB]  }
0x39: {  	_ = 	snop;
	(pc) =	sbr.ind lr, $3  }
0x3a: {  	_ = 	snop  }
0x3b: {  	_ = 	snop  }
0x3c: {  	p2 =	seq.s32 s10, $0x1;
	s10 =	sld [smem:$0x3FBA]  }
0x3d: {  	_ =	shalt  }
0x3e: {  	_ =	shalt  }
0x3f: {  	_ =	shalt  }
0x40: {  	_ =	shalt  }
0x41: {  	_ =	shalt  }
0x42: {  	_ =	shalt  }
0x43: {  	_ =	shalt  }
0x44: {  	_ =	shalt  }
0x45: {  	_ =	shalt  }
0x46: {  	_ =	shalt  }
0x47: {  	_ =	shalt  }
0x48: {  	_ =	shalt  }
0x49: {  	_ =	shalt  }
0x4a: {  	_ =	shalt  }
0x4b: {  	_ =	shalt  }
0x4c: {  	_ =	shalt  }
0x4d: {  	_ =	shalt  }
0x4e: {  	_ =	shalt  }
0x4f: {  	_ =	shalt  }
0x50: {  	_ =	shalt  }
0x51: {  	_ =	shalt  }
0x52: {  	_ =	shalt  }
0x53: {  	_ =	shalt  }
0x54: {  	_ =	shalt  }
0x55: {  	_ =	shalt  }
0x56: {  	_ =	shalt  }
0x57: {  	_ =	shalt  }
0x58: {  	_ =	shalt  }
0x59: {  	_ =	shalt  }
0x5a: {  	_ =	shalt  }
0x5b: {  	_ =	shalt  }
0x5c: {  	_ =	shalt  }
0x5d: {  	_ =	shalt  }
0x5e: {  	_ =	shalt  }
0x5f: {  	_ =	shalt  }
0x60: {  	_ =	shalt  }
0x61: {  	_ =	shalt  }
0x62: {  	_ =	shalt  }
0x63: {  	_ =	shalt  }
0x64: {  	_ =	shalt  }
0x65: {  	_ =	shalt  }
0x66: {  	_ =	shalt  }
0x67: {  	_ =	shalt  }
0x68: {  	_ =	shalt  }
0x69: {  	_ =	shalt  }
0x6a: {  	_ =	shalt  }
0x6b: {  	_ =	shalt  }
0x6c: {  	_ =	shalt  }
0x6d: {  	_ =	shalt  }
0x6e: {  	_ =	shalt  }
0x6f: {  	_ =	shalt  }
0x70: {  	_ =	shalt  }
0x71: {  	_ =	shalt  }
0x72: {  	_ =	shalt  }
0x73: {  	_ =	shalt  }
0x74: {  	_ =	shalt  }
0x75: {  	_ =	shalt  }
0x76: {  	_ =	shalt  }
0x77: {  	_ =	shalt  }
0x78: {  	_ =	shalt  }
0x79: {  	_ =	shalt  }
0x7a: {  	_ =	shalt  }
0x7b: {  	_ =	shalt  }
0x7c: {  	_ =	shalt  }
0x7d: {  	_ =	shalt  }
0x7e: {  	_ =	shalt  }
0x7f: {  	_ =	shalt  }
0x80: {  	_ =	shalt  }
0x81: {  	_ =	shalt  }
0x82: {  	_ =	shalt  }
0x83: {  	_ =	shalt  }
0x84: {  	_ =	shalt  }
0x85: {  	_ =	shalt  }
0x86: {  	_ =	shalt  }
0x87: {  	_ =	shalt  }
.Lfunc_end0:
.L_simem_size_0:
called_computation.1_lowered:
.L_overlay_start_0:
0x88: {  	s2 =	sld [smem:$0x3FD9]  }
0x89: {  	s3 =	sld [smem:$0x3FFE];
	_ =	sdelay $0x1  }
0x8a: {  	s1 =	srdreg.scid  }
0x8b: {  	s0 =	sand.u32 $0x1, s1  }
0x8c: {  	s17 =	sshll.u32 s0, $0xA;
	s2 =	sadd.s32 s3, s2  }
0x8d: {  	s2 =	sadd.s32 s2, s17  }
0x8e: {  	[smem:$0x3FC6] =	sst s2  }
0x8f: {  	_ = 	snop  }
0x90: {  	s2 =	sld [smem:$0x3FC9]  }
0x91: {  	s18 =	sld [smem:$0x3FD0];
	(tm) =	ssettm $0x1  }
0x92: {  	s4 =	sld [smem:$0x3FFB];
	_ =	sdelay $0x3  }
0x93: {  	_ =	strace s4  }
0x94: {  	s4 =	sld [smem:$0x3FFC];
	_ =	sdelay $0x3  }
0x95: {  	_ =	strace s4  }
0x96: {  	s4 =	sld [smem:$0x3FFD];
	_ =	sdelay $0x3  }
0x97: {  	_ =	strace s4  }
0x98: {  	_ =	strace $0x8FFFFFFF  }
0x99: {  	s19 =	sld [smem:$0x3FDB];
	_ =	sdelay $0x1  }
0x9a: {  	s5 =	simm.s32 $_scs_section_size  }
0x9b: {  	s6 =	simm.s32 $_size__tile_overlayer_lowered;
	s7 =	simm.s32 $_tile_overlayer_lowered  }
0x9c: {  	s22 =	simm.s32 $0x1BFF;
	s21 =	sshll.u32 s7, $0x1;
	s4 =	sadd.s32 s5, s19  }
0x9d: {  	s8 =	simm.s32 $0x0;
	s20 =	sshll.u32 s6, $0x1;
	s6 =	sadd.s32 s21, s4  }
0x9e: {  	[timem:s8], [sflag:s22] =	dma.local [hbm:s6], s20  }
0x9f: {  	_ =	swait.ge [sflag:s22], s20  }
0xa0: {  	s5 =	ssub.s32 $0x0, s20;
	[sflag:s22] =	ssyncset.done $0x0  }
0xa1: {  	[sflag:s22] =	ssyncadd.s32 s5;
	_ =	sdelay $0x1  }
0xa2: {  	s23 =	simm.s32 $0x1B8B  }
0xa3: {  	_ =	swait.ge [sflag:s23], $0x1  }
0xa4: {  	[sflag:s23] =	ssyncset.done $0x0  }
0xa5: {  	s25 =	simm.s32 $0x1B8E;
	s24 =	sld [smem:$0x3FFE];
	[sflag:s23] =	ssyncadd.s32 $0xFFFFFFFF  }
0xa6: {  	s26 =	simm.s32 $execute0_lowered;
	[smem:$0x3FD2] =	sst s25  }
0xa7: {  	s6 =	sshll.u32 s26, $0x1;
	_ =	strace $0x80000046;
	[dreg:$0x1] =	wrdreg $0xFFFFFFFF  }
0xa8: {  	s28 =	simm.s32 $_size_execute0_lowered;
	s4 =	sadd.s32 s4, s6;
	[dreg:$0x0] =	wrdreg $0x0  }
0xa9: {  	s6 =	sshll.u32 s28, $0x1;
	[dreg:$0x2] =	wrdreg s4  }
0xaa: {  	[dreg:$0x3] =	wrdreg s6  }
0xab: {  	[dreg:$0x4] =	wrdreg $0xC0  }
0xac: {  	_ =	task [dreg:s8], $0x5FFFF  }
0xad: {  	[dreg:$0x1] =	wrdreg $0xFFFFFFFF  }
0xae: {  	[dreg:$0x0] =	wrdreg $0x60  }
0xaf: {  	[dreg:$0x2] =	wrdreg s2  }
0xb0: {  	[dreg:$0x3] =	wrdreg s24  }
0xb1: {  	[dreg:$0x4] =	wrdreg s18  }
0xb2: {  	[dreg:$0x5] =	wrdreg $0x9  }
0xb3: {  	_ =	task.clear_ibuf [dreg:s8], $0x6FFFF;
	_ =	strace $0x90000046  }
0xb4: {  	s29 =	simm.s32 $0x9;
	_ =	strace $0x80000048  }
0xb5: {  	_ =	swait.ge [sflag:s29], $0x1  }
0xb6: {  	[sflag:s29] =	ssyncadd.s32 $0xFFFFFFFF  }
0xb7: {  	_ =	strace $0x90000048  }
0xb8: {  	_ =	sfence  }
0xb9: {  	s30 =	sld [smem:$0x0];
	_ =	sdelay $0x2  }
0xba: {  	s31 =	sshll.u32 s1, $0xD;
	s1 =	sshrl.u32 s1, $0x2  }
0xbb: {  	s3 =	sand.u32 $0x4000, s31;
	s1 =	sadd.s32 s1, s30  }
0xbc: {  	s0 =	sor.u32 s3, s0;
	s1 =	sshll.u32 s1, $0x11  }
0xbd: {  	s0 =	sor.u32 s1, s0  }
0xbe: {  	s0 =	sadd.s32 $0x8F2B, s0  }
0xbf: {  	[sflag:s0] =	ssyncadd.remote.s32 $0x1  }
0xc0: {  	_ =	sfence.sel $0xFFFF  }
0xc1: {  	[dreg:$0x0] =	wrdreg $0xFFFFFFFF;
	(pc) =	sbr.abs _section_cstart, $3  }
0xc2: {  	[dreg:$0x1] =	wrdreg $0xFFFFFFFF  }
0xc3: {  	_ =	task.clear_ibuf [dreg:s8], $0x2FFFF;
	_ =	strace $0x9FFFFFFF  }
0xc4: {  	(tm) =	ssettm $0x7FFFFFFF  }
0xc5: {  	_ =	shalt  }
tec
execute0_lowered:
.L_overlay_start_1:
0x0: {  	(tag) =	ssettag $0x1  }
0x1: {  	s0 =	srdreg.scid;
	s19 =	stileid.u32  }
0x2: {  	s1 =	sand.u32 $0x1, s0;
	s20 =	sshll.u32 s19, $0x1  }
0x3: {  	s0 =	sor.u32 s1, s20  }
0x4: {  	s4 =	rddreg [dreg:$0x0];
	s6 =	smul.u32 $0xC80, s0  }
0x5: {  	s3 =	rddreg [dreg:$0x1];
	s2 =	simm.s32 $0x0;
	s7 =	smul.u32 $0x19000, s0  }
0x6: {  	[smem:$0x7FF] =	sst s2;
	s0 =	smul.u32 $0xC8000, s0  }
0x7: {  	s5 =	rddreg [dreg:$0x2];
	_ =	strace $0x80000047  }
0x8: {  	s4 =	sadd.s32 s4, s6;
	s30 =	sadd.s32 s5, s7;
	s0 =	sshrl.u32 s0, $0x3  }
0x9: {  	[dreg:$0x4] =	wrdreg s4;
	s21 =	sadd.s32 $0xA00, s30;
	s4 =	sadd.s32 s5, s0  }
0xa: {  	[dreg:$0x5] =	wrdreg s21;
	s0 =	sadd.s32 $0x1400, s4  }
0xb: {  	s22 =	sadd.s32 $0x1E00, s4;
	[dreg:$0x6] =	wrdreg s0  }
0xc: {  	s23 =	sadd.s32 $0x2800, s4;
	[dreg:$0x7] =	wrdreg s22  }
0xd: {  	s24 =	sadd.s32 $0x3200, s4;
	[dreg:$0x8] =	wrdreg s23  }
0xe: {  	s25 =	sadd.s32 $0x3C00, s4;
	[dreg:$0x9] =	wrdreg s24  }
0xf: {  	s26 =	sadd.s32 $0x4600, s4;
	[dreg:$0xa] =	wrdreg s25  }
0x10: {  	s5 =	sadd.s32 $0x5000, s4;
	[dreg:$0xb] =	wrdreg s26  }
0x11: {  	s6 =	sadd.s32 $0x5A00, s4;
	[dreg:$0xc] =	wrdreg s5  }
0x12: {  	s7 =	sadd.s32 $0x6400, s4;
	[dreg:$0xd] =	wrdreg s6  }
0x13: {  	s8 =	sadd.s32 $0x6E00, s4;
	[dreg:$0xe] =	wrdreg s7  }
0x14: {  	s9 =	sadd.s32 $0x7800, s4;
	[dreg:$0xf] =	wrdreg s8  }
0x15: {  	s10 =	sadd.s32 $0x8200, s4;
	[dreg:$0x10] =	wrdreg s9  }
0x16: {  	s11 =	sadd.s32 $0x8C00, s4;
	[dreg:$0x11] =	wrdreg s10  }
0x17: {  	s12 =	sadd.s32 $0x9600, s4;
	[dreg:$0x12] =	wrdreg s11  }
0x18: {  	s13 =	sadd.s32 $0xA000, s4;
	[dreg:$0x13] =	wrdreg s12  }
0x19: {  	s14 =	sadd.s32 $0xAA00, s4;
	[dreg:$0x14] =	wrdreg s13  }
0x1a: {  	s15 =	sadd.s32 $0xB400, s4;
	[dreg:$0x15] =	wrdreg s14  }
0x1b: {  	s16 =	sadd.s32 $0xBE00, s4;
	[dreg:$0x16] =	wrdreg s15  }
0x1c: {  	s17 =	sadd.s32 $0xC800, s4;
	[dreg:$0x17] =	wrdreg s16  }
0x1d: {  	s18 =	sadd.s32 $0xD200, s4;
	[dreg:$0x18] =	wrdreg s17  }
0x1e: {  	s20 =	sadd.s32 $0xDC00, s4;
	[dreg:$0x19] =	wrdreg s18  }
0x1f: {  	s21 =	sadd.s32 $0xE600, s4;
	[dreg:$0x1a] =	wrdreg s20  }
0x20: {  	[dreg:$0x1b] =	wrdreg s21  }
0x21: {  	s22 =	sadd.s32 $0xF000, s4;
	s0 =	rddreg [dreg:$0x4]  }
0x22: {  	s23 =	sadd.s32 $0xFA00, s4;
	[dreg:$0x1c] =	wrdreg s22  }
0x23: {  	s24 =	sadd.s32 $0x10400, s4;
	[dreg:$0x1d] =	wrdreg s23  }
0x24: {  	s25 =	sadd.s32 $0x10E00, s4;
	[dreg:$0x1e] =	wrdreg s24  }
0x25: {  	s26 =	sadd.s32 $0x11800, s4;
	[dreg:$0x1f] =	wrdreg s25  }
0x26: {  	s5 =	sadd.s32 $0x12200, s4;
	[smem:$0x7D6] =	sst s26  }
0x27: {  	s6 =	sadd.s32 $0x12C00, s4;
	[smem:$0x7D7] =	sst s5  }
0x28: {  	s7 =	sadd.s32 $0x13600, s4;
	[smem:$0x7D8] =	sst s6  }
0x29: {  	s8 =	sadd.s32 $0x14000, s4;
	[smem:$0x7D9] =	sst s7  }
0x2a: {  	s9 =	sadd.s32 $0x14A00, s4;
	[smem:$0x7DA] =	sst s8  }
0x2b: {  	s10 =	sadd.s32 $0x15400, s4;
	[smem:$0x7DB] =	sst s9  }
0x2c: {  	s11 =	sadd.s32 $0x15E00, s4;
	[smem:$0x7DC] =	sst s10  }
0x2d: {  	s12 =	sadd.s32 $0x16800, s4;
	[smem:$0x7DD] =	sst s11  }
0x2e: {  	s13 =	sadd.s32 $0x17200, s4;
	[smem:$0x7DE] =	sst s12  }
0x2f: {  	s14 =	sadd.s32 $0x17C00, s4;
	[smem:$0x7DF] =	sst s13  }
0x30: {  	s15 =	sadd.s32 $0x18600, s4;
	[smem:$0x7E0] =	sst s14  }
0x31: {  	s16 =	simm.s32 $0x500;
	[smem:$0x7E1] =	sst s15  }
0x32: {  	s17 =	simm.s32 $0x780;
	[smem:$0x7E2] =	sst s16  }
0x33: {  	s18 =	simm.s32 $0xA00;
	[smem:$0x7E3] =	sst s17  }
0x34: {  	s20 =	simm.s32 $0xC80;
	[smem:$0x7E4] =	sst s18  }
0x35: {  	s21 =	simm.s32 $0xF00;
	[smem:$0x7E5] =	sst s20  }
0x36: {  	s31 =	simm.s32 $0xA;
	[smem:$0x7E6] =	sst s21;
	s22 =	simm.s32 $0x1180  }
0x37: {  	s29 =	simm.s32 $0x4D80;
	s23 =	simm.s32 $0x1400;
	[smem:$0x7E7] =	sst s22  }
0x38: {  	s28 =	simm.s32 $0x5000;
	s24 =	simm.s32 $0x1680;
	[smem:$0x7E8] =	sst s23  }
0x39: {  	p0 =	por $0x0, $0x0;
	s25 =	simm.s32 $0x1900;
	[smem:$0x7E9] =	sst s24  }
0x3a: {  	s3 =	sadd.s32 $0xF42C00, s3;
	s5 =	simm.s32 $0x1B80;
	[smem:$0x7EA] =	sst s25  }
0x3b: {  	s1 =	ssub.s32 $0x2, s1;
	s6 =	simm.s32 $0x1E00;
	[smem:$0x7EB] =	sst s5  }
0x3c: {  	s4 =	simm.s32 $0x15400;
	s7 =	simm.s32 $0x2080;
	[smem:$0x7EC] =	sst s6  }
0x3d: {  	s26 =	sshrl.u32 s1, $0x1;
	s8 =	simm.s32 $0x2300;
	[smem:$0x7ED] =	sst s7  }
0x3e: {  	s9 =	simm.s32 $0x2580;
	s11 =	simm.s32 $0x6400;
	[smem:$0x7EE] =	sst s8  }
0x3f: {  	s10 =	simm.s32 $0x2800;
	s12 =	simm.s32 $0x2A80;
	[smem:$0x7EF] =	sst s9  }
0x40: {  	s13 =	simm.s32 $0x2D00;
	s14 =	simm.s32 $0x2F80;
	[smem:$0x7F0] =	sst s10  }
0x41: {  	s15 =	simm.s32 $0x1;
	s16 =	simm.s32 $0x3200;
	[smem:$0x7F1] =	sst s12  }
0x42: {  	s17 =	simm.s32 $0x3480;
	s18 =	simm.s32 $0x3700;
	[smem:$0x7F2] =	sst s13  }
0x43: {  	s20 =	simm.s32 $0x3980;
	s21 =	simm.s32 $0x3C00;
	[smem:$0x7F3] =	sst s14  }
0x44: {  	s1 =	ssub.s32 s1, s26;
	s7 =	simm.s32 $0x280;
	[smem:$0x7F4] =	sst s16  }
0x45: {  	s8 =	simm.s32 $0xB400;
	s6 =	simm.s32 $0x10400;
	[smem:$0x7F5] =	sst s17  }
0x46: {  	s5 =	simm.s32 $0x1A400;
	s16 =	simm.s32 $0x2;
	[smem:$0x7F6] =	sst s18  }
0x47: {  	s9 =	simm.s32 $0x5;
	s17 =	simm.s32 $0x3;
	[smem:$0x7F7] =	sst s20  }
0x48: {  	s10 =	simm.s32 $0x6;
	[smem:$0x7F8] =	sst s21;
	s22 =	simm.s32 $0x3E80  }
0x49: {  	s18 =	simm.s32 $0x4;
	s23 =	simm.s32 $0x4100;
	s12 =	simm.s32 $0x7  }
0x4a: {  	s24 =	simm.s32 $0x4380;
	s1 =	smax.u32 s1, $0x1;
	[smem:$0x7F9] =	sst s22  }
0x4b: {  	s13 =	simm.s32 $0x8;
	[smem:$0x7FA] =	sst s23;
	p1 =	sne.s32 s1, $0x1  }
.Ltmp0:
0x4c: {  	s25 =	simm.s32 $0x4600;
	[smem:$0x7FB] =	sst s24;
	(pc) =	sbr.rel @!p1 .LBB2_1-.Ltmp0, $4  }
0x4d: {  	s14 =	simm.s32 $0x9;
	s26 =	simm.s32 $0x4880;
	[smem:$0x7FC] =	sst s25  }
0x4e: {  	s21 =	simm.s32 $0x5F00;
	s20 =	simm.s32 $0x6180;
	[smem:$0x7FD] =	sst s26  }
0x4f: {  	s26 =	simm.s32 $0x5280;
	s25 =	simm.s32 $0x5500;
	s24 =	simm.s32 $0x5780  }
0x50: {  	s23 =	simm.s32 $0x5A00;
	s22 =	simm.s32 $0x5C80;
	s1 =	sadd.s32 $0xFFFFFFFF, s1  }
0x51: {  	[tilespmem:s2], [sflag:$0xA] =	stream.linear.gather [hbm4b:s0+s2], $0x6400, $0x38;
	[tilespmem:$0x1F400] =	vst v63  }
0x52: {  	_ =	swait.ge [sflag:s31], $0x6400  }
0x53: {  	[sflag:s31] =	ssyncset.done $0x0  }
0x54: {  	[sflag:s31] =	ssyncadd.s32 $0xFFFF9C00  }
0x55: {  	[tilespmem:s11], [sflag:$0x1] =	stream.indirect.gather [hbm4b:s3+s7], $0x20, s2, s7, $0xb8;
	[tilespmem:$0x1F400] =	vst v63  }
0x56: {  	s0 =	sld [smem:$0x7E2]  }
0x57: {  	[tilespmem:s8], [sflag:$0x2] =	stream.indirect.gather [hbm4b:s3+s7], $0x20, s7, s7, $0xb8;
	[tilespmem:$0x1F400] =	vst v63  }
0x58: {  	s19 =	smov.u32 s1;
	s1 =	sld [smem:$0x7E3]  }
0x59: {  	[tilespmem:s6], [sflag:$0x3] =	stream.indirect.gather [hbm4b:s3+s7], $0x20, s0, s7, $0xb8;
	[tilespmem:$0x1F400] =	vst v63  }
0x5a: {  	_ = 	snop  }
0x5b: {  	[tilespmem:s4], [sflag:$0x4] =	stream.indirect.gather [hbm4b:s3+s7], $0x20, s1, s7, $0xb8;
	[tilespmem:$0x1F400] =	vst v63  }
0x5c: {  	_ =	swait.ge [sflag:s15], $0x5000  }
0x5d: {  	[sflag:s15] =	ssyncset.done $0x0  }
0x5e: {  	s1 =	sld [smem:$0x7E4];
	[sflag:s15] =	ssyncadd.s32 $0xFFFFB000  }
0x5f: {  	[hbm4b:s30+s2] =	stream.linear.scatter [tilespmem:s11], [sflag:$0x5], $0x5000, $0x38;
	[tilespmem:$0x1F400] =	vst v63  }
0x60: {  	_ = 	snop  }
0x61: {  	[tilespmem:s5], [sflag:$0x1] =	stream.indirect.gather [hbm4b:s3+s7], $0x20, s1, s7, $0xb8;
	[tilespmem:$0x1F400] =	vst v63  }
0x62: {  	_ =	swait.ge [sflag:s16], $0x5000  }
0x63: {  	[sflag:s16] =	ssyncset.done $0x0  }
0x64: {  	s1 =	rddreg [dreg:$0x5];
	[sflag:s16] =	ssyncadd.s32 $0xFFFFB000  }
0x65: {  	[hbm4b:s1+s2] =	stream.linear.scatter [tilespmem:s8], [sflag:$0x6], $0x5000, $0x38;
	[tilespmem:$0x1F400] =	vst v63  }
0x66: {  	_ =	swait.ge [sflag:s9], $0x5000  }
0x67: {  	s1 =	sld [smem:$0x7E5]  }
0x68: {  	[sflag:s9] =	ssyncset.done $0x0  }
0x69: {  	[sflag:s9] =	ssyncadd.s32 $0xFFFFB000  }
0x6a: {  	[tilespmem:s11], [sflag:$0x2] =	stream.indirect.gather [hbm4b:s3+s7], $0x20, s1, s7, $0xb8;
	[tilespmem:$0x1F400] =	vst v63  }
0x6b: {  	_ =	swait.ge [sflag:s17], $0x5000  }
0x6c: {  	[sflag:s17] =	ssyncset.done $0x0  }
0x6d: {  	s1 =	rddreg [dreg:$0x6];
	[sflag:s17] =	ssyncadd.s32 $0xFFFFB000  }
0x6e: {  	[hbm4b:s1+s2] =	stream.linear.scatter [tilespmem:s6], [sflag:$0x7], $0x5000, $0x38;
	[tilespmem:$0x1F400] =	vst v63  }
0x6f: {  	_ =	swait.ge [sflag:s10], $0x5000  }
0x70: {  	s1 =	sld [smem:$0x7E6]  }
0x71: {  	[sflag:s10] =	ssyncset.done $0x0  }
0x72: {  	[sflag:s10] =	ssyncadd.s32 $0xFFFFB000  }
0x73: {  	[tilespmem:s8], [sflag:$0x3] =	stream.indirect.gather [hbm4b:s3+s7], $0x20, s1, s7, $0xb8;
	[tilespmem:$0x1F400] =	vst v63  }
0x74: {  	_ =	swait.ge [sflag:s18], $0x5000  }
0x75: {  	[sflag:s18] =	ssyncset.done $0x0  }
0x76: {  	s1 =	rddreg [dreg:$0x7];
	[sflag:s18] =	ssyncadd.s32 $0xFFFFB000  }
0x77: {  	[hbm4b:s1+s2] =	stream.linear.scatter [tilespmem:s4], [sflag:$0x8], $0x5000, $0x38;
	[tilespmem:$0x1F400] =	vst v63  }
0x78: {  	_ =	swait.ge [sflag:s12], $0x5000  }
0x79: {  	s1 =	sld [smem:$0x7E7]  }
0x7a: {  	[sflag:s12] =	ssyncset.done $0x0  }
0x7b: {  	[sflag:s12] =	ssyncadd.s32 $0xFFFFB000  }
0x7c: {  	[tilespmem:s6], [sflag:$0x4] =	stream.indirect.gather [hbm4b:s3+s7], $0x20, s1, s7, $0xb8;
	[tilespmem:$0x1F400] =	vst v63  }
0x7d: {  	_ =	swait.ge [sflag:s15], $0x5000  }
0x7e: {  	[sflag:s15] =	ssyncset.done $0x0  }
0x7f: {  	s1 =	rddreg [dreg:$0x8];
	[sflag:s15] =	ssyncadd.s32 $0xFFFFB000  }
0x80: {  	[hbm4b:s1+s2] =	stream.linear.scatter [tilespmem:s5], [sflag:$0x9], $0x5000, $0x38;
	[tilespmem:$0x1F400] =	vst v63  }
0x81: {  	_ =	swait.ge [sflag:s13], $0x5000  }
0x82: {  	s1 =	sld [smem:$0x7E8]  }
0x83: {  	[sflag:s13] =	ssyncset.done $0x0  }
0x84: {  	[sflag:s13] =	ssyncadd.s32 $0xFFFFB000  }
0x85: {  	[tilespmem:s4], [sflag:$0x1] =	stream.indirect.gather [hbm4b:s3+s7], $0x20, s1, s7, $0xb8;
	[tilespmem:$0x1F400] =	vst v63  }
0x86: {  	_ =	swait.ge [sflag:s16], $0x5000  }
0x87: {  	[sflag:s16] =	ssyncset.done $0x0  }
0x88: {  	s1 =	rddreg [dreg:$0x9];
	[sflag:s16] =	ssyncadd.s32 $0xFFFFB000  }
0x89: {  	[hbm4b:s1+s2] =	stream.linear.scatter [tilespmem:s11], [sflag:$0x5], $0x5000, $0x38;
	[tilespmem:$0x1F400] =	vst v63  }
0x8a: {  	_ =	swait.ge [sflag:s14], $0x5000  }
0x8b: {  	s1 =	sld [smem:$0x7E9]  }
0x8c: {  	[sflag:s14] =	ssyncset.done $0x0  }
0x8d: {  	[sflag:s14] =	ssyncadd.s32 $0xFFFFB000  }
0x8e: {  	[tilespmem:s5], [sflag:$0x2] =	stream.indirect.gather [hbm4b:s3+s7], $0x20, s1, s7, $0xb8;
	[tilespmem:$0x1F400] =	vst v63  }
0x8f: {  	_ =	swait.ge [sflag:s17], $0x5000  }
0x90: {  	[sflag:s17] =	ssyncset.done $0x0  }
0x91: {  	s1 =	rddreg [dreg:$0xa];
	[sflag:s17] =	ssyncadd.s32 $0xFFFFB000  }
0x92: {  	[hbm4b:s1+s2] =	stream.linear.scatter [tilespmem:s8], [sflag:$0x6], $0x5000, $0x38;
	[tilespmem:$0x1F400] =	vst v63  }
0x93: {  	_ =	swait.ge [sflag:s9], $0x5000  }
0x94: {  	s1 =	sld [smem:$0x7EA]  }
0x95: {  	[sflag:s9] =	ssyncset.done $0x0  }
0x96: {  	[sflag:s9] =	ssyncadd.s32 $0xFFFFB000  }
0x97: {  	[tilespmem:s11], [sflag:$0x3] =	stream.indirect.gather [hbm4b:s3+s7], $0x20, s1, s7, $0xb8;
	[tilespmem:$0x1F400] =	vst v63  }
0x98: {  	_ =	swait.ge [sflag:s18], $0x5000  }
0x99: {  	[sflag:s18] =	ssyncset.done $0x0  }
0x9a: {  	s1 =	rddreg [dreg:$0xb];
	[sflag:s18] =	ssyncadd.s32 $0xFFFFB000  }
0x9b: {  	[hbm4b:s1+s2] =	stream.linear.scatter [tilespmem:s6], [sflag:$0x7], $0x5000, $0x38;
	[tilespmem:$0x1F400] =	vst v63  }
0x9c: {  	_ =	swait.ge [sflag:s10], $0x5000  }
0x9d: {  	s1 =	sld [smem:$0x7EB]  }
0x9e: {  	[sflag:s10] =	ssyncset.done $0x0  }
0x9f: {  	[sflag:s10] =	ssyncadd.s32 $0xFFFFB000  }
0xa0: {  	[tilespmem:s8], [sflag:$0x4] =	stream.indirect.gather [hbm4b:s3+s7], $0x20, s1, s7, $0xb8;
	[tilespmem:$0x1F400] =	vst v63  }
0xa1: {  	_ =	swait.ge [sflag:s15], $0x5000  }
0xa2: {  	[sflag:s15] =	ssyncset.done $0x0  }
0xa3: {  	s1 =	rddreg [dreg:$0xc];
	[sflag:s15] =	ssyncadd.s32 $0xFFFFB000  }
0xa4: {  	[hbm4b:s1+s2] =	stream.linear.scatter [tilespmem:s4], [sflag:$0x8], $0x5000, $0x38;
	[tilespmem:$0x1F400] =	vst v63  }
0xa5: {  	_ =	swait.ge [sflag:s12], $0x5000  }
0xa6: {  	s1 =	sld [smem:$0x7EC]  }
0xa7: {  	[sflag:s12] =	ssyncset.done $0x0  }
0xa8: {  	[sflag:s12] =	ssyncadd.s32 $0xFFFFB000  }
0xa9: {  	[tilespmem:s6], [sflag:$0x1] =	stream.indirect.gather [hbm4b:s3+s7], $0x20, s1, s7, $0xb8;
	[tilespmem:$0x1F400] =	vst v63  }
0xaa: {  	_ =	swait.ge [sflag:s16], $0x5000  }
0xab: {  	[sflag:s16] =	ssyncset.done $0x0  }
0xac: {  	s1 =	rddreg [dreg:$0xd];
	[sflag:s16] =	ssyncadd.s32 $0xFFFFB000  }
0xad: {  	[hbm4b:s1+s2] =	stream.linear.scatter [tilespmem:s5], [sflag:$0x9], $0x5000, $0x38;
	[tilespmem:$0x1F400] =	vst v63  }
0xae: {  	_ =	swait.ge [sflag:s13], $0x5000  }
0xaf: {  	s1 =	sld [smem:$0x7ED]  }
0xb0: {  	[sflag:s13] =	ssyncset.done $0x0  }
0xb1: {  	[sflag:s13] =	ssyncadd.s32 $0xFFFFB000  }
0xb2: {  	[tilespmem:s4], [sflag:$0x2] =	stream.indirect.gather [hbm4b:s3+s7], $0x20, s1, s7, $0xb8;
	[tilespmem:$0x1F400] =	vst v63  }
0xb3: {  	_ =	swait.ge [sflag:s17], $0x5000  }
0xb4: {  	[sflag:s17] =	ssyncset.done $0x0  }
0xb5: {  	s1 =	rddreg [dreg:$0xe];
	[sflag:s17] =	ssyncadd.s32 $0xFFFFB000  }
0xb6: {  	[hbm4b:s1+s2] =	stream.linear.scatter [tilespmem:s11], [sflag:$0x5], $0x5000, $0x38;
	[tilespmem:$0x1F400] =	vst v63  }
0xb7: {  	_ =	swait.ge [sflag:s14], $0x5000  }
0xb8: {  	s1 =	sld [smem:$0x7EE]  }
0xb9: {  	[sflag:s14] =	ssyncset.done $0x0  }
0xba: {  	[sflag:s14] =	ssyncadd.s32 $0xFFFFB000  }
0xbb: {  	[tilespmem:s5], [sflag:$0x3] =	stream.indirect.gather [hbm4b:s3+s7], $0x20, s1, s7, $0xb8;
	[tilespmem:$0x1F400] =	vst v63  }
0xbc: {  	_ =	swait.ge [sflag:s18], $0x5000  }
0xbd: {  	[sflag:s18] =	ssyncset.done $0x0  }
0xbe: {  	s1 =	rddreg [dreg:$0xf];
	[sflag:s18] =	ssyncadd.s32 $0xFFFFB000  }
0xbf: {  	[hbm4b:s1+s2] =	stream.linear.scatter [tilespmem:s8], [sflag:$0x6], $0x5000, $0x38;
	[tilespmem:$0x1F400] =	vst v63  }
0xc0: {  	_ =	swait.ge [sflag:s9], $0x5000  }
0xc1: {  	s1 =	sld [smem:$0x7EF]  }
0xc2: {  	[sflag:s9] =	ssyncset.done $0x0  }
0xc3: {  	[sflag:s9] =	ssyncadd.s32 $0xFFFFB000  }
0xc4: {  	[tilespmem:s11], [sflag:$0x4] =	stream.indirect.gather [hbm4b:s3+s7], $0x20, s1, s7, $0xb8;
	[tilespmem:$0x1F400] =	vst v63  }
0xc5: {  	_ =	swait.ge [sflag:s15], $0x5000  }
0xc6: {  	[sflag:s15] =	ssyncset.done $0x0  }
0xc7: {  	s1 =	rddreg [dreg:$0x10];
	[sflag:s15] =	ssyncadd.s32 $0xFFFFB000  }
0xc8: {  	[hbm4b:s1+s2] =	stream.linear.scatter [tilespmem:s6], [sflag:$0x7], $0x5000, $0x38;
	[tilespmem:$0x1F400] =	vst v63  }
0xc9: {  	_ =	swait.ge [sflag:s10], $0x5000  }
0xca: {  	s1 =	sld [smem:$0x7F0]  }
0xcb: {  	[sflag:s10] =	ssyncset.done $0x0  }
0xcc: {  	[sflag:s10] =	ssyncadd.s32 $0xFFFFB000  }
0xcd: {  	[tilespmem:s8], [sflag:$0x1] =	stream.indirect.gather [hbm4b:s3+s7], $0x20, s1, s7, $0xb8;
	[tilespmem:$0x1F400] =	vst v63  }
0xce: {  	_ =	swait.ge [sflag:s16], $0x5000  }
0xcf: {  	[sflag:s16] =	ssyncset.done $0x0  }
0xd0: {  	s1 =	rddreg [dreg:$0x11];
	[sflag:s16] =	ssyncadd.s32 $0xFFFFB000  }
0xd1: {  	[hbm4b:s1+s2] =	stream.linear.scatter [tilespmem:s4], [sflag:$0x8], $0x5000, $0x38;
	[tilespmem:$0x1F400] =	vst v63  }
0xd2: {  	_ =	swait.ge [sflag:s12], $0x5000  }
0xd3: {  	s1 =	sld [smem:$0x7F1]  }
0xd4: {  	[sflag:s12] =	ssyncset.done $0x0  }
0xd5: {  	[sflag:s12] =	ssyncadd.s32 $0xFFFFB000  }
0xd6: {  	[tilespmem:s6], [sflag:$0x2] =	stream.indirect.gather [hbm4b:s3+s7], $0x20, s1, s7, $0xb8;
	[tilespmem:$0x1F400] =	vst v63  }
0xd7: {  	_ =	swait.ge [sflag:s17], $0x5000  }
0xd8: {  	[sflag:s17] =	ssyncset.done $0x0  }
0xd9: {  	s1 =	rddreg [dreg:$0x12];
	[sflag:s17] =	ssyncadd.s32 $0xFFFFB000  }
0xda: {  	[hbm4b:s1+s2] =	stream.linear.scatter [tilespmem:s5], [sflag:$0x9], $0x5000, $0x38;
	[tilespmem:$0x1F400] =	vst v63  }
0xdb: {  	_ =	swait.ge [sflag:s13], $0x5000  }
0xdc: {  	s1 =	sld [smem:$0x7F2]  }
0xdd: {  	[sflag:s13] =	ssyncset.done $0x0  }
0xde: {  	[sflag:s13] =	ssyncadd.s32 $0xFFFFB000  }
0xdf: {  	[tilespmem:s4], [sflag:$0x3] =	stream.indirect.gather [hbm4b:s3+s7], $0x20, s1, s7, $0xb8;
	[tilespmem:$0x1F400] =	vst v63  }
0xe0: {  	_ =	swait.ge [sflag:s18], $0x5000  }
0xe1: {  	[sflag:s18] =	ssyncset.done $0x0  }
0xe2: {  	s1 =	rddreg [dreg:$0x13];
	[sflag:s18] =	ssyncadd.s32 $0xFFFFB000  }
0xe3: {  	[hbm4b:s1+s2] =	stream.linear.scatter [tilespmem:s11], [sflag:$0x5], $0x5000, $0x38;
	[tilespmem:$0x1F400] =	vst v63  }
0xe4: {  	_ =	swait.ge [sflag:s14], $0x5000  }
0xe5: {  	s1 =	sld [smem:$0x7F3]  }
0xe6: {  	[sflag:s14] =	ssyncset.done $0x0  }
0xe7: {  	[sflag:s14] =	ssyncadd.s32 $0xFFFFB000  }
0xe8: {  	[tilespmem:s5], [sflag:$0x4] =	stream.indirect.gather [hbm4b:s3+s7], $0x20, s1, s7, $0xb8;
	[tilespmem:$0x1F400] =	vst v63  }
0xe9: {  	_ =	swait.ge [sflag:s15], $0x5000  }
0xea: {  	[sflag:s15] =	ssyncset.done $0x0  }
0xeb: {  	s1 =	rddreg [dreg:$0x14];
	[sflag:s15] =	ssyncadd.s32 $0xFFFFB000  }
0xec: {  	[hbm4b:s1+s2] =	stream.linear.scatter [tilespmem:s8], [sflag:$0x6], $0x5000, $0x38;
	[tilespmem:$0x1F400] =	vst v63  }
0xed: {  	_ =	swait.ge [sflag:s9], $0x5000  }
0xee: {  	s1 =	sld [smem:$0x7F4]  }
0xef: {  	[sflag:s9] =	ssyncset.done $0x0  }
0xf0: {  	[sflag:s9] =	ssyncadd.s32 $0xFFFFB000  }
0xf1: {  	[tilespmem:s11], [sflag:$0x1] =	stream.indirect.gather [hbm4b:s3+s7], $0x20, s1, s7, $0xb8;
	[tilespmem:$0x1F400] =	vst v63  }
0xf2: {  	_ =	swait.ge [sflag:s16], $0x5000  }
0xf3: {  	[sflag:s16] =	ssyncset.done $0x0  }
0xf4: {  	s1 =	rddreg [dreg:$0x15];
	[sflag:s16] =	ssyncadd.s32 $0xFFFFB000  }
0xf5: {  	[hbm4b:s1+s2] =	stream.linear.scatter [tilespmem:s6], [sflag:$0x7], $0x5000, $0x38;
	[tilespmem:$0x1F400] =	vst v63  }
0xf6: {  	_ =	swait.ge [sflag:s10], $0x5000  }
0xf7: {  	s1 =	sld [smem:$0x7F5]  }
0xf8: {  	[sflag:s10] =	ssyncset.done $0x0  }
0xf9: {  	[sflag:s10] =	ssyncadd.s32 $0xFFFFB000  }
0xfa: {  	[tilespmem:s8], [sflag:$0x2] =	stream.indirect.gather [hbm4b:s3+s7], $0x20, s1, s7, $0xb8;
	[tilespmem:$0x1F400] =	vst v63  }
0xfb: {  	_ =	swait.ge [sflag:s17], $0x5000  }
0xfc: {  	[sflag:s17] =	ssyncset.done $0x0  }
0xfd: {  	s1 =	rddreg [dreg:$0x16];
	[sflag:s17] =	ssyncadd.s32 $0xFFFFB000  }
0xfe: {  	[hbm4b:s1+s2] =	stream.linear.scatter [tilespmem:s4], [sflag:$0x8], $0x5000, $0x38;
	[tilespmem:$0x1F400] =	vst v63  }
0xff: {  	_ =	swait.ge [sflag:s12], $0x5000  }
0x100: {  	s1 =	sld [smem:$0x7F6]  }
0x101: {  	[sflag:s12] =	ssyncset.done $0x0  }
0x102: {  	[sflag:s12] =	ssyncadd.s32 $0xFFFFB000  }
0x103: {  	[tilespmem:s6], [sflag:$0x3] =	stream.indirect.gather [hbm4b:s3+s7], $0x20, s1, s7, $0xb8;
	[tilespmem:$0x1F400] =	vst v63  }
0x104: {  	_ =	swait.ge [sflag:s18], $0x5000  }
0x105: {  	[sflag:s18] =	ssyncset.done $0x0  }
0x106: {  	s1 =	rddreg [dreg:$0x17];
	[sflag:s18] =	ssyncadd.s32 $0xFFFFB000  }
0x107: {  	[hbm4b:s1+s2] =	stream.linear.scatter [tilespmem:s5], [sflag:$0x9], $0x5000, $0x38;
	[tilespmem:$0x1F400] =	vst v63  }
0x108: {  	_ =	swait.ge [sflag:s13], $0x5000  }
0x109: {  	s1 =	sld [smem:$0x7F7]  }
0x10a: {  	[sflag:s13] =	ssyncset.done $0x0  }
0x10b: {  	[sflag:s13] =	ssyncadd.s32 $0xFFFFB000  }
0x10c: {  	[tilespmem:s4], [sflag:$0x4] =	stream.indirect.gather [hbm4b:s3+s7], $0x20, s1, s7, $0xb8;
	[tilespmem:$0x1F400] =	vst v63  }
0x10d: {  	_ =	swait.ge [sflag:s15], $0x5000  }
0x10e: {  	[sflag:s15] =	ssyncset.done $0x0  }
0x10f: {  	s1 =	rddreg [dreg:$0x18];
	[sflag:s15] =	ssyncadd.s32 $0xFFFFB000  }
0x110: {  	[hbm4b:s1+s2] =	stream.linear.scatter [tilespmem:s11], [sflag:$0x5], $0x5000, $0x38;
	[tilespmem:$0x1F400] =	vst v63  }
0x111: {  	_ =	swait.ge [sflag:s14], $0x5000  }
0x112: {  	s1 =	sld [smem:$0x7F8]  }
0x113: {  	[sflag:s14] =	ssyncset.done $0x0  }
0x114: {  	[sflag:s14] =	ssyncadd.s32 $0xFFFFB000  }
0x115: {  	[tilespmem:s5], [sflag:$0x1] =	stream.indirect.gather [hbm4b:s3+s7], $0x20, s1, s7, $0xb8;
	[tilespmem:$0x1F400] =	vst v63  }
0x116: {  	_ =	swait.ge [sflag:s16], $0x5000  }
0x117: {  	[sflag:s16] =	ssyncset.done $0x0  }
0x118: {  	s1 =	rddreg [dreg:$0x19];
	[sflag:s16] =	ssyncadd.s32 $0xFFFFB000  }
0x119: {  	[hbm4b:s1+s2] =	stream.linear.scatter [tilespmem:s8], [sflag:$0x6], $0x5000, $0x38;
	[tilespmem:$0x1F400] =	vst v63  }
0x11a: {  	_ =	swait.ge [sflag:s9], $0x5000  }
0x11b: {  	s1 =	sld [smem:$0x7F9]  }
0x11c: {  	[sflag:s9] =	ssyncset.done $0x0  }
0x11d: {  	[sflag:s9] =	ssyncadd.s32 $0xFFFFB000  }
0x11e: {  	[tilespmem:s11], [sflag:$0x2] =	stream.indirect.gather [hbm4b:s3+s7], $0x20, s1, s7, $0xb8;
	[tilespmem:$0x1F400] =	vst v63  }
0x11f: {  	_ =	swait.ge [sflag:s17], $0x5000  }
0x120: {  	[sflag:s17] =	ssyncset.done $0x0  }
0x121: {  	s1 =	rddreg [dreg:$0x1a];
	[sflag:s17] =	ssyncadd.s32 $0xFFFFB000  }
0x122: {  	[hbm4b:s1+s2] =	stream.linear.scatter [tilespmem:s6], [sflag:$0x7], $0x5000, $0x38;
	[tilespmem:$0x1F400] =	vst v63  }
0x123: {  	_ =	swait.ge [sflag:s10], $0x5000  }
0x124: {  	s1 =	sld [smem:$0x7FA]  }
0x125: {  	[sflag:s10] =	ssyncset.done $0x0  }
0x126: {  	[sflag:s10] =	ssyncadd.s32 $0xFFFFB000  }
0x127: {  	[tilespmem:s8], [sflag:$0x3] =	stream.indirect.gather [hbm4b:s3+s7], $0x20, s1, s7, $0xb8;
	[tilespmem:$0x1F400] =	vst v63  }
0x128: {  	_ =	swait.ge [sflag:s18], $0x5000  }
0x129: {  	[sflag:s18] =	ssyncset.done $0x0  }
0x12a: {  	s1 =	rddreg [dreg:$0x1b];
	[sflag:s18] =	ssyncadd.s32 $0xFFFFB000  }
0x12b: {  	[hbm4b:s1+s2] =	stream.linear.scatter [tilespmem:s4], [sflag:$0x8], $0x5000, $0x38;
	[tilespmem:$0x1F400] =	vst v63  }
0x12c: {  	_ =	swait.ge [sflag:s12], $0x5000  }
0x12d: {  	s1 =	sld [smem:$0x7FB]  }
0x12e: {  	[sflag:s12] =	ssyncset.done $0x0  }
0x12f: {  	[sflag:s12] =	ssyncadd.s32 $0xFFFFB000  }
0x130: {  	[tilespmem:s6], [sflag:$0x4] =	stream.indirect.gather [hbm4b:s3+s7], $0x20, s1, s7, $0xb8;
	[tilespmem:$0x1F400] =	vst v63  }
0x131: {  	_ =	swait.ge [sflag:s15], $0x5000  }
0x132: {  	[sflag:s15] =	ssyncset.done $0x0  }
0x133: {  	s1 =	rddreg [dreg:$0x1c];
	[sflag:s15] =	ssyncadd.s32 $0xFFFFB000  }
0x134: {  	[hbm4b:s1+s2] =	stream.linear.scatter [tilespmem:s5], [sflag:$0x9], $0x5000, $0x38;
	[tilespmem:$0x1F400] =	vst v63  }
0x135: {  	_ =	swait.ge [sflag:s13], $0x5000  }
0x136: {  	s1 =	sld [smem:$0x7FC]  }
0x137: {  	[sflag:s13] =	ssyncset.done $0x0  }
0x138: {  	[sflag:s13] =	ssyncadd.s32 $0xFFFFB000  }
0x139: {  	[tilespmem:s4], [sflag:$0x1] =	stream.indirect.gather [hbm4b:s3+s7], $0x20, s1, s7, $0xb8;
	[tilespmem:$0x1F400] =	vst v63  }
0x13a: {  	_ =	swait.ge [sflag:s16], $0x5000  }
0x13b: {  	[sflag:s16] =	ssyncset.done $0x0  }
0x13c: {  	s1 =	rddreg [dreg:$0x1d];
	[sflag:s16] =	ssyncadd.s32 $0xFFFFB000  }
0x13d: {  	[hbm4b:s1+s2] =	stream.linear.scatter [tilespmem:s11], [sflag:$0x5], $0x5000, $0x38;
	[tilespmem:$0x1F400] =	vst v63  }
0x13e: {  	_ =	swait.ge [sflag:s14], $0x5000  }
0x13f: {  	s1 =	sld [smem:$0x7FD]  }
0x140: {  	[sflag:s14] =	ssyncset.done $0x0  }
0x141: {  	[sflag:s14] =	ssyncadd.s32 $0xFFFFB000  }
0x142: {  	[tilespmem:s5], [sflag:$0x2] =	stream.indirect.gather [hbm4b:s3+s7], $0x20, s1, s7, $0xb8;
	[tilespmem:$0x1F400] =	vst v63  }
0x143: {  	_ =	swait.ge [sflag:s17], $0x5000  }
0x144: {  	[sflag:s17] =	ssyncset.done $0x0  }
0x145: {  	s1 =	rddreg [dreg:$0x1e];
	[sflag:s17] =	ssyncadd.s32 $0xFFFFB000  }
0x146: {  	[hbm4b:s1+s2] =	stream.linear.scatter [tilespmem:s8], [sflag:$0x6], $0x5000, $0x38;
	[tilespmem:$0x1F400] =	vst v63  }
0x147: {  	_ =	swait.ge [sflag:s9], $0x5000  }
0x148: {  	[sflag:s9] =	ssyncset.done $0x0  }
0x149: {  	s1 =	simm.s32 $0x4B00;
	[sflag:s9] =	ssyncadd.s32 $0xFFFFB000  }
0x14a: {  	[tilespmem:s11], [sflag:$0x3] =	stream.indirect.gather [hbm4b:s3+s7], $0x20, s1, s7, $0xb8;
	[tilespmem:$0x1F400] =	vst v63  }
0x14b: {  	_ =	swait.ge [sflag:s18], $0x5000  }
0x14c: {  	[sflag:s18] =	ssyncset.done $0x0  }
0x14d: {  	s1 =	rddreg [dreg:$0x1f];
	[sflag:s18] =	ssyncadd.s32 $0xFFFFB000  }
0x14e: {  	[hbm4b:s1+s2] =	stream.linear.scatter [tilespmem:s6], [sflag:$0x7], $0x5000, $0x38;
	[tilespmem:$0x1F400] =	vst v63  }
0x14f: {  	_ =	swait.ge [sflag:s10], $0x5000  }
0x150: {  	[sflag:s10] =	ssyncset.done $0x0  }
0x151: {  	[sflag:s10] =	ssyncadd.s32 $0xFFFFB000  }
0x152: {  	[tilespmem:s8], [sflag:$0x4] =	stream.indirect.gather [hbm4b:s3+s7], $0x20, s29, s7, $0xb8;
	[tilespmem:$0x1F400] =	vst v63  }
0x153: {  	_ =	swait.ge [sflag:s15], $0x5000  }
0x154: {  	s1 =	sld [smem:$0x7D6]  }
0x155: {  	[sflag:s15] =	ssyncset.done $0x0  }
0x156: {  	[sflag:s15] =	ssyncadd.s32 $0xFFFFB000  }
0x157: {  	[hbm4b:s1+s2] =	stream.linear.scatter [tilespmem:s4], [sflag:$0x8], $0x5000, $0x38;
	[tilespmem:$0x1F400] =	vst v63  }
0x158: {  	_ =	swait.ge [sflag:s12], $0x5000  }
0x159: {  	[sflag:s12] =	ssyncset.done $0x0  }
0x15a: {  	[sflag:s12] =	ssyncadd.s32 $0xFFFFB000  }
0x15b: {  	[tilespmem:s6], [sflag:$0x1] =	stream.indirect.gather [hbm4b:s3+s7], $0x20, s28, s7, $0xb8;
	[tilespmem:$0x1F400] =	vst v63  }
0x15c: {  	_ =	swait.ge [sflag:s16], $0x5000  }
0x15d: {  	s1 =	sld [smem:$0x7D7]  }
0x15e: {  	[sflag:s16] =	ssyncset.done $0x0  }
0x15f: {  	[sflag:s16] =	ssyncadd.s32 $0xFFFFB000  }
0x160: {  	[hbm4b:s1+s2] =	stream.linear.scatter [tilespmem:s5], [sflag:$0x9], $0x5000, $0x38;
	[tilespmem:$0x1F400] =	vst v63  }
0x161: {  	_ =	swait.ge [sflag:s13], $0x5000  }
0x162: {  	[sflag:s13] =	ssyncset.done $0x0  }
0x163: {  	[sflag:s13] =	ssyncadd.s32 $0xFFFFB000  }
0x164: {  	[tilespmem:s4], [sflag:$0x2] =	stream.indirect.gather [hbm4b:s3+s7], $0x20, s26, s7, $0xb8;
	[tilespmem:$0x1F400] =	vst v63  }
0x165: {  	_ =	swait.ge [sflag:s17], $0x5000  }
0x166: {  	s1 =	sld [smem:$0x7D8]  }
0x167: {  	[sflag:s17] =	ssyncset.done $0x0  }
0x168: {  	[sflag:s17] =	ssyncadd.s32 $0xFFFFB000  }
0x169: {  	[hbm4b:s1+s2] =	stream.linear.scatter [tilespmem:s11], [sflag:$0x5], $0x5000, $0x38;
	[tilespmem:$0x1F400] =	vst v63  }
0x16a: {  	_ =	swait.ge [sflag:s14], $0x5000  }
0x16b: {  	[sflag:s14] =	ssyncset.done $0x0  }
0x16c: {  	[sflag:s14] =	ssyncadd.s32 $0xFFFFB000  }
0x16d: {  	[tilespmem:s5], [sflag:$0x3] =	stream.indirect.gather [hbm4b:s3+s7], $0x20, s25, s7, $0xb8;
	[tilespmem:$0x1F400] =	vst v63  }
0x16e: {  	_ =	swait.ge [sflag:s18], $0x5000  }
0x16f: {  	s1 =	sld [smem:$0x7D9]  }
0x170: {  	[sflag:s18] =	ssyncset.done $0x0  }
0x171: {  	[sflag:s18] =	ssyncadd.s32 $0xFFFFB000  }
0x172: {  	[hbm4b:s1+s2] =	stream.linear.scatter [tilespmem:s8], [sflag:$0x6], $0x5000, $0x38;
	[tilespmem:$0x1F400] =	vst v63  }
0x173: {  	_ =	swait.ge [sflag:s9], $0x5000  }
0x174: {  	[sflag:s9] =	ssyncset.done $0x0  }
0x175: {  	[sflag:s9] =	ssyncadd.s32 $0xFFFFB000  }
0x176: {  	[tilespmem:s11], [sflag:$0x4] =	stream.indirect.gather [hbm4b:s3+s7], $0x20, s24, s7, $0xb8;
	[tilespmem:$0x1F400] =	vst v63  }
0x177: {  	_ =	swait.ge [sflag:s15], $0x5000  }
0x178: {  	s1 =	sld [smem:$0x7DA]  }
0x179: {  	[sflag:s15] =	ssyncset.done $0x0  }
0x17a: {  	[sflag:s15] =	ssyncadd.s32 $0xFFFFB000  }
0x17b: {  	[hbm4b:s1+s2] =	stream.linear.scatter [tilespmem:s6], [sflag:$0x7], $0x5000, $0x38;
	[tilespmem:$0x1F400] =	vst v63  }
0x17c: {  	_ =	swait.ge [sflag:s10], $0x5000  }
0x17d: {  	[sflag:s10] =	ssyncset.done $0x0  }
0x17e: {  	[sflag:s10] =	ssyncadd.s32 $0xFFFFB000  }
0x17f: {  	[tilespmem:s8], [sflag:$0x1] =	stream.indirect.gather [hbm4b:s3+s7], $0x20, s23, s7, $0xb8;
	[tilespmem:$0x1F400] =	vst v63  }
0x180: {  	_ =	swait.ge [sflag:s16], $0x5000  }
0x181: {  	s1 =	sld [smem:$0x7DB]  }
0x182: {  	[sflag:s16] =	ssyncset.done $0x0  }
0x183: {  	[sflag:s16] =	ssyncadd.s32 $0xFFFFB000  }
0x184: {  	[hbm4b:s1+s2] =	stream.linear.scatter [tilespmem:s4], [sflag:$0x8], $0x5000, $0x38;
	[tilespmem:$0x1F400] =	vst v63  }
0x185: {  	_ =	swait.ge [sflag:s12], $0x5000  }
0x186: {  	[sflag:s12] =	ssyncset.done $0x0  }
0x187: {  	[sflag:s12] =	ssyncadd.s32 $0xFFFFB000  }
0x188: {  	[tilespmem:s6], [sflag:$0x2] =	stream.indirect.gather [hbm4b:s3+s7], $0x20, s22, s7, $0xb8;
	[tilespmem:$0x1F400] =	vst v63  }
0x189: {  	_ =	swait.ge [sflag:s17], $0x5000  }
0x18a: {  	s1 =	sld [smem:$0x7DC]  }
0x18b: {  	[sflag:s17] =	ssyncset.done $0x0  }
0x18c: {  	[sflag:s17] =	ssyncadd.s32 $0xFFFFB000  }
0x18d: {  	[hbm4b:s1+s2] =	stream.linear.scatter [tilespmem:s5], [sflag:$0x9], $0x5000, $0x38;
	[tilespmem:$0x1F400] =	vst v63  }
0x18e: {  	_ =	swait.ge [sflag:s13], $0x5000  }
0x18f: {  	[sflag:s13] =	ssyncset.done $0x0  }
0x190: {  	[sflag:s13] =	ssyncadd.s32 $0xFFFFB000  }
0x191: {  	[tilespmem:s4], [sflag:$0x3] =	stream.indirect.gather [hbm4b:s3+s7], $0x20, s21, s7, $0xb8;
	[tilespmem:$0x1F400] =	vst v63  }
0x192: {  	_ =	swait.ge [sflag:s18], $0x5000  }
0x193: {  	s1 =	sld [smem:$0x7DD]  }
0x194: {  	[sflag:s18] =	ssyncset.done $0x0  }
0x195: {  	[sflag:s18] =	ssyncadd.s32 $0xFFFFB000  }
0x196: {  	[hbm4b:s1+s2] =	stream.linear.scatter [tilespmem:s11], [sflag:$0x5], $0x5000, $0x38;
	[tilespmem:$0x1F400] =	vst v63  }
0x197: {  	_ =	swait.ge [sflag:s14], $0x5000  }
0x198: {  	[sflag:s14] =	ssyncset.done $0x0  }
0x199: {  	[sflag:s14] =	ssyncadd.s32 $0xFFFFB000  }
0x19a: {  	[tilespmem:s5], [sflag:$0x4] =	stream.indirect.gather [hbm4b:s3+s7], $0x20, s20, s7, $0xb8;
	[tilespmem:$0x1F400] =	vst v63  }
0x19b: {  	_ =	swait.ge [sflag:s15], $0x5000  }
0x19c: {  	s1 =	sld [smem:$0x7DE]  }
0x19d: {  	[sflag:s15] =	ssyncset.done $0x0  }
0x19e: {  	[sflag:s15] =	ssyncadd.s32 $0xFFFFB000  }
0x19f: {  	[hbm4b:s1+s2] =	stream.linear.scatter [tilespmem:s8], [sflag:$0x6], $0x5000, $0x38;
	[tilespmem:$0x1F400] =	vst v63  }
0x1a0: {  	_ =	swait.ge [sflag:s16], $0x5000  }
0x1a1: {  	s1 =	sld [smem:$0x7DF]  }
0x1a2: {  	[sflag:s16] =	ssyncset.done $0x0  }
0x1a3: {  	[sflag:s16] =	ssyncadd.s32 $0xFFFFB000  }
0x1a4: {  	[hbm4b:s1+s2] =	stream.linear.scatter [tilespmem:s6], [sflag:$0x7], $0x5000, $0x38;
	[tilespmem:$0x1F400] =	vst v63  }
0x1a5: {  	_ =	swait.ge [sflag:s17], $0x5000  }
0x1a6: {  	s1 =	sld [smem:$0x7E0]  }
0x1a7: {  	[sflag:s17] =	ssyncset.done $0x0  }
0x1a8: {  	[sflag:s17] =	ssyncadd.s32 $0xFFFFB000  }
0x1a9: {  	[hbm4b:s1+s2] =	stream.linear.scatter [tilespmem:s4], [sflag:$0x8], $0x5000, $0x38;
	[tilespmem:$0x1F400] =	vst v63  }
0x1aa: {  	_ =	swait.ge [sflag:s18], $0x5000  }
0x1ab: {  	s1 =	sld [smem:$0x7E1]  }
0x1ac: {  	[sflag:s18] =	ssyncset.done $0x0  }
0x1ad: {  	[sflag:s18] =	ssyncadd.s32 $0xFFFFB000  }
0x1ae: {  	[hbm4b:s1+s2] =	stream.linear.scatter [tilespmem:s5], [sflag:$0x9], $0x5000, $0x38;
	[tilespmem:$0x1F400] =	vst v63  }
0x1af: {  	_ =	swait.ge [sflag:s9], $0x5000  }
0x1b0: {  	[sflag:s9] =	ssyncset.done $0x0  }
0x1b1: {  	[sflag:s9] =	ssyncadd.s32 $0xFFFFB000  }
0x1b2: {  	_ =	swait.ge [sflag:s10], $0x5000  }
0x1b3: {  	[sflag:s10] =	ssyncset.done $0x0  }
0x1b4: {  	[sflag:s10] =	ssyncadd.s32 $0xFFFFB000  }
0x1b5: {  	_ =	swait.ge [sflag:s12], $0x5000  }
0x1b6: {  	[sflag:s12] =	ssyncset.done $0x0  }
0x1b7: {  	p1 =	sne.s32 s19, $0x1;
	[sflag:s12] =	ssyncadd.s32 $0xFFFFB000  }
.Ltmp1:
0x1b8: {  	_ =	swait.ge [sflag:s13], $0x5000;
	(pc) =	sbr.rel @!p1 .LBB2_3-.Ltmp1, $4  }
0x1b9: {  	[sflag:s13] =	ssyncset.done $0x0  }
0x1ba: {  	[sflag:s13] =	ssyncadd.s32 $0xFFFFB000  }
0x1bb: {  	p0 =	por $0x1, $0x1;
	_ =	swait.ge [sflag:s14], $0x5000  }
0x1bc: {  	s1 =	sadd.s32 $0xFFFFFFFF, s19;
	s0 =	rddreg [dreg:$0x4];
	[sflag:s14] =	ssyncset.done $0x0  }
.LBB2_4:
0x1bd: {  	[sflag:s14] =	ssyncadd.s32 $0xFFFFB000  }
0x1be: {  	[tilespmem:s2], [sflag:$0xA] =	stream.linear.gather [hbm4b:s0+s2], $0x6400, $0x38;
	[tilespmem:$0x1F400] =	vst v63  }
0x1bf: {  	_ =	swait.ge [sflag:s31], $0x6400  }
0x1c0: {  	[sflag:s31] =	ssyncset.done $0x0  }
0x1c1: {  	[sflag:s31] =	ssyncadd.s32 $0xFFFF9C00  }
0x1c2: {  	[tilespmem:s11], [sflag:$0x1] =	stream.indirect.gather [hbm4b:s3+s7], $0x20, s2, s7, $0xb8;
	[tilespmem:$0x1F400] =	vst v63  }
0x1c3: {  	s0 =	sld [smem:$0x7E2]  }
0x1c4: {  	[tilespmem:s8], [sflag:$0x2] =	stream.indirect.gather [hbm4b:s3+s7], $0x20, s7, s7, $0xb8;
	[tilespmem:$0x1F400] =	vst v63  }
0x1c5: {  	s19 =	sld [smem:$0x7E3]  }
0x1c6: {  	[tilespmem:s6], [sflag:$0x3] =	stream.indirect.gather [hbm4b:s3+s7], $0x20, s0, s7, $0xb8;
	[tilespmem:$0x1F400] =	vst v63  }
0x1c7: {  	_ = 	snop  }
0x1c8: {  	[tilespmem:s4], [sflag:$0x4] =	stream.indirect.gather [hbm4b:s3+s7], $0x20, s19, s7, $0xb8;
	[tilespmem:$0x1F400] =	vst v63  }
0x1c9: {  	_ =	swait.ge [sflag:s15], $0x5000  }
0x1ca: {  	[sflag:s15] =	ssyncset.done $0x0  }
0x1cb: {  	s19 =	sld [smem:$0x7E4];
	[sflag:s15] =	ssyncadd.s32 $0xFFFFB000  }
0x1cc: {  	[hbm4b:s30+s2] =	stream.linear.scatter [tilespmem:s11], [sflag:$0x5], $0x5000, $0x38;
	[tilespmem:$0x1F400] =	vst v63  }
0x1cd: {  	_ = 	snop  }
0x1ce: {  	[tilespmem:s5], [sflag:$0x1] =	stream.indirect.gather [hbm4b:s3+s7], $0x20, s19, s7, $0xb8;
	[tilespmem:$0x1F400] =	vst v63  }
0x1cf: {  	_ =	swait.ge [sflag:s16], $0x5000  }
0x1d0: {  	[sflag:s16] =	ssyncset.done $0x0  }
0x1d1: {  	s19 =	rddreg [dreg:$0x5];
	[sflag:s16] =	ssyncadd.s32 $0xFFFFB000  }
0x1d2: {  	[hbm4b:s19+s2] =	stream.linear.scatter [tilespmem:s8], [sflag:$0x6], $0x5000, $0x38;
	[tilespmem:$0x1F400] =	vst v63  }
0x1d3: {  	_ =	swait.ge [sflag:s9], $0x5000  }
0x1d4: {  	s19 =	sld [smem:$0x7E5]  }
0x1d5: {  	[sflag:s9] =	ssyncset.done $0x0  }
0x1d6: {  	[sflag:s9] =	ssyncadd.s32 $0xFFFFB000  }
0x1d7: {  	[tilespmem:s11], [sflag:$0x2] =	stream.indirect.gather [hbm4b:s3+s7], $0x20, s19, s7, $0xb8;
	[tilespmem:$0x1F400] =	vst v63  }
0x1d8: {  	_ =	swait.ge [sflag:s17], $0x5000  }
0x1d9: {  	[sflag:s17] =	ssyncset.done $0x0  }
0x1da: {  	s19 =	rddreg [dreg:$0x6];
	[sflag:s17] =	ssyncadd.s32 $0xFFFFB000  }
0x1db: {  	[hbm4b:s19+s2] =	stream.linear.scatter [tilespmem:s6], [sflag:$0x7], $0x5000, $0x38;
	[tilespmem:$0x1F400] =	vst v63  }
0x1dc: {  	_ =	swait.ge [sflag:s10], $0x5000  }
0x1dd: {  	s19 =	sld [smem:$0x7E6]  }
0x1de: {  	[sflag:s10] =	ssyncset.done $0x0  }
0x1df: {  	[sflag:s10] =	ssyncadd.s32 $0xFFFFB000  }
0x1e0: {  	[tilespmem:s8], [sflag:$0x3] =	stream.indirect.gather [hbm4b:s3+s7], $0x20, s19, s7, $0xb8;
	[tilespmem:$0x1F400] =	vst v63  }
0x1e1: {  	_ =	swait.ge [sflag:s18], $0x5000  }
0x1e2: {  	[sflag:s18] =	ssyncset.done $0x0  }
0x1e3: {  	s19 =	rddreg [dreg:$0x7];
	[sflag:s18] =	ssyncadd.s32 $0xFFFFB000  }
0x1e4: {  	[hbm4b:s19+s2] =	stream.linear.scatter [tilespmem:s4], [sflag:$0x8], $0x5000, $0x38;
	[tilespmem:$0x1F400] =	vst v63  }
0x1e5: {  	_ =	swait.ge [sflag:s12], $0x5000  }
0x1e6: {  	s19 =	sld [smem:$0x7E7]  }
0x1e7: {  	[sflag:s12] =	ssyncset.done $0x0  }
0x1e8: {  	[sflag:s12] =	ssyncadd.s32 $0xFFFFB000  }
0x1e9: {  	[tilespmem:s6], [sflag:$0x4] =	stream.indirect.gather [hbm4b:s3+s7], $0x20, s19, s7, $0xb8;
	[tilespmem:$0x1F400] =	vst v63  }
0x1ea: {  	_ =	swait.ge [sflag:s15], $0x5000  }
0x1eb: {  	[sflag:s15] =	ssyncset.done $0x0  }
0x1ec: {  	s19 =	rddreg [dreg:$0x8];
	[sflag:s15] =	ssyncadd.s32 $0xFFFFB000  }
0x1ed: {  	[hbm4b:s19+s2] =	stream.linear.scatter [tilespmem:s5], [sflag:$0x9], $0x5000, $0x38;
	[tilespmem:$0x1F400] =	vst v63  }
0x1ee: {  	_ =	swait.ge [sflag:s13], $0x5000  }
0x1ef: {  	s19 =	sld [smem:$0x7E8]  }
0x1f0: {  	[sflag:s13] =	ssyncset.done $0x0  }
0x1f1: {  	[sflag:s13] =	ssyncadd.s32 $0xFFFFB000  }
0x1f2: {  	[tilespmem:s4], [sflag:$0x1] =	stream.indirect.gather [hbm4b:s3+s7], $0x20, s19, s7, $0xb8;
	[tilespmem:$0x1F400] =	vst v63  }
0x1f3: {  	_ =	swait.ge [sflag:s16], $0x5000  }
0x1f4: {  	[sflag:s16] =	ssyncset.done $0x0  }
0x1f5: {  	s19 =	rddreg [dreg:$0x9];
	[sflag:s16] =	ssyncadd.s32 $0xFFFFB000  }
0x1f6: {  	[hbm4b:s19+s2] =	stream.linear.scatter [tilespmem:s11], [sflag:$0x5], $0x5000, $0x38;
	[tilespmem:$0x1F400] =	vst v63  }
0x1f7: {  	_ =	swait.ge [sflag:s14], $0x5000  }
0x1f8: {  	s19 =	sld [smem:$0x7E9]  }
0x1f9: {  	[sflag:s14] =	ssyncset.done $0x0  }
0x1fa: {  	[sflag:s14] =	ssyncadd.s32 $0xFFFFB000  }
0x1fb: {  	[tilespmem:s5], [sflag:$0x2] =	stream.indirect.gather [hbm4b:s3+s7], $0x20, s19, s7, $0xb8;
	[tilespmem:$0x1F400] =	vst v63  }
0x1fc: {  	_ =	swait.ge [sflag:s17], $0x5000  }
0x1fd: {  	[sflag:s17] =	ssyncset.done $0x0  }
0x1fe: {  	s19 =	rddreg [dreg:$0xa];
	[sflag:s17] =	ssyncadd.s32 $0xFFFFB000  }
0x1ff: {  	[hbm4b:s19+s2] =	stream.linear.scatter [tilespmem:s8], [sflag:$0x6], $0x5000, $0x38;
	[tilespmem:$0x1F400] =	vst v63  }
0x200: {  	_ =	swait.ge [sflag:s9], $0x5000  }
0x201: {  	s19 =	sld [smem:$0x7EA]  }
0x202: {  	[sflag:s9] =	ssyncset.done $0x0  }
0x203: {  	[sflag:s9] =	ssyncadd.s32 $0xFFFFB000  }
0x204: {  	[tilespmem:s11], [sflag:$0x3] =	stream.indirect.gather [hbm4b:s3+s7], $0x20, s19, s7, $0xb8;
	[tilespmem:$0x1F400] =	vst v63  }
0x205: {  	_ =	swait.ge [sflag:s18], $0x5000  }
0x206: {  	[sflag:s18] =	ssyncset.done $0x0  }
0x207: {  	s19 =	rddreg [dreg:$0xb];
	[sflag:s18] =	ssyncadd.s32 $0xFFFFB000  }
0x208: {  	[hbm4b:s19+s2] =	stream.linear.scatter [tilespmem:s6], [sflag:$0x7], $0x5000, $0x38;
	[tilespmem:$0x1F400] =	vst v63  }
0x209: {  	_ =	swait.ge [sflag:s10], $0x5000  }
0x20a: {  	s19 =	sld [smem:$0x7EB]  }
0x20b: {  	[sflag:s10] =	ssyncset.done $0x0  }
0x20c: {  	[sflag:s10] =	ssyncadd.s32 $0xFFFFB000  }
0x20d: {  	[tilespmem:s8], [sflag:$0x4] =	stream.indirect.gather [hbm4b:s3+s7], $0x20, s19, s7, $0xb8;
	[tilespmem:$0x1F400] =	vst v63  }
0x20e: {  	_ =	swait.ge [sflag:s15], $0x5000  }
0x20f: {  	[sflag:s15] =	ssyncset.done $0x0  }
0x210: {  	s19 =	rddreg [dreg:$0xc];
	[sflag:s15] =	ssyncadd.s32 $0xFFFFB000  }
0x211: {  	[hbm4b:s19+s2] =	stream.linear.scatter [tilespmem:s4], [sflag:$0x8], $0x5000, $0x38;
	[tilespmem:$0x1F400] =	vst v63  }
0x212: {  	_ =	swait.ge [sflag:s12], $0x5000  }
0x213: {  	s19 =	sld [smem:$0x7EC]  }
0x214: {  	[sflag:s12] =	ssyncset.done $0x0  }
0x215: {  	[sflag:s12] =	ssyncadd.s32 $0xFFFFB000  }
0x216: {  	[tilespmem:s6], [sflag:$0x1] =	stream.indirect.gather [hbm4b:s3+s7], $0x20, s19, s7, $0xb8;
	[tilespmem:$0x1F400] =	vst v63  }
0x217: {  	_ =	swait.ge [sflag:s16], $0x5000  }
0x218: {  	[sflag:s16] =	ssyncset.done $0x0  }
0x219: {  	s19 =	rddreg [dreg:$0xd];
	[sflag:s16] =	ssyncadd.s32 $0xFFFFB000  }
0x21a: {  	[hbm4b:s19+s2] =	stream.linear.scatter [tilespmem:s5], [sflag:$0x9], $0x5000, $0x38;
	[tilespmem:$0x1F400] =	vst v63  }
0x21b: {  	_ =	swait.ge [sflag:s13], $0x5000  }
0x21c: {  	s19 =	sld [smem:$0x7ED]  }
0x21d: {  	[sflag:s13] =	ssyncset.done $0x0  }
0x21e: {  	[sflag:s13] =	ssyncadd.s32 $0xFFFFB000  }
0x21f: {  	[tilespmem:s4], [sflag:$0x2] =	stream.indirect.gather [hbm4b:s3+s7], $0x20, s19, s7, $0xb8;
	[tilespmem:$0x1F400] =	vst v63  }
0x220: {  	_ =	swait.ge [sflag:s17], $0x5000  }
0x221: {  	[sflag:s17] =	ssyncset.done $0x0  }
0x222: {  	s19 =	rddreg [dreg:$0xe];
	[sflag:s17] =	ssyncadd.s32 $0xFFFFB000  }
0x223: {  	[hbm4b:s19+s2] =	stream.linear.scatter [tilespmem:s11], [sflag:$0x5], $0x5000, $0x38;
	[tilespmem:$0x1F400] =	vst v63  }
0x224: {  	_ =	swait.ge [sflag:s14], $0x5000  }
0x225: {  	s19 =	sld [smem:$0x7EE]  }
0x226: {  	[sflag:s14] =	ssyncset.done $0x0  }
0x227: {  	[sflag:s14] =	ssyncadd.s32 $0xFFFFB000  }
0x228: {  	[tilespmem:s5], [sflag:$0x3] =	stream.indirect.gather [hbm4b:s3+s7], $0x20, s19, s7, $0xb8;
	[tilespmem:$0x1F400] =	vst v63  }
0x229: {  	_ =	swait.ge [sflag:s18], $0x5000  }
0x22a: {  	[sflag:s18] =	ssyncset.done $0x0  }
0x22b: {  	s19 =	rddreg [dreg:$0xf];
	[sflag:s18] =	ssyncadd.s32 $0xFFFFB000  }
0x22c: {  	[hbm4b:s19+s2] =	stream.linear.scatter [tilespmem:s8], [sflag:$0x6], $0x5000, $0x38;
	[tilespmem:$0x1F400] =	vst v63  }
0x22d: {  	_ =	swait.ge [sflag:s9], $0x5000  }
0x22e: {  	s19 =	sld [smem:$0x7EF]  }
0x22f: {  	[sflag:s9] =	ssyncset.done $0x0  }
0x230: {  	[sflag:s9] =	ssyncadd.s32 $0xFFFFB000  }
0x231: {  	[tilespmem:s11], [sflag:$0x4] =	stream.indirect.gather [hbm4b:s3+s7], $0x20, s19, s7, $0xb8;
	[tilespmem:$0x1F400] =	vst v63  }
0x232: {  	_ =	swait.ge [sflag:s15], $0x5000  }
0x233: {  	[sflag:s15] =	ssyncset.done $0x0  }
0x234: {  	s19 =	rddreg [dreg:$0x10];
	[sflag:s15] =	ssyncadd.s32 $0xFFFFB000  }
0x235: {  	[hbm4b:s19+s2] =	stream.linear.scatter [tilespmem:s6], [sflag:$0x7], $0x5000, $0x38;
	[tilespmem:$0x1F400] =	vst v63  }
0x236: {  	_ =	swait.ge [sflag:s10], $0x5000  }
0x237: {  	s19 =	sld [smem:$0x7F0]  }
0x238: {  	[sflag:s10] =	ssyncset.done $0x0  }
0x239: {  	[sflag:s10] =	ssyncadd.s32 $0xFFFFB000  }
0x23a: {  	[tilespmem:s8], [sflag:$0x1] =	stream.indirect.gather [hbm4b:s3+s7], $0x20, s19, s7, $0xb8;
	[tilespmem:$0x1F400] =	vst v63  }
0x23b: {  	_ =	swait.ge [sflag:s16], $0x5000  }
0x23c: {  	[sflag:s16] =	ssyncset.done $0x0  }
0x23d: {  	s19 =	rddreg [dreg:$0x11];
	[sflag:s16] =	ssyncadd.s32 $0xFFFFB000  }
0x23e: {  	[hbm4b:s19+s2] =	stream.linear.scatter [tilespmem:s4], [sflag:$0x8], $0x5000, $0x38;
	[tilespmem:$0x1F400] =	vst v63  }
0x23f: {  	_ =	swait.ge [sflag:s12], $0x5000  }
0x240: {  	s19 =	sld [smem:$0x7F1]  }
0x241: {  	[sflag:s12] =	ssyncset.done $0x0  }
0x242: {  	[sflag:s12] =	ssyncadd.s32 $0xFFFFB000  }
0x243: {  	[tilespmem:s6], [sflag:$0x2] =	stream.indirect.gather [hbm4b:s3+s7], $0x20, s19, s7, $0xb8;
	[tilespmem:$0x1F400] =	vst v63  }
0x244: {  	_ =	swait.ge [sflag:s17], $0x5000  }
0x245: {  	[sflag:s17] =	ssyncset.done $0x0  }
0x246: {  	s19 =	rddreg [dreg:$0x12];
	[sflag:s17] =	ssyncadd.s32 $0xFFFFB000  }
0x247: {  	[hbm4b:s19+s2] =	stream.linear.scatter [tilespmem:s5], [sflag:$0x9], $0x5000, $0x38;
	[tilespmem:$0x1F400] =	vst v63  }
0x248: {  	_ =	swait.ge [sflag:s13], $0x5000  }
0x249: {  	s19 =	sld [smem:$0x7F2]  }
0x24a: {  	[sflag:s13] =	ssyncset.done $0x0  }
0x24b: {  	[sflag:s13] =	ssyncadd.s32 $0xFFFFB000  }
0x24c: {  	[tilespmem:s4], [sflag:$0x3] =	stream.indirect.gather [hbm4b:s3+s7], $0x20, s19, s7, $0xb8;
	[tilespmem:$0x1F400] =	vst v63  }
0x24d: {  	_ =	swait.ge [sflag:s18], $0x5000  }
0x24e: {  	[sflag:s18] =	ssyncset.done $0x0  }
0x24f: {  	s19 =	rddreg [dreg:$0x13];
	[sflag:s18] =	ssyncadd.s32 $0xFFFFB000  }
0x250: {  	[hbm4b:s19+s2] =	stream.linear.scatter [tilespmem:s11], [sflag:$0x5], $0x5000, $0x38;
	[tilespmem:$0x1F400] =	vst v63  }
0x251: {  	_ =	swait.ge [sflag:s14], $0x5000  }
0x252: {  	s19 =	sld [smem:$0x7F3]  }
0x253: {  	[sflag:s14] =	ssyncset.done $0x0  }
0x254: {  	[sflag:s14] =	ssyncadd.s32 $0xFFFFB000  }
0x255: {  	[tilespmem:s5], [sflag:$0x4] =	stream.indirect.gather [hbm4b:s3+s7], $0x20, s19, s7, $0xb8;
	[tilespmem:$0x1F400] =	vst v63  }
0x256: {  	_ =	swait.ge [sflag:s15], $0x5000  }
0x257: {  	[sflag:s15] =	ssyncset.done $0x0  }
0x258: {  	s19 =	rddreg [dreg:$0x14];
	[sflag:s15] =	ssyncadd.s32 $0xFFFFB000  }
0x259: {  	[hbm4b:s19+s2] =	stream.linear.scatter [tilespmem:s8], [sflag:$0x6], $0x5000, $0x38;
	[tilespmem:$0x1F400] =	vst v63  }
0x25a: {  	_ =	swait.ge [sflag:s9], $0x5000  }
0x25b: {  	s19 =	sld [smem:$0x7F4]  }
0x25c: {  	[sflag:s9] =	ssyncset.done $0x0  }
0x25d: {  	[sflag:s9] =	ssyncadd.s32 $0xFFFFB000  }
0x25e: {  	[tilespmem:s11], [sflag:$0x1] =	stream.indirect.gather [hbm4b:s3+s7], $0x20, s19, s7, $0xb8;
	[tilespmem:$0x1F400] =	vst v63  }
0x25f: {  	_ =	swait.ge [sflag:s16], $0x5000  }
0x260: {  	[sflag:s16] =	ssyncset.done $0x0  }
0x261: {  	s19 =	rddreg [dreg:$0x15];
	[sflag:s16] =	ssyncadd.s32 $0xFFFFB000  }
0x262: {  	[hbm4b:s19+s2] =	stream.linear.scatter [tilespmem:s6], [sflag:$0x7], $0x5000, $0x38;
	[tilespmem:$0x1F400] =	vst v63  }
0x263: {  	_ =	swait.ge [sflag:s10], $0x5000  }
0x264: {  	s19 =	sld [smem:$0x7F5]  }
0x265: {  	[sflag:s10] =	ssyncset.done $0x0  }
0x266: {  	[sflag:s10] =	ssyncadd.s32 $0xFFFFB000  }
0x267: {  	[tilespmem:s8], [sflag:$0x2] =	stream.indirect.gather [hbm4b:s3+s7], $0x20, s19, s7, $0xb8;
	[tilespmem:$0x1F400] =	vst v63  }
0x268: {  	_ =	swait.ge [sflag:s17], $0x5000  }
0x269: {  	[sflag:s17] =	ssyncset.done $0x0  }
0x26a: {  	s19 =	rddreg [dreg:$0x16];
	[sflag:s17] =	ssyncadd.s32 $0xFFFFB000  }
0x26b: {  	[hbm4b:s19+s2] =	stream.linear.scatter [tilespmem:s4], [sflag:$0x8], $0x5000, $0x38;
	[tilespmem:$0x1F400] =	vst v63  }
0x26c: {  	_ =	swait.ge [sflag:s12], $0x5000  }
0x26d: {  	s19 =	sld [smem:$0x7F6]  }
0x26e: {  	[sflag:s12] =	ssyncset.done $0x0  }
0x26f: {  	[sflag:s12] =	ssyncadd.s32 $0xFFFFB000  }
0x270: {  	[tilespmem:s6], [sflag:$0x3] =	stream.indirect.gather [hbm4b:s3+s7], $0x20, s19, s7, $0xb8;
	[tilespmem:$0x1F400] =	vst v63  }
0x271: {  	_ =	swait.ge [sflag:s18], $0x5000  }
0x272: {  	[sflag:s18] =	ssyncset.done $0x0  }
0x273: {  	s19 =	rddreg [dreg:$0x17];
	[sflag:s18] =	ssyncadd.s32 $0xFFFFB000  }
0x274: {  	[hbm4b:s19+s2] =	stream.linear.scatter [tilespmem:s5], [sflag:$0x9], $0x5000, $0x38;
	[tilespmem:$0x1F400] =	vst v63  }
0x275: {  	_ =	swait.ge [sflag:s13], $0x5000  }
0x276: {  	s19 =	sld [smem:$0x7F7]  }
0x277: {  	[sflag:s13] =	ssyncset.done $0x0  }
0x278: {  	[sflag:s13] =	ssyncadd.s32 $0xFFFFB000  }
0x279: {  	[tilespmem:s4], [sflag:$0x4] =	stream.indirect.gather [hbm4b:s3+s7], $0x20, s19, s7, $0xb8;
	[tilespmem:$0x1F400] =	vst v63  }
0x27a: {  	_ =	swait.ge [sflag:s15], $0x5000  }
0x27b: {  	[sflag:s15] =	ssyncset.done $0x0  }
0x27c: {  	s19 =	rddreg [dreg:$0x18];
	[sflag:s15] =	ssyncadd.s32 $0xFFFFB000  }
0x27d: {  	[hbm4b:s19+s2] =	stream.linear.scatter [tilespmem:s11], [sflag:$0x5], $0x5000, $0x38;
	[tilespmem:$0x1F400] =	vst v63  }
0x27e: {  	_ =	swait.ge [sflag:s14], $0x5000  }
0x27f: {  	s19 =	sld [smem:$0x7F8]  }
0x280: {  	[sflag:s14] =	ssyncset.done $0x0  }
0x281: {  	[sflag:s14] =	ssyncadd.s32 $0xFFFFB000  }
0x282: {  	[tilespmem:s5], [sflag:$0x1] =	stream.indirect.gather [hbm4b:s3+s7], $0x20, s19, s7, $0xb8;
	[tilespmem:$0x1F400] =	vst v63  }
0x283: {  	_ =	swait.ge [sflag:s16], $0x5000  }
0x284: {  	[sflag:s16] =	ssyncset.done $0x0  }
0x285: {  	s19 =	rddreg [dreg:$0x19];
	[sflag:s16] =	ssyncadd.s32 $0xFFFFB000  }
0x286: {  	[hbm4b:s19+s2] =	stream.linear.scatter [tilespmem:s8], [sflag:$0x6], $0x5000, $0x38;
	[tilespmem:$0x1F400] =	vst v63  }
0x287: {  	_ =	swait.ge [sflag:s9], $0x5000  }
0x288: {  	s19 =	sld [smem:$0x7F9]  }
0x289: {  	[sflag:s9] =	ssyncset.done $0x0  }
0x28a: {  	[sflag:s9] =	ssyncadd.s32 $0xFFFFB000  }
0x28b: {  	[tilespmem:s11], [sflag:$0x2] =	stream.indirect.gather [hbm4b:s3+s7], $0x20, s19, s7, $0xb8;
	[tilespmem:$0x1F400] =	vst v63  }
0x28c: {  	_ =	swait.ge [sflag:s17], $0x5000  }
0x28d: {  	[sflag:s17] =	ssyncset.done $0x0  }
0x28e: {  	s19 =	rddreg [dreg:$0x1a];
	[sflag:s17] =	ssyncadd.s32 $0xFFFFB000  }
0x28f: {  	[hbm4b:s19+s2] =	stream.linear.scatter [tilespmem:s6], [sflag:$0x7], $0x5000, $0x38;
	[tilespmem:$0x1F400] =	vst v63  }
0x290: {  	_ =	swait.ge [sflag:s10], $0x5000  }
0x291: {  	s19 =	sld [smem:$0x7FA]  }
0x292: {  	[sflag:s10] =	ssyncset.done $0x0  }
0x293: {  	[sflag:s10] =	ssyncadd.s32 $0xFFFFB000  }
0x294: {  	[tilespmem:s8], [sflag:$0x3] =	stream.indirect.gather [hbm4b:s3+s7], $0x20, s19, s7, $0xb8;
	[tilespmem:$0x1F400] =	vst v63  }
0x295: {  	_ =	swait.ge [sflag:s18], $0x5000  }
0x296: {  	[sflag:s18] =	ssyncset.done $0x0  }
0x297: {  	s19 =	rddreg [dreg:$0x1b];
	[sflag:s18] =	ssyncadd.s32 $0xFFFFB000  }
0x298: {  	[hbm4b:s19+s2] =	stream.linear.scatter [tilespmem:s4], [sflag:$0x8], $0x5000, $0x38;
	[tilespmem:$0x1F400] =	vst v63  }
0x299: {  	_ =	swait.ge [sflag:s12], $0x5000  }
0x29a: {  	s19 =	sld [smem:$0x7FB]  }
0x29b: {  	[sflag:s12] =	ssyncset.done $0x0  }
0x29c: {  	[sflag:s12] =	ssyncadd.s32 $0xFFFFB000  }
0x29d: {  	[tilespmem:s6], [sflag:$0x4] =	stream.indirect.gather [hbm4b:s3+s7], $0x20, s19, s7, $0xb8;
	[tilespmem:$0x1F400] =	vst v63  }
0x29e: {  	_ =	swait.ge [sflag:s15], $0x5000  }
0x29f: {  	[sflag:s15] =	ssyncset.done $0x0  }
0x2a0: {  	s19 =	rddreg [dreg:$0x1c];
	[sflag:s15] =	ssyncadd.s32 $0xFFFFB000  }
0x2a1: {  	[hbm4b:s19+s2] =	stream.linear.scatter [tilespmem:s5], [sflag:$0x9], $0x5000, $0x38;
	[tilespmem:$0x1F400] =	vst v63  }
0x2a2: {  	_ =	swait.ge [sflag:s13], $0x5000  }
0x2a3: {  	s19 =	sld [smem:$0x7FC]  }
0x2a4: {  	[sflag:s13] =	ssyncset.done $0x0  }
0x2a5: {  	[sflag:s13] =	ssyncadd.s32 $0xFFFFB000  }
0x2a6: {  	[tilespmem:s4], [sflag:$0x1] =	stream.indirect.gather [hbm4b:s3+s7], $0x20, s19, s7, $0xb8;
	[tilespmem:$0x1F400] =	vst v63  }
0x2a7: {  	_ =	swait.ge [sflag:s16], $0x5000  }
0x2a8: {  	[sflag:s16] =	ssyncset.done $0x0  }
0x2a9: {  	s19 =	rddreg [dreg:$0x1d];
	[sflag:s16] =	ssyncadd.s32 $0xFFFFB000  }
0x2aa: {  	[hbm4b:s19+s2] =	stream.linear.scatter [tilespmem:s11], [sflag:$0x5], $0x5000, $0x38;
	[tilespmem:$0x1F400] =	vst v63  }
0x2ab: {  	_ =	swait.ge [sflag:s14], $0x5000  }
0x2ac: {  	s19 =	sld [smem:$0x7FD]  }
0x2ad: {  	[sflag:s14] =	ssyncset.done $0x0  }
0x2ae: {  	[sflag:s14] =	ssyncadd.s32 $0xFFFFB000  }
0x2af: {  	[tilespmem:s5], [sflag:$0x2] =	stream.indirect.gather [hbm4b:s3+s7], $0x20, s19, s7, $0xb8;
	[tilespmem:$0x1F400] =	vst v63  }
0x2b0: {  	_ =	swait.ge [sflag:s17], $0x5000  }
0x2b1: {  	[sflag:s17] =	ssyncset.done $0x0  }
0x2b2: {  	s19 =	rddreg [dreg:$0x1e];
	[sflag:s17] =	ssyncadd.s32 $0xFFFFB000  }
0x2b3: {  	[hbm4b:s19+s2] =	stream.linear.scatter [tilespmem:s8], [sflag:$0x6], $0x5000, $0x38;
	[tilespmem:$0x1F400] =	vst v63  }
0x2b4: {  	_ =	swait.ge [sflag:s9], $0x5000  }
0x2b5: {  	[sflag:s9] =	ssyncset.done $0x0  }
0x2b6: {  	s19 =	simm.s32 $0x4B00;
	[sflag:s9] =	ssyncadd.s32 $0xFFFFB000  }
0x2b7: {  	[tilespmem:s11], [sflag:$0x3] =	stream.indirect.gather [hbm4b:s3+s7], $0x20, s19, s7, $0xb8;
	[tilespmem:$0x1F400] =	vst v63  }
0x2b8: {  	_ =	swait.ge [sflag:s18], $0x5000  }
0x2b9: {  	[sflag:s18] =	ssyncset.done $0x0  }
0x2ba: {  	s19 =	rddreg [dreg:$0x1f];
	[sflag:s18] =	ssyncadd.s32 $0xFFFFB000  }
0x2bb: {  	[hbm4b:s19+s2] =	stream.linear.scatter [tilespmem:s6], [sflag:$0x7], $0x5000, $0x38;
	[tilespmem:$0x1F400] =	vst v63  }
0x2bc: {  	_ =	swait.ge [sflag:s10], $0x5000  }
0x2bd: {  	[sflag:s10] =	ssyncset.done $0x0  }
0x2be: {  	[sflag:s10] =	ssyncadd.s32 $0xFFFFB000  }
0x2bf: {  	[tilespmem:s8], [sflag:$0x4] =	stream.indirect.gather [hbm4b:s3+s7], $0x20, s29, s7, $0xb8;
	[tilespmem:$0x1F400] =	vst v63  }
0x2c0: {  	_ =	swait.ge [sflag:s15], $0x5000  }
0x2c1: {  	s19 =	sld [smem:$0x7D6]  }
0x2c2: {  	[sflag:s15] =	ssyncset.done $0x0  }
0x2c3: {  	[sflag:s15] =	ssyncadd.s32 $0xFFFFB000  }
0x2c4: {  	[hbm4b:s19+s2] =	stream.linear.scatter [tilespmem:s4], [sflag:$0x8], $0x5000, $0x38;
	[tilespmem:$0x1F400] =	vst v63  }
0x2c5: {  	_ =	swait.ge [sflag:s12], $0x5000  }
0x2c6: {  	[sflag:s12] =	ssyncset.done $0x0  }
0x2c7: {  	[sflag:s12] =	ssyncadd.s32 $0xFFFFB000  }
0x2c8: {  	[tilespmem:s6], [sflag:$0x1] =	stream.indirect.gather [hbm4b:s3+s7], $0x20, s28, s7, $0xb8;
	[tilespmem:$0x1F400] =	vst v63  }
0x2c9: {  	_ =	swait.ge [sflag:s16], $0x5000  }
0x2ca: {  	s19 =	sld [smem:$0x7D7]  }
0x2cb: {  	[sflag:s16] =	ssyncset.done $0x0  }
0x2cc: {  	[sflag:s16] =	ssyncadd.s32 $0xFFFFB000  }
0x2cd: {  	[hbm4b:s19+s2] =	stream.linear.scatter [tilespmem:s5], [sflag:$0x9], $0x5000, $0x38;
	[tilespmem:$0x1F400] =	vst v63  }
0x2ce: {  	_ =	swait.ge [sflag:s13], $0x5000  }
0x2cf: {  	[sflag:s13] =	ssyncset.done $0x0  }
0x2d0: {  	[sflag:s13] =	ssyncadd.s32 $0xFFFFB000  }
0x2d1: {  	[tilespmem:s4], [sflag:$0x2] =	stream.indirect.gather [hbm4b:s3+s7], $0x20, s26, s7, $0xb8;
	[tilespmem:$0x1F400] =	vst v63  }
0x2d2: {  	_ =	swait.ge [sflag:s17], $0x5000  }
0x2d3: {  	s19 =	sld [smem:$0x7D8]  }
0x2d4: {  	[sflag:s17] =	ssyncset.done $0x0  }
0x2d5: {  	[sflag:s17] =	ssyncadd.s32 $0xFFFFB000  }
0x2d6: {  	[hbm4b:s19+s2] =	stream.linear.scatter [tilespmem:s11], [sflag:$0x5], $0x5000, $0x38;
	[tilespmem:$0x1F400] =	vst v63  }
0x2d7: {  	_ =	swait.ge [sflag:s14], $0x5000  }
0x2d8: {  	[sflag:s14] =	ssyncset.done $0x0  }
0x2d9: {  	[sflag:s14] =	ssyncadd.s32 $0xFFFFB000  }
0x2da: {  	[tilespmem:s5], [sflag:$0x3] =	stream.indirect.gather [hbm4b:s3+s7], $0x20, s25, s7, $0xb8;
	[tilespmem:$0x1F400] =	vst v63  }
0x2db: {  	_ =	swait.ge [sflag:s18], $0x5000  }
0x2dc: {  	s19 =	sld [smem:$0x7D9]  }
0x2dd: {  	[sflag:s18] =	ssyncset.done $0x0  }
0x2de: {  	[sflag:s18] =	ssyncadd.s32 $0xFFFFB000  }
0x2df: {  	[hbm4b:s19+s2] =	stream.linear.scatter [tilespmem:s8], [sflag:$0x6], $0x5000, $0x38;
	[tilespmem:$0x1F400] =	vst v63  }
0x2e0: {  	_ =	swait.ge [sflag:s9], $0x5000  }
0x2e1: {  	[sflag:s9] =	ssyncset.done $0x0  }
0x2e2: {  	[sflag:s9] =	ssyncadd.s32 $0xFFFFB000  }
0x2e3: {  	[tilespmem:s11], [sflag:$0x4] =	stream.indirect.gather [hbm4b:s3+s7], $0x20, s24, s7, $0xb8;
	[tilespmem:$0x1F400] =	vst v63  }
0x2e4: {  	_ =	swait.ge [sflag:s15], $0x5000  }
0x2e5: {  	s19 =	sld [smem:$0x7DA]  }
0x2e6: {  	[sflag:s15] =	ssyncset.done $0x0  }
0x2e7: {  	[sflag:s15] =	ssyncadd.s32 $0xFFFFB000  }
0x2e8: {  	[hbm4b:s19+s2] =	stream.linear.scatter [tilespmem:s6], [sflag:$0x7], $0x5000, $0x38;
	[tilespmem:$0x1F400] =	vst v63  }
0x2e9: {  	_ =	swait.ge [sflag:s10], $0x5000  }
0x2ea: {  	[sflag:s10] =	ssyncset.done $0x0  }
0x2eb: {  	[sflag:s10] =	ssyncadd.s32 $0xFFFFB000  }
0x2ec: {  	[tilespmem:s8], [sflag:$0x1] =	stream.indirect.gather [hbm4b:s3+s7], $0x20, s23, s7, $0xb8;
	[tilespmem:$0x1F400] =	vst v63  }
0x2ed: {  	_ =	swait.ge [sflag:s16], $0x5000  }
0x2ee: {  	s19 =	sld [smem:$0x7DB]  }
0x2ef: {  	[sflag:s16] =	ssyncset.done $0x0  }
0x2f0: {  	[sflag:s16] =	ssyncadd.s32 $0xFFFFB000  }
0x2f1: {  	[hbm4b:s19+s2] =	stream.linear.scatter [tilespmem:s4], [sflag:$0x8], $0x5000, $0x38;
	[tilespmem:$0x1F400] =	vst v63  }
0x2f2: {  	_ =	swait.ge [sflag:s12], $0x5000  }
0x2f3: {  	[sflag:s12] =	ssyncset.done $0x0  }
0x2f4: {  	[sflag:s12] =	ssyncadd.s32 $0xFFFFB000  }
0x2f5: {  	[tilespmem:s6], [sflag:$0x2] =	stream.indirect.gather [hbm4b:s3+s7], $0x20, s22, s7, $0xb8;
	[tilespmem:$0x1F400] =	vst v63  }
0x2f6: {  	_ =	swait.ge [sflag:s17], $0x5000  }
0x2f7: {  	s19 =	sld [smem:$0x7DC]  }
0x2f8: {  	[sflag:s17] =	ssyncset.done $0x0  }
0x2f9: {  	[sflag:s17] =	ssyncadd.s32 $0xFFFFB000  }
0x2fa: {  	[hbm4b:s19+s2] =	stream.linear.scatter [tilespmem:s5], [sflag:$0x9], $0x5000, $0x38;
	[tilespmem:$0x1F400] =	vst v63  }
0x2fb: {  	_ =	swait.ge [sflag:s13], $0x5000  }
0x2fc: {  	[sflag:s13] =	ssyncset.done $0x0  }
0x2fd: {  	[sflag:s13] =	ssyncadd.s32 $0xFFFFB000  }
0x2fe: {  	[tilespmem:s4], [sflag:$0x3] =	stream.indirect.gather [hbm4b:s3+s7], $0x20, s21, s7, $0xb8;
	[tilespmem:$0x1F400] =	vst v63  }
0x2ff: {  	_ =	swait.ge [sflag:s18], $0x5000  }
0x300: {  	s19 =	sld [smem:$0x7DD]  }
0x301: {  	[sflag:s18] =	ssyncset.done $0x0  }
0x302: {  	[sflag:s18] =	ssyncadd.s32 $0xFFFFB000  }
0x303: {  	[hbm4b:s19+s2] =	stream.linear.scatter [tilespmem:s11], [sflag:$0x5], $0x5000, $0x38;
	[tilespmem:$0x1F400] =	vst v63  }
0x304: {  	_ =	swait.ge [sflag:s14], $0x5000  }
0x305: {  	[sflag:s14] =	ssyncset.done $0x0  }
0x306: {  	[sflag:s14] =	ssyncadd.s32 $0xFFFFB000  }
0x307: {  	[tilespmem:s5], [sflag:$0x4] =	stream.indirect.gather [hbm4b:s3+s7], $0x20, s20, s7, $0xb8;
	[tilespmem:$0x1F400] =	vst v63  }
0x308: {  	_ =	swait.ge [sflag:s15], $0x5000  }
0x309: {  	s19 =	sld [smem:$0x7DE]  }
0x30a: {  	[sflag:s15] =	ssyncset.done $0x0  }
0x30b: {  	[sflag:s15] =	ssyncadd.s32 $0xFFFFB000  }
0x30c: {  	[hbm4b:s19+s2] =	stream.linear.scatter [tilespmem:s8], [sflag:$0x6], $0x5000, $0x38;
	[tilespmem:$0x1F400] =	vst v63  }
0x30d: {  	_ =	swait.ge [sflag:s16], $0x5000  }
0x30e: {  	s19 =	sld [smem:$0x7DF]  }
0x30f: {  	[sflag:s16] =	ssyncset.done $0x0  }
0x310: {  	[sflag:s16] =	ssyncadd.s32 $0xFFFFB000  }
0x311: {  	[hbm4b:s19+s2] =	stream.linear.scatter [tilespmem:s6], [sflag:$0x7], $0x5000, $0x38;
	[tilespmem:$0x1F400] =	vst v63  }
0x312: {  	_ =	swait.ge [sflag:s17], $0x5000  }
0x313: {  	s19 =	sld [smem:$0x7E0]  }
0x314: {  	[sflag:s17] =	ssyncset.done $0x0  }
0x315: {  	[sflag:s17] =	ssyncadd.s32 $0xFFFFB000  }
0x316: {  	[hbm4b:s19+s2] =	stream.linear.scatter [tilespmem:s4], [sflag:$0x8], $0x5000, $0x38;
	[tilespmem:$0x1F400] =	vst v63  }
0x317: {  	_ =	swait.ge [sflag:s18], $0x5000  }
0x318: {  	s19 =	sld [smem:$0x7E1]  }
0x319: {  	[sflag:s18] =	ssyncset.done $0x0  }
0x31a: {  	[sflag:s18] =	ssyncadd.s32 $0xFFFFB000  }
0x31b: {  	[hbm4b:s19+s2] =	stream.linear.scatter [tilespmem:s5], [sflag:$0x9], $0x5000, $0x38;
	[tilespmem:$0x1F400] =	vst v63  }
0x31c: {  	_ =	swait.ge [sflag:s9], $0x5000  }
0x31d: {  	[sflag:s9] =	ssyncset.done $0x0  }
0x31e: {  	[sflag:s9] =	ssyncadd.s32 $0xFFFFB000  }
0x31f: {  	_ =	swait.ge [sflag:s10], $0x5000  }
0x320: {  	[sflag:s10] =	ssyncset.done $0x0  }
0x321: {  	[sflag:s10] =	ssyncadd.s32 $0xFFFFB000  }
0x322: {  	_ =	swait.ge [sflag:s12], $0x5000  }
0x323: {  	[sflag:s12] =	ssyncset.done $0x0  }
0x324: {  	p1 =	sne.s32 s1, $0x1;
	[sflag:s12] =	ssyncadd.s32 $0xFFFFB000  }
.Ltmp2:
0x325: {  	_ =	swait.ge [sflag:s13], $0x5000;
	(pc) =	sbr.rel @p1 .LBB2_4-.Ltmp2, $4  }
0x326: {  	[sflag:s13] =	ssyncset.done $0x0  }
0x327: {  	[sflag:s13] =	ssyncadd.s32 $0xFFFFB000  }
0x328: {  	_ =	swait.ge [sflag:s14], $0x5000  }
0x329: {  	s1 =	sadd.s32 $0xFFFFFFFF, s1;
	s0 =	rddreg [dreg:$0x4];
	[sflag:s14] =	ssyncset.done $0x0  }
0x32a: {  	s20 =	simm.s32 $0x4B00  }
0x32b: {  	s29 =	simm.s32 $0x4D80;
	s28 =	simm.s32 $0x5000;
	s26 =	simm.s32 $0x5280  }
0x32c: {  	s25 =	simm.s32 $0x5500;
	s24 =	simm.s32 $0x5780;
	s23 =	simm.s32 $0x5A00  }
0x32d: {  	s22 =	simm.s32 $0x5C80;
	s21 =	simm.s32 $0x5F00;
	s19 =	stileid.u32  }
.LBB2_6:
0x32e: {  	[sflag:s14] =	ssyncadd.s32 @p0 $0xFFFFB000  }
0x32f: {  	[tilespmem:s2], [sflag:$0xA] =	stream.linear.gather [hbm4b:s0+s2], $0x6400, $0x38;
	[tilespmem:$0x1F400] =	vst v63  }
0x330: {  	_ =	swait.ge [sflag:s31], $0x6400  }
0x331: {  	[sflag:s31] =	ssyncset.done $0x0  }
0x332: {  	[sflag:s31] =	ssyncadd.s32 $0xFFFF9C00  }
0x333: {  	[tilespmem:s11], [sflag:$0x1] =	stream.indirect.gather [hbm4b:s3+s7], $0x20, s2, s7, $0xb8;
	[tilespmem:$0x1F400] =	vst v63  }
0x334: {  	s31 =	sld [smem:$0x7E2]  }
0x335: {  	[tilespmem:s8], [sflag:$0x2] =	stream.indirect.gather [hbm4b:s3+s7], $0x20, s7, s7, $0xb8;
	[tilespmem:$0x1F400] =	vst v63  }
0x336: {  	s1 =	sld [smem:$0x7E3]  }
0x337: {  	[tilespmem:s6], [sflag:$0x3] =	stream.indirect.gather [hbm4b:s3+s7], $0x20, s31, s7, $0xb8;
	[tilespmem:$0x1F400] =	vst v63  }
0x338: {  	_ = 	snop  }
0x339: {  	[tilespmem:s4], [sflag:$0x4] =	stream.indirect.gather [hbm4b:s3+s7], $0x20, s1, s7, $0xb8;
	[tilespmem:$0x1F400] =	vst v63  }
0x33a: {  	_ =	swait.ge [sflag:s15], $0x5000  }
0x33b: {  	[sflag:s15] =	ssyncset.done $0x0  }
0x33c: {  	s1 =	sld [smem:$0x7E4];
	[sflag:s15] =	ssyncadd.s32 $0xFFFFB000  }
0x33d: {  	[hbm4b:s30+s2] =	stream.linear.scatter [tilespmem:s11], [sflag:$0x5], $0x5000, $0x38;
	[tilespmem:$0x1F400] =	vst v63  }
0x33e: {  	_ = 	snop  }
0x33f: {  	[tilespmem:s5], [sflag:$0x1] =	stream.indirect.gather [hbm4b:s3+s7], $0x20, s1, s7, $0xb8;
	[tilespmem:$0x1F400] =	vst v63  }
0x340: {  	_ =	swait.ge [sflag:s16], $0x5000  }
0x341: {  	[sflag:s16] =	ssyncset.done $0x0  }
0x342: {  	s30 =	rddreg [dreg:$0x5];
	[sflag:s16] =	ssyncadd.s32 $0xFFFFB000  }
0x343: {  	[hbm4b:s30+s2] =	stream.linear.scatter [tilespmem:s8], [sflag:$0x6], $0x5000, $0x38;
	[tilespmem:$0x1F400] =	vst v63  }
0x344: {  	_ =	swait.ge [sflag:s9], $0x5000  }
0x345: {  	s31 =	sld [smem:$0x7E5]  }
0x346: {  	[sflag:s9] =	ssyncset.done $0x0  }
0x347: {  	[sflag:s9] =	ssyncadd.s32 $0xFFFFB000  }
0x348: {  	[tilespmem:s11], [sflag:$0x2] =	stream.indirect.gather [hbm4b:s3+s7], $0x20, s31, s7, $0xb8;
	[tilespmem:$0x1F400] =	vst v63  }
0x349: {  	_ =	swait.ge [sflag:s17], $0x5000  }
0x34a: {  	[sflag:s17] =	ssyncset.done $0x0  }
0x34b: {  	s1 =	rddreg [dreg:$0x6];
	[sflag:s17] =	ssyncadd.s32 $0xFFFFB000  }
0x34c: {  	[hbm4b:s1+s2] =	stream.linear.scatter [tilespmem:s6], [sflag:$0x7], $0x5000, $0x38;
	[tilespmem:$0x1F400] =	vst v63  }
0x34d: {  	_ =	swait.ge [sflag:s10], $0x5000  }
0x34e: {  	s30 =	sld [smem:$0x7E6]  }
0x34f: {  	[sflag:s10] =	ssyncset.done $0x0  }
0x350: {  	[sflag:s10] =	ssyncadd.s32 $0xFFFFB000  }
0x351: {  	[tilespmem:s8], [sflag:$0x3] =	stream.indirect.gather [hbm4b:s3+s7], $0x20, s30, s7, $0xb8;
	[tilespmem:$0x1F400] =	vst v63  }
0x352: {  	_ =	swait.ge [sflag:s18], $0x5000  }
0x353: {  	[sflag:s18] =	ssyncset.done $0x0  }
0x354: {  	s31 =	rddreg [dreg:$0x7];
	[sflag:s18] =	ssyncadd.s32 $0xFFFFB000  }
0x355: {  	[hbm4b:s31+s2] =	stream.linear.scatter [tilespmem:s4], [sflag:$0x8], $0x5000, $0x38;
	[tilespmem:$0x1F400] =	vst v63  }
0x356: {  	_ =	swait.ge [sflag:s12], $0x5000  }
0x357: {  	s1 =	sld [smem:$0x7E7]  }
0x358: {  	[sflag:s12] =	ssyncset.done $0x0  }
0x359: {  	[sflag:s12] =	ssyncadd.s32 $0xFFFFB000  }
0x35a: {  	[tilespmem:s6], [sflag:$0x4] =	stream.indirect.gather [hbm4b:s3+s7], $0x20, s1, s7, $0xb8;
	[tilespmem:$0x1F400] =	vst v63  }
0x35b: {  	_ =	swait.ge [sflag:s15], $0x5000  }
0x35c: {  	[sflag:s15] =	ssyncset.done $0x0  }
0x35d: {  	s30 =	rddreg [dreg:$0x8];
	[sflag:s15] =	ssyncadd.s32 $0xFFFFB000  }
0x35e: {  	[hbm4b:s30+s2] =	stream.linear.scatter [tilespmem:s5], [sflag:$0x9], $0x5000, $0x38;
	[tilespmem:$0x1F400] =	vst v63  }
0x35f: {  	_ =	swait.ge [sflag:s13], $0x5000  }
0x360: {  	s31 =	sld [smem:$0x7E8]  }
0x361: {  	[sflag:s13] =	ssyncset.done $0x0  }
0x362: {  	[sflag:s13] =	ssyncadd.s32 $0xFFFFB000  }
0x363: {  	[tilespmem:s4], [sflag:$0x1] =	stream.indirect.gather [hbm4b:s3+s7], $0x20, s31, s7, $0xb8;
	[tilespmem:$0x1F400] =	vst v63  }
0x364: {  	_ =	swait.ge [sflag:s16], $0x5000  }
0x365: {  	[sflag:s16] =	ssyncset.done $0x0  }
0x366: {  	s1 =	rddreg [dreg:$0x9];
	[sflag:s16] =	ssyncadd.s32 $0xFFFFB000  }
0x367: {  	[hbm4b:s1+s2] =	stream.linear.scatter [tilespmem:s11], [sflag:$0x5], $0x5000, $0x38;
	[tilespmem:$0x1F400] =	vst v63  }
0x368: {  	_ =	swait.ge [sflag:s14], $0x5000  }
0x369: {  	s30 =	sld [smem:$0x7E9]  }
0x36a: {  	[sflag:s14] =	ssyncset.done $0x0  }
0x36b: {  	[sflag:s14] =	ssyncadd.s32 $0xFFFFB000  }
0x36c: {  	[tilespmem:s5], [sflag:$0x2] =	stream.indirect.gather [hbm4b:s3+s7], $0x20, s30, s7, $0xb8;
	[tilespmem:$0x1F400] =	vst v63  }
0x36d: {  	_ =	swait.ge [sflag:s17], $0x5000  }
0x36e: {  	[sflag:s17] =	ssyncset.done $0x0  }
0x36f: {  	s31 =	rddreg [dreg:$0xa];
	[sflag:s17] =	ssyncadd.s32 $0xFFFFB000  }
0x370: {  	[hbm4b:s31+s2] =	stream.linear.scatter [tilespmem:s8], [sflag:$0x6], $0x5000, $0x38;
	[tilespmem:$0x1F400] =	vst v63  }
0x371: {  	_ =	swait.ge [sflag:s9], $0x5000  }
0x372: {  	s1 =	sld [smem:$0x7EA]  }
0x373: {  	[sflag:s9] =	ssyncset.done $0x0  }
0x374: {  	[sflag:s9] =	ssyncadd.s32 $0xFFFFB000  }
0x375: {  	[tilespmem:s11], [sflag:$0x3] =	stream.indirect.gather [hbm4b:s3+s7], $0x20, s1, s7, $0xb8;
	[tilespmem:$0x1F400] =	vst v63  }
0x376: {  	_ =	swait.ge [sflag:s18], $0x5000  }
0x377: {  	[sflag:s18] =	ssyncset.done $0x0  }
0x378: {  	s30 =	rddreg [dreg:$0xb];
	[sflag:s18] =	ssyncadd.s32 $0xFFFFB000  }
0x379: {  	[hbm4b:s30+s2] =	stream.linear.scatter [tilespmem:s6], [sflag:$0x7], $0x5000, $0x38;
	[tilespmem:$0x1F400] =	vst v63  }
0x37a: {  	_ =	swait.ge [sflag:s10], $0x5000  }
0x37b: {  	s31 =	sld [smem:$0x7EB]  }
0x37c: {  	[sflag:s10] =	ssyncset.done $0x0  }
0x37d: {  	[sflag:s10] =	ssyncadd.s32 $0xFFFFB000  }
0x37e: {  	[tilespmem:s8], [sflag:$0x4] =	stream.indirect.gather [hbm4b:s3+s7], $0x20, s31, s7, $0xb8;
	[tilespmem:$0x1F400] =	vst v63  }
0x37f: {  	_ =	swait.ge [sflag:s15], $0x5000  }
0x380: {  	[sflag:s15] =	ssyncset.done $0x0  }
0x381: {  	s1 =	rddreg [dreg:$0xc];
	[sflag:s15] =	ssyncadd.s32 $0xFFFFB000  }
0x382: {  	[hbm4b:s1+s2] =	stream.linear.scatter [tilespmem:s4], [sflag:$0x8], $0x5000, $0x38;
	[tilespmem:$0x1F400] =	vst v63  }
0x383: {  	_ =	swait.ge [sflag:s12], $0x5000  }
0x384: {  	s30 =	sld [smem:$0x7EC]  }
0x385: {  	[sflag:s12] =	ssyncset.done $0x0  }
0x386: {  	[sflag:s12] =	ssyncadd.s32 $0xFFFFB000  }
0x387: {  	[tilespmem:s6], [sflag:$0x1] =	stream.indirect.gather [hbm4b:s3+s7], $0x20, s30, s7, $0xb8;
	[tilespmem:$0x1F400] =	vst v63  }
0x388: {  	_ =	swait.ge [sflag:s16], $0x5000  }
0x389: {  	[sflag:s16] =	ssyncset.done $0x0  }
0x38a: {  	s31 =	rddreg [dreg:$0xd];
	[sflag:s16] =	ssyncadd.s32 $0xFFFFB000  }
0x38b: {  	[hbm4b:s31+s2] =	stream.linear.scatter [tilespmem:s5], [sflag:$0x9], $0x5000, $0x38;
	[tilespmem:$0x1F400] =	vst v63  }
0x38c: {  	_ =	swait.ge [sflag:s13], $0x5000  }
0x38d: {  	s1 =	sld [smem:$0x7ED]  }
0x38e: {  	[sflag:s13] =	ssyncset.done $0x0  }
0x38f: {  	[sflag:s13] =	ssyncadd.s32 $0xFFFFB000  }
0x390: {  	[tilespmem:s4], [sflag:$0x2] =	stream.indirect.gather [hbm4b:s3+s7], $0x20, s1, s7, $0xb8;
	[tilespmem:$0x1F400] =	vst v63  }
0x391: {  	_ =	swait.ge [sflag:s17], $0x5000  }
0x392: {  	[sflag:s17] =	ssyncset.done $0x0  }
0x393: {  	s30 =	rddreg [dreg:$0xe];
	[sflag:s17] =	ssyncadd.s32 $0xFFFFB000  }
0x394: {  	[hbm4b:s30+s2] =	stream.linear.scatter [tilespmem:s11], [sflag:$0x5], $0x5000, $0x38;
	[tilespmem:$0x1F400] =	vst v63  }
0x395: {  	_ =	swait.ge [sflag:s14], $0x5000  }
0x396: {  	s31 =	sld [smem:$0x7EE]  }
0x397: {  	[sflag:s14] =	ssyncset.done $0x0  }
0x398: {  	[sflag:s14] =	ssyncadd.s32 $0xFFFFB000  }
0x399: {  	[tilespmem:s5], [sflag:$0x3] =	stream.indirect.gather [hbm4b:s3+s7], $0x20, s31, s7, $0xb8;
	[tilespmem:$0x1F400] =	vst v63  }
0x39a: {  	_ =	swait.ge [sflag:s18], $0x5000  }
0x39b: {  	[sflag:s18] =	ssyncset.done $0x0  }
0x39c: {  	s1 =	rddreg [dreg:$0xf];
	[sflag:s18] =	ssyncadd.s32 $0xFFFFB000  }
0x39d: {  	[hbm4b:s1+s2] =	stream.linear.scatter [tilespmem:s8], [sflag:$0x6], $0x5000, $0x38;
	[tilespmem:$0x1F400] =	vst v63  }
0x39e: {  	_ =	swait.ge [sflag:s9], $0x5000  }
0x39f: {  	s30 =	sld [smem:$0x7EF]  }
0x3a0: {  	[sflag:s9] =	ssyncset.done $0x0  }
0x3a1: {  	[sflag:s9] =	ssyncadd.s32 $0xFFFFB000  }
0x3a2: {  	[tilespmem:s11], [sflag:$0x4] =	stream.indirect.gather [hbm4b:s3+s7], $0x20, s30, s7, $0xb8;
	[tilespmem:$0x1F400] =	vst v63  }
0x3a3: {  	_ =	swait.ge [sflag:s15], $0x5000  }
0x3a4: {  	[sflag:s15] =	ssyncset.done $0x0  }
0x3a5: {  	s31 =	rddreg [dreg:$0x10];
	[sflag:s15] =	ssyncadd.s32 $0xFFFFB000  }
0x3a6: {  	[hbm4b:s31+s2] =	stream.linear.scatter [tilespmem:s6], [sflag:$0x7], $0x5000, $0x38;
	[tilespmem:$0x1F400] =	vst v63  }
0x3a7: {  	_ =	swait.ge [sflag:s10], $0x5000  }
0x3a8: {  	s1 =	sld [smem:$0x7F0]  }
0x3a9: {  	[sflag:s10] =	ssyncset.done $0x0  }
0x3aa: {  	[sflag:s10] =	ssyncadd.s32 $0xFFFFB000  }
0x3ab: {  	[tilespmem:s8], [sflag:$0x1] =	stream.indirect.gather [hbm4b:s3+s7], $0x20, s1, s7, $0xb8;
	[tilespmem:$0x1F400] =	vst v63  }
0x3ac: {  	_ =	swait.ge [sflag:s16], $0x5000  }
0x3ad: {  	[sflag:s16] =	ssyncset.done $0x0  }
0x3ae: {  	s30 =	rddreg [dreg:$0x11];
	[sflag:s16] =	ssyncadd.s32 $0xFFFFB000  }
0x3af: {  	[hbm4b:s30+s2] =	stream.linear.scatter [tilespmem:s4], [sflag:$0x8], $0x5000, $0x38;
	[tilespmem:$0x1F400] =	vst v63  }
0x3b0: {  	_ =	swait.ge [sflag:s12], $0x5000  }
0x3b1: {  	s31 =	sld [smem:$0x7F1]  }
0x3b2: {  	[sflag:s12] =	ssyncset.done $0x0  }
0x3b3: {  	[sflag:s12] =	ssyncadd.s32 $0xFFFFB000  }
0x3b4: {  	[tilespmem:s6], [sflag:$0x2] =	stream.indirect.gather [hbm4b:s3+s7], $0x20, s31, s7, $0xb8;
	[tilespmem:$0x1F400] =	vst v63  }
0x3b5: {  	_ =	swait.ge [sflag:s17], $0x5000  }
0x3b6: {  	[sflag:s17] =	ssyncset.done $0x0  }
0x3b7: {  	s1 =	rddreg [dreg:$0x12];
	[sflag:s17] =	ssyncadd.s32 $0xFFFFB000  }
0x3b8: {  	[hbm4b:s1+s2] =	stream.linear.scatter [tilespmem:s5], [sflag:$0x9], $0x5000, $0x38;
	[tilespmem:$0x1F400] =	vst v63  }
0x3b9: {  	_ =	swait.ge [sflag:s13], $0x5000  }
0x3ba: {  	s30 =	sld [smem:$0x7F2]  }
0x3bb: {  	[sflag:s13] =	ssyncset.done $0x0  }
0x3bc: {  	[sflag:s13] =	ssyncadd.s32 $0xFFFFB000  }
0x3bd: {  	[tilespmem:s4], [sflag:$0x3] =	stream.indirect.gather [hbm4b:s3+s7], $0x20, s30, s7, $0xb8;
	[tilespmem:$0x1F400] =	vst v63  }
0x3be: {  	_ =	swait.ge [sflag:s18], $0x5000  }
0x3bf: {  	[sflag:s18] =	ssyncset.done $0x0  }
0x3c0: {  	s31 =	rddreg [dreg:$0x13];
	[sflag:s18] =	ssyncadd.s32 $0xFFFFB000  }
0x3c1: {  	[hbm4b:s31+s2] =	stream.linear.scatter [tilespmem:s11], [sflag:$0x5], $0x5000, $0x38;
	[tilespmem:$0x1F400] =	vst v63  }
0x3c2: {  	_ =	swait.ge [sflag:s14], $0x5000  }
0x3c3: {  	s1 =	sld [smem:$0x7F3]  }
0x3c4: {  	[sflag:s14] =	ssyncset.done $0x0  }
0x3c5: {  	[sflag:s14] =	ssyncadd.s32 $0xFFFFB000  }
0x3c6: {  	[tilespmem:s5], [sflag:$0x4] =	stream.indirect.gather [hbm4b:s3+s7], $0x20, s1, s7, $0xb8;
	[tilespmem:$0x1F400] =	vst v63  }
0x3c7: {  	_ =	swait.ge [sflag:s15], $0x5000  }
0x3c8: {  	[sflag:s15] =	ssyncset.done $0x0  }
0x3c9: {  	s30 =	rddreg [dreg:$0x14];
	[sflag:s15] =	ssyncadd.s32 $0xFFFFB000  }
0x3ca: {  	[hbm4b:s30+s2] =	stream.linear.scatter [tilespmem:s8], [sflag:$0x6], $0x5000, $0x38;
	[tilespmem:$0x1F400] =	vst v63  }
0x3cb: {  	_ =	swait.ge [sflag:s9], $0x5000  }
0x3cc: {  	s31 =	sld [smem:$0x7F4]  }
0x3cd: {  	[sflag:s9] =	ssyncset.done $0x0  }
0x3ce: {  	[sflag:s9] =	ssyncadd.s32 $0xFFFFB000  }
0x3cf: {  	[tilespmem:s11], [sflag:$0x1] =	stream.indirect.gather [hbm4b:s3+s7], $0x20, s31, s7, $0xb8;
	[tilespmem:$0x1F400] =	vst v63  }
0x3d0: {  	_ =	swait.ge [sflag:s16], $0x5000  }
0x3d1: {  	[sflag:s16] =	ssyncset.done $0x0  }
0x3d2: {  	s1 =	rddreg [dreg:$0x15];
	[sflag:s16] =	ssyncadd.s32 $0xFFFFB000  }
0x3d3: {  	[hbm4b:s1+s2] =	stream.linear.scatter [tilespmem:s6], [sflag:$0x7], $0x5000, $0x38;
	[tilespmem:$0x1F400] =	vst v63  }
0x3d4: {  	_ =	swait.ge [sflag:s10], $0x5000  }
0x3d5: {  	s30 =	sld [smem:$0x7F5]  }
0x3d6: {  	[sflag:s10] =	ssyncset.done $0x0  }
0x3d7: {  	[sflag:s10] =	ssyncadd.s32 $0xFFFFB000  }
0x3d8: {  	[tilespmem:s8], [sflag:$0x2] =	stream.indirect.gather [hbm4b:s3+s7], $0x20, s30, s7, $0xb8;
	[tilespmem:$0x1F400] =	vst v63  }
0x3d9: {  	_ =	swait.ge [sflag:s17], $0x5000  }
0x3da: {  	[sflag:s17] =	ssyncset.done $0x0  }
0x3db: {  	s31 =	rddreg [dreg:$0x16];
	[sflag:s17] =	ssyncadd.s32 $0xFFFFB000  }
0x3dc: {  	[hbm4b:s31+s2] =	stream.linear.scatter [tilespmem:s4], [sflag:$0x8], $0x5000, $0x38;
	[tilespmem:$0x1F400] =	vst v63  }
0x3dd: {  	_ =	swait.ge [sflag:s12], $0x5000  }
0x3de: {  	s1 =	sld [smem:$0x7F6]  }
0x3df: {  	[sflag:s12] =	ssyncset.done $0x0  }
0x3e0: {  	[sflag:s12] =	ssyncadd.s32 $0xFFFFB000  }
0x3e1: {  	[tilespmem:s6], [sflag:$0x3] =	stream.indirect.gather [hbm4b:s3+s7], $0x20, s1, s7, $0xb8;
	[tilespmem:$0x1F400] =	vst v63  }
0x3e2: {  	_ =	swait.ge [sflag:s18], $0x5000  }
0x3e3: {  	[sflag:s18] =	ssyncset.done $0x0  }
0x3e4: {  	s30 =	rddreg [dreg:$0x17];
	[sflag:s18] =	ssyncadd.s32 $0xFFFFB000  }
0x3e5: {  	[hbm4b:s30+s2] =	stream.linear.scatter [tilespmem:s5], [sflag:$0x9], $0x5000, $0x38;
	[tilespmem:$0x1F400] =	vst v63  }
0x3e6: {  	_ =	swait.ge [sflag:s13], $0x5000  }
0x3e7: {  	s31 =	sld [smem:$0x7F7]  }
0x3e8: {  	[sflag:s13] =	ssyncset.done $0x0  }
0x3e9: {  	[sflag:s13] =	ssyncadd.s32 $0xFFFFB000  }
0x3ea: {  	[tilespmem:s4], [sflag:$0x4] =	stream.indirect.gather [hbm4b:s3+s7], $0x20, s31, s7, $0xb8;
	[tilespmem:$0x1F400] =	vst v63  }
0x3eb: {  	_ =	swait.ge [sflag:s15], $0x5000  }
0x3ec: {  	[sflag:s15] =	ssyncset.done $0x0  }
0x3ed: {  	s1 =	rddreg [dreg:$0x18];
	[sflag:s15] =	ssyncadd.s32 $0xFFFFB000  }
0x3ee: {  	[hbm4b:s1+s2] =	stream.linear.scatter [tilespmem:s11], [sflag:$0x5], $0x5000, $0x38;
	[tilespmem:$0x1F400] =	vst v63  }
0x3ef: {  	_ =	swait.ge [sflag:s14], $0x5000  }
0x3f0: {  	s30 =	sld [smem:$0x7F8]  }
0x3f1: {  	[sflag:s14] =	ssyncset.done $0x0  }
0x3f2: {  	[sflag:s14] =	ssyncadd.s32 $0xFFFFB000  }
0x3f3: {  	[tilespmem:s5], [sflag:$0x1] =	stream.indirect.gather [hbm4b:s3+s7], $0x20, s30, s7, $0xb8;
	[tilespmem:$0x1F400] =	vst v63  }
0x3f4: {  	_ =	swait.ge [sflag:s16], $0x5000  }
0x3f5: {  	[sflag:s16] =	ssyncset.done $0x0  }
0x3f6: {  	s31 =	rddreg [dreg:$0x19];
	[sflag:s16] =	ssyncadd.s32 $0xFFFFB000  }
0x3f7: {  	[hbm4b:s31+s2] =	stream.linear.scatter [tilespmem:s8], [sflag:$0x6], $0x5000, $0x38;
	[tilespmem:$0x1F400] =	vst v63  }
0x3f8: {  	_ =	swait.ge [sflag:s9], $0x5000  }
0x3f9: {  	s1 =	sld [smem:$0x7F9]  }
0x3fa: {  	[sflag:s9] =	ssyncset.done $0x0  }
0x3fb: {  	[sflag:s9] =	ssyncadd.s32 $0xFFFFB000  }
0x3fc: {  	[tilespmem:s11], [sflag:$0x2] =	stream.indirect.gather [hbm4b:s3+s7], $0x20, s1, s7, $0xb8;
	[tilespmem:$0x1F400] =	vst v63  }
0x3fd: {  	_ =	swait.ge [sflag:s17], $0x5000  }
0x3fe: {  	[sflag:s17] =	ssyncset.done $0x0  }
0x3ff: {  	s30 =	rddreg [dreg:$0x1a];
	[sflag:s17] =	ssyncadd.s32 $0xFFFFB000  }
0x400: {  	[hbm4b:s30+s2] =	stream.linear.scatter [tilespmem:s6], [sflag:$0x7], $0x5000, $0x38;
	[tilespmem:$0x1F400] =	vst v63  }
0x401: {  	_ =	swait.ge [sflag:s10], $0x5000  }
0x402: {  	s31 =	sld [smem:$0x7FA]  }
0x403: {  	[sflag:s10] =	ssyncset.done $0x0  }
0x404: {  	[sflag:s10] =	ssyncadd.s32 $0xFFFFB000  }
0x405: {  	[tilespmem:s8], [sflag:$0x3] =	stream.indirect.gather [hbm4b:s3+s7], $0x20, s31, s7, $0xb8;
	[tilespmem:$0x1F400] =	vst v63  }
0x406: {  	_ =	swait.ge [sflag:s18], $0x5000  }
0x407: {  	[sflag:s18] =	ssyncset.done $0x0  }
0x408: {  	s1 =	rddreg [dreg:$0x1b];
	[sflag:s18] =	ssyncadd.s32 $0xFFFFB000  }
0x409: {  	[hbm4b:s1+s2] =	stream.linear.scatter [tilespmem:s4], [sflag:$0x8], $0x5000, $0x38;
	[tilespmem:$0x1F400] =	vst v63  }
0x40a: {  	_ =	swait.ge [sflag:s12], $0x5000  }
0x40b: {  	s30 =	sld [smem:$0x7FB]  }
0x40c: {  	[sflag:s12] =	ssyncset.done $0x0  }
0x40d: {  	[sflag:s12] =	ssyncadd.s32 $0xFFFFB000  }
0x40e: {  	[tilespmem:s6], [sflag:$0x4] =	stream.indirect.gather [hbm4b:s3+s7], $0x20, s30, s7, $0xb8;
	[tilespmem:$0x1F400] =	vst v63  }
0x40f: {  	_ =	swait.ge [sflag:s15], $0x5000  }
0x410: {  	[sflag:s15] =	ssyncset.done $0x0  }
0x411: {  	s31 =	rddreg [dreg:$0x1c];
	[sflag:s15] =	ssyncadd.s32 $0xFFFFB000  }
0x412: {  	[hbm4b:s31+s2] =	stream.linear.scatter [tilespmem:s5], [sflag:$0x9], $0x5000, $0x38;
	[tilespmem:$0x1F400] =	vst v63  }
0x413: {  	_ =	swait.ge [sflag:s13], $0x5000  }
0x414: {  	s1 =	sld [smem:$0x7FC]  }
0x415: {  	[sflag:s13] =	ssyncset.done $0x0  }
0x416: {  	[sflag:s13] =	ssyncadd.s32 $0xFFFFB000  }
0x417: {  	[tilespmem:s4], [sflag:$0x1] =	stream.indirect.gather [hbm4b:s3+s7], $0x20, s1, s7, $0xb8;
	[tilespmem:$0x1F400] =	vst v63  }
0x418: {  	_ =	swait.ge [sflag:s16], $0x5000  }
0x419: {  	[sflag:s16] =	ssyncset.done $0x0  }
0x41a: {  	s30 =	rddreg [dreg:$0x1d];
	[sflag:s16] =	ssyncadd.s32 $0xFFFFB000  }
0x41b: {  	[hbm4b:s30+s2] =	stream.linear.scatter [tilespmem:s11], [sflag:$0x5], $0x5000, $0x38;
	[tilespmem:$0x1F400] =	vst v63  }
0x41c: {  	_ =	swait.ge [sflag:s14], $0x5000  }
0x41d: {  	s31 =	sld [smem:$0x7FD]  }
0x41e: {  	[sflag:s14] =	ssyncset.done $0x0  }
0x41f: {  	[sflag:s14] =	ssyncadd.s32 $0xFFFFB000  }
0x420: {  	[tilespmem:s5], [sflag:$0x2] =	stream.indirect.gather [hbm4b:s3+s7], $0x20, s31, s7, $0xb8;
	[tilespmem:$0x1F400] =	vst v63  }
0x421: {  	_ =	swait.ge [sflag:s17], $0x5000  }
0x422: {  	[sflag:s17] =	ssyncset.done $0x0  }
0x423: {  	s1 =	rddreg [dreg:$0x1e];
	[sflag:s17] =	ssyncadd.s32 $0xFFFFB000  }
0x424: {  	[hbm4b:s1+s2] =	stream.linear.scatter [tilespmem:s8], [sflag:$0x6], $0x5000, $0x38;
	[tilespmem:$0x1F400] =	vst v63  }
0x425: {  	_ =	swait.ge [sflag:s9], $0x5000  }
0x426: {  	[sflag:s9] =	ssyncset.done $0x0  }
0x427: {  	[sflag:s9] =	ssyncadd.s32 $0xFFFFB000  }
0x428: {  	[tilespmem:s11], [sflag:$0x3] =	stream.indirect.gather [hbm4b:s3+s7], $0x20, s20, s7, $0xb8;
	[tilespmem:$0x1F400] =	vst v63  }
0x429: {  	_ =	swait.ge [sflag:s18], $0x5000  }
0x42a: {  	[sflag:s18] =	ssyncset.done $0x0  }
0x42b: {  	s20 =	rddreg [dreg:$0x1f];
	[sflag:s18] =	ssyncadd.s32 $0xFFFFB000  }
0x42c: {  	[hbm4b:s20+s2] =	stream.linear.scatter [tilespmem:s6], [sflag:$0x7], $0x5000, $0x38;
	[tilespmem:$0x1F400] =	vst v63  }
0x42d: {  	_ =	swait.ge [sflag:s10], $0x5000  }
0x42e: {  	[sflag:s10] =	ssyncset.done $0x0  }
0x42f: {  	[sflag:s10] =	ssyncadd.s32 $0xFFFFB000  }
0x430: {  	[tilespmem:s8], [sflag:$0x4] =	stream.indirect.gather [hbm4b:s3+s7], $0x20, s29, s7, $0xb8;
	[tilespmem:$0x1F400] =	vst v63  }
0x431: {  	_ =	swait.ge [sflag:s15], $0x5000  }
0x432: {  	s29 =	sld [smem:$0x7D6]  }
0x433: {  	[sflag:s15] =	ssyncset.done $0x0  }
0x434: {  	[sflag:s15] =	ssyncadd.s32 $0xFFFFB000  }
0x435: {  	[hbm4b:s29+s2] =	stream.linear.scatter [tilespmem:s4], [sflag:$0x8], $0x5000, $0x38;
	[tilespmem:$0x1F400] =	vst v63  }
0x436: {  	_ =	swait.ge [sflag:s12], $0x5000  }
0x437: {  	[sflag:s12] =	ssyncset.done $0x0  }
0x438: {  	[sflag:s12] =	ssyncadd.s32 $0xFFFFB000  }
0x439: {  	[tilespmem:s6], [sflag:$0x1] =	stream.indirect.gather [hbm4b:s3+s7], $0x20, s28, s7, $0xb8;
	[tilespmem:$0x1F400] =	vst v63  }
0x43a: {  	_ =	swait.ge [sflag:s16], $0x5000  }
0x43b: {  	s30 =	sld [smem:$0x7D7]  }
0x43c: {  	[sflag:s16] =	ssyncset.done $0x0  }
0x43d: {  	[sflag:s16] =	ssyncadd.s32 $0xFFFFB000  }
0x43e: {  	[hbm4b:s30+s2] =	stream.linear.scatter [tilespmem:s5], [sflag:$0x9], $0x5000, $0x38;
	[tilespmem:$0x1F400] =	vst v63  }
0x43f: {  	_ =	swait.ge [sflag:s13], $0x5000  }
0x440: {  	[sflag:s13] =	ssyncset.done $0x0  }
0x441: {  	[sflag:s13] =	ssyncadd.s32 $0xFFFFB000  }
0x442: {  	[tilespmem:s4], [sflag:$0x2] =	stream.indirect.gather [hbm4b:s3+s7], $0x20, s26, s7, $0xb8;
	[tilespmem:$0x1F400] =	vst v63  }
0x443: {  	_ =	swait.ge [sflag:s17], $0x5000  }
0x444: {  	s31 =	sld [smem:$0x7D8]  }
0x445: {  	[sflag:s17] =	ssyncset.done $0x0  }
0x446: {  	[sflag:s17] =	ssyncadd.s32 $0xFFFFB000  }
0x447: {  	[hbm4b:s31+s2] =	stream.linear.scatter [tilespmem:s11], [sflag:$0x5], $0x5000, $0x38;
	[tilespmem:$0x1F400] =	vst v63  }
0x448: {  	_ =	swait.ge [sflag:s14], $0x5000  }
0x449: {  	[sflag:s14] =	ssyncset.done $0x0  }
0x44a: {  	[sflag:s14] =	ssyncadd.s32 $0xFFFFB000  }
0x44b: {  	[tilespmem:s5], [sflag:$0x3] =	stream.indirect.gather [hbm4b:s3+s7], $0x20, s25, s7, $0xb8;
	[tilespmem:$0x1F400] =	vst v63  }
0x44c: {  	_ =	swait.ge [sflag:s18], $0x5000  }
0x44d: {  	s1 =	sld [smem:$0x7D9]  }
0x44e: {  	[sflag:s18] =	ssyncset.done $0x0  }
0x44f: {  	[sflag:s18] =	ssyncadd.s32 $0xFFFFB000  }
0x450: {  	[hbm4b:s1+s2] =	stream.linear.scatter [tilespmem:s8], [sflag:$0x6], $0x5000, $0x38;
	[tilespmem:$0x1F400] =	vst v63  }
0x451: {  	_ =	swait.ge [sflag:s9], $0x5000  }
0x452: {  	[sflag:s9] =	ssyncset.done $0x0  }
0x453: {  	[sflag:s9] =	ssyncadd.s32 $0xFFFFB000  }
0x454: {  	[tilespmem:s11], [sflag:$0x4] =	stream.indirect.gather [hbm4b:s3+s7], $0x20, s24, s7, $0xb8;
	[tilespmem:$0x1F400] =	vst v63  }
0x455: {  	_ =	swait.ge [sflag:s15], $0x5000  }
0x456: {  	s20 =	sld [smem:$0x7DA]  }
0x457: {  	[sflag:s15] =	ssyncset.done $0x0  }
0x458: {  	[sflag:s15] =	ssyncadd.s32 $0xFFFFB000  }
0x459: {  	[hbm4b:s20+s2] =	stream.linear.scatter [tilespmem:s6], [sflag:$0x7], $0x5000, $0x38;
	[tilespmem:$0x1F400] =	vst v63  }
0x45a: {  	_ =	swait.ge [sflag:s10], $0x5000  }
0x45b: {  	[sflag:s10] =	ssyncset.done $0x0  }
0x45c: {  	[sflag:s10] =	ssyncadd.s32 $0xFFFFB000  }
0x45d: {  	[tilespmem:s8], [sflag:$0x1] =	stream.indirect.gather [hbm4b:s3+s7], $0x20, s23, s7, $0xb8;
	[tilespmem:$0x1F400] =	vst v63  }
0x45e: {  	_ =	swait.ge [sflag:s16], $0x5000  }
0x45f: {  	s23 =	sld [smem:$0x7DB]  }
0x460: {  	[sflag:s16] =	ssyncset.done $0x0  }
0x461: {  	[sflag:s16] =	ssyncadd.s32 $0xFFFFB000  }
0x462: {  	[hbm4b:s23+s2] =	stream.linear.scatter [tilespmem:s4], [sflag:$0x8], $0x5000, $0x38;
	[tilespmem:$0x1F400] =	vst v63  }
0x463: {  	_ =	swait.ge [sflag:s12], $0x5000  }
0x464: {  	[sflag:s12] =	ssyncset.done $0x0  }
0x465: {  	[sflag:s12] =	ssyncadd.s32 $0xFFFFB000  }
0x466: {  	[tilespmem:s6], [sflag:$0x2] =	stream.indirect.gather [hbm4b:s3+s7], $0x20, s22, s7, $0xb8;
	[tilespmem:$0x1F400] =	vst v63  }
0x467: {  	_ =	swait.ge [sflag:s17], $0x5000  }
0x468: {  	s24 =	sld [smem:$0x7DC]  }
0x469: {  	[sflag:s17] =	ssyncset.done $0x0  }
0x46a: {  	[sflag:s17] =	ssyncadd.s32 $0xFFFFB000  }
0x46b: {  	[hbm4b:s24+s2] =	stream.linear.scatter [tilespmem:s5], [sflag:$0x9], $0x5000, $0x38;
	[tilespmem:$0x1F400] =	vst v63  }
0x46c: {  	_ =	swait.ge [sflag:s13], $0x5000  }
0x46d: {  	[sflag:s13] =	ssyncset.done $0x0  }
0x46e: {  	[sflag:s13] =	ssyncadd.s32 $0xFFFFB000  }
0x46f: {  	[tilespmem:s4], [sflag:$0x3] =	stream.indirect.gather [hbm4b:s3+s7], $0x20, s21, s7, $0xb8;
	[tilespmem:$0x1F400] =	vst v63  }
0x470: {  	_ =	swait.ge [sflag:s18], $0x5000  }
0x471: {  	s25 =	sld [smem:$0x7DD]  }
0x472: {  	[sflag:s18] =	ssyncset.done $0x0  }
0x473: {  	[sflag:s18] =	ssyncadd.s32 $0xFFFFB000  }
0x474: {  	[hbm4b:s25+s2] =	stream.linear.scatter [tilespmem:s11], [sflag:$0x5], $0x5000, $0x38;
	[tilespmem:$0x1F400] =	vst v63  }
0x475: {  	_ =	swait.ge [sflag:s14], $0x5000  }
0x476: {  	[sflag:s14] =	ssyncset.done $0x0  }
0x477: {  	s26 =	simm.s32 $0x6180;
	[sflag:s14] =	ssyncadd.s32 $0xFFFFB000  }
0x478: {  	[tilespmem:s5], [sflag:$0x4] =	stream.indirect.gather [hbm4b:s3+s7], $0x20, s26, s7, $0xb8;
	[tilespmem:$0x1F400] =	vst v63  }
0x479: {  	_ =	swait.ge [sflag:s15], $0x5000  }
0x47a: {  	s28 =	sld [smem:$0x7DE]  }
0x47b: {  	[sflag:s15] =	ssyncset.done $0x0  }
0x47c: {  	[sflag:s15] =	ssyncadd.s32 $0xFFFFB000  }
0x47d: {  	[hbm4b:s28+s2] =	stream.linear.scatter [tilespmem:s8], [sflag:$0x6], $0x5000, $0x38;
	[tilespmem:$0x1F400] =	vst v63  }
0x47e: {  	_ =	swait.ge [sflag:s16], $0x5000  }
0x47f: {  	s29 =	sld [smem:$0x7DF]  }
0x480: {  	[sflag:s16] =	ssyncset.done $0x0  }
0x481: {  	[sflag:s16] =	ssyncadd.s32 $0xFFFFB000  }
0x482: {  	[hbm4b:s29+s2] =	stream.linear.scatter [tilespmem:s6], [sflag:$0x7], $0x5000, $0x38;
	[tilespmem:$0x1F400] =	vst v63  }
0x483: {  	_ =	swait.ge [sflag:s17], $0x5000  }
0x484: {  	s30 =	sld [smem:$0x7E0]  }
0x485: {  	[sflag:s17] =	ssyncset.done $0x0  }
0x486: {  	[sflag:s17] =	ssyncadd.s32 $0xFFFFB000  }
0x487: {  	[hbm4b:s30+s2] =	stream.linear.scatter [tilespmem:s4], [sflag:$0x8], $0x5000, $0x38;
	[tilespmem:$0x1F400] =	vst v63  }
0x488: {  	_ =	swait.ge [sflag:s18], $0x5000  }
0x489: {  	s31 =	sld [smem:$0x7E1]  }
0x48a: {  	[sflag:s18] =	ssyncset.done $0x0  }
0x48b: {  	[sflag:s18] =	ssyncadd.s32 $0xFFFFB000  }
0x48c: {  	[hbm4b:s31+s2] =	stream.linear.scatter [tilespmem:s5], [sflag:$0x9], $0x5000, $0x38;
	[tilespmem:$0x1F400] =	vst v63  }
0x48d: {  	_ =	swait.ge [sflag:s9], $0x5000  }
0x48e: {  	[sflag:s9] =	ssyncset.done $0x0  }
0x48f: {  	[sflag:s9] =	ssyncadd.s32 $0xFFFFB000  }
0x490: {  	_ =	swait.ge [sflag:s10], $0x5000  }
0x491: {  	[sflag:s10] =	ssyncset.done $0x0  }
0x492: {  	[sflag:s10] =	ssyncadd.s32 $0xFFFFB000  }
0x493: {  	_ =	swait.ge [sflag:s12], $0x5000  }
0x494: {  	[sflag:s12] =	ssyncset.done $0x0  }
0x495: {  	[sflag:s12] =	ssyncadd.s32 $0xFFFFB000  }
0x496: {  	_ =	swait.ge [sflag:s13], $0x5000  }
0x497: {  	[sflag:s13] =	ssyncset.done $0x0  }
0x498: {  	[sflag:s13] =	ssyncadd.s32 $0xFFFFB000  }
0x499: {  	_ =	swait.ge [sflag:s14], $0x5000  }
0x49a: {  	[sflag:s14] =	ssyncset.done $0x0  }
0x49b: {  	[sflag:s14] =	ssyncadd.s32 $0xFFFFB000  }
0x49c: {  	_ =	sfence.sel $0x180000  }
0x49d: {  	[bflag:$0x0] =	sbarrier.arrive $0xFFFF  }
0x49e: {  	_ =	strace $0x90000047  }
0x49f: {  	[bflag:$0x2] =	sbarrier.arrive $0xFFFF  }
0x4a0: {  	p0 =	sne.s32 s19, $0x0;
	s0 =	rddreg [dreg:$0x3]  }
0x4a1: {  	s0 =	sadd.s32 @!p0 $0x100000, s0  }
0x4a2: {  	[sflag:s0] =	ssyncadd.tile.s32 @!p0 $0x1;
	_ =	shalt  }
.LBB2_1:
.Ltmp3:
0x4a3: {  	(pc) =	sbr.rel .LBB2_6-.Ltmp3, $4  }
0x4a4: {  	_ = 	snop  }
0x4a5: {  	s20 =	simm.s32 $0x4B00;
	s29 =	simm.s32 $0x4D80;
	s28 =	simm.s32 $0x5000  }
0x4a6: {  	s26 =	simm.s32 $0x5280;
	s25 =	simm.s32 $0x5500;
	s24 =	simm.s32 $0x5780  }
0x4a7: {  	s23 =	simm.s32 $0x5A00;
	s22 =	simm.s32 $0x5C80;
	s21 =	simm.s32 $0x5F00  }
.LBB2_3:
.Ltmp4:
0x4a8: {  	(pc) =	sbr.rel .LBB2_6-.Ltmp4, $4  }
0x4a9: {  	s20 =	simm.s32 $0x4B00  }
0x4aa: {  	s29 =	simm.s32 $0x4D80;
	s28 =	simm.s32 $0x5000;
	s26 =	simm.s32 $0x5280  }
0x4ab: {  	s25 =	simm.s32 $0x5500;
	s24 =	simm.s32 $0x5780;
	s23 =	simm.s32 $0x5A00  }
0x4ac: {  	s22 =	simm.s32 $0x5C80;
	s21 =	simm.s32 $0x5F00;
	s19 =	stileid.u32  }
.Lfunc_end2:
_tile_overlayer_lowered:
.L_overlay_start_2:
0x4ad: {  	(tag) =	ssettag $0x2  }
0x4ae: {  	s0 =	rddreg [dreg:$0x0];
	s2 =	stileid.u32  }
0x4af: {  	s1 =	rddreg [dreg:$0x1];
	p0 =	sne.s32 s2, $0x0  }
0x4b0: {  	s3 =	rddreg [dreg:$0x2];
	[bflag:$0x3] =	sbarrier.arrive $0xFFFF;
	s2 =	simm.s32 @!p0 $0x1C0A  }
0x4b1: {  	[timem:s3], [sflag:s2] =	dma.local @!p0 [hbm:s0], s1  }
0x4b2: {  	s0 =	simm.s32 @!p0 $0xA  }
0x4b3: {  	_ =	swait.ge @!p0 [sflag:s0], s1  }
0x4b4: {  	s1 =	ssub.s32 @!p0 $0x0, s1;
	[sflag:s0] =	ssyncset.done @!p0 $0x0  }
0x4b5: {  	[sflag:s0] =	ssyncadd.s32 @!p0 s1  }
0x4b6: {  	[bflag:$0x3] =	sbarrier.arrive $0xFFFF  }
0x4b7: {  	_ =	shalt  }

// kernel: sparse-core-data-format-call.cloned.1.call-start
scs
called_computation_lowered:
.L_overlay_start_0:
0x0: {  	s2 =	sld [smem:$0x3FD9]  }
0x1: {  	s3 =	sld [smem:$0x3FFE];
	_ =	sdelay $0x1  }
0x2: {  	s1 =	srdreg.scid  }
0x3: {  	s0 =	sand.u32 $0x1, s1  }
0x4: {  	s18 =	sshll.u32 s0, $0xA;
	s2 =	sadd.s32 s3, s2  }
0x5: {  	s2 =	sadd.s32 s2, s18  }
0x6: {  	[smem:$0x3FC6] =	sst s2  }
0x7: {  	_ = 	snop  }
0x8: {  	s2 =	sld [smem:$0x3FD0];
	(tm) =	ssettm $0x1  }
0x9: {  	s19 =	sld [smem:$0x3FFB];
	_ =	sdelay $0x3  }
0xa: {  	_ =	strace s19  }
0xb: {  	s3 =	sld [smem:$0x3FFC];
	_ =	sdelay $0x3  }
0xc: {  	_ =	strace s3  }
0xd: {  	s3 =	sld [smem:$0x3FFD];
	_ =	sdelay $0x3  }
0xe: {  	_ =	strace s3  }
0xf: {  	_ =	strace $0x8FFFFFFF  }
0x10: {  	s20 =	sld [smem:$0x3FDB];
	_ =	sdelay $0x1  }
0x11: {  	s4 =	simm.s32 $_scs_section_size  }
0x12: {  	s5 =	simm.s32 $_size__tile_overlayer_lowered;
	s6 =	simm.s32 $_tile_overlayer_lowered  }
0x13: {  	s23 =	simm.s32 $0x1BFF;
	s22 =	sshll.u32 s6, $0x1;
	s3 =	sadd.s32 s4, s20  }
0x14: {  	s7 =	simm.s32 $0x0;
	s21 =	sshll.u32 s5, $0x1;
	s5 =	sadd.s32 s22, s3  }
0x15: {  	[timem:s7], [sflag:s23] =	dma.local [hbm:s5], s21  }
0x16: {  	_ =	swait.ge [sflag:s23], s21  }
0x17: {  	s4 =	ssub.s32 $0x0, s21;
	[sflag:s23] =	ssyncset.done $0x0  }
0x18: {  	[sflag:s23] =	ssyncadd.s32 s4;
	_ =	sdelay $0x1  }
0x19: {  	s24 =	simm.s32 $0x1B8B  }
0x1a: {  	_ =	swait.ge [sflag:s24], $0x1  }
0x1b: {  	[sflag:s24] =	ssyncset.done $0x0  }
0x1c: {  	s26 =	simm.s32 $0x1B8E;
	s25 =	sld [smem:$0x3FFE];
	[sflag:s24] =	ssyncadd.s32 $0xFFFFFFFF  }
0x1d: {  	s27 =	simm.s32 $execute0_lowered;
	[smem:$0x3FD2] =	sst s26  }
0x1e: {  	s5 =	sshll.u32 s27, $0x1;
	_ =	strace $0x80000049;
	[dreg:$0x1] =	wrdreg $0xFFFFFFFF  }
0x1f: {  	s28 =	simm.s32 $_size_execute0_lowered;
	s3 =	sadd.s32 s3, s5;
	[dreg:$0x0] =	wrdreg $0x0  }
0x20: {  	s5 =	sshll.u32 s28, $0x1;
	[dreg:$0x2] =	wrdreg s3  }
0x21: {  	[dreg:$0x3] =	wrdreg s5  }
0x22: {  	[dreg:$0x4] =	wrdreg $0xC0  }
0x23: {  	_ =	task [dreg:s7], $0x5FFFF  }
0x24: {  	[dreg:$0x1] =	wrdreg $0xFFFFFFFF  }
0x25: {  	[dreg:$0x0] =	wrdreg $0x60  }
0x26: {  	[dreg:$0x2] =	wrdreg s25  }
0x27: {  	[dreg:$0x3] =	wrdreg s2  }
0x28: {  	[dreg:$0x4] =	wrdreg $0x9  }
0x29: {  	_ =	task.clear_ibuf [dreg:s7], $0x5FFFF;
	_ =	strace $0x90000049  }
0x2a: {  	s29 =	simm.s32 $0x9;
	_ =	strace $0x8000004B  }
0x2b: {  	_ =	swait.ge [sflag:s29], $0x1  }
0x2c: {  	[sflag:s29] =	ssyncadd.s32 $0xFFFFFFFF  }
0x2d: {  	_ =	strace $0x9000004B  }
0x2e: {  	_ =	sfence  }
0x2f: {  	s30 =	sld [smem:$0x0];
	_ =	sdelay $0x2  }
0x30: {  	s31 =	sshll.u32 s1, $0xD;
	s1 =	sshrl.u32 s1, $0x2  }
0x31: {  	s3 =	sand.u32 $0x4000, s31;
	s1 =	sadd.s32 s1, s30  }
0x32: {  	s0 =	sor.u32 s3, s0;
	s1 =	sshll.u32 s1, $0x11  }
0x33: {  	s0 =	sor.u32 s1, s0  }
0x34: {  	s0 =	sadd.s32 $0x8F2B, s0  }
0x35: {  	[sflag:s0] =	ssyncadd.remote.s32 $0x1  }
0x36: {  	_ =	sfence.sel $0xFFFF  }
0x37: {  	[dreg:$0x0] =	wrdreg $0xFFFFFFFF;
	(pc) =	sbr.abs _section_cstart, $3  }
0x38: {  	[dreg:$0x1] =	wrdreg $0xFFFFFFFF  }
0x39: {  	_ =	task.clear_ibuf [dreg:s7], $0x2FFFF;
	_ =	strace $0x9FFFFFFF  }
0x3a: {  	(tm) =	ssettm $0x7FFFFFFF  }
0x3b: {  	_ =	shalt  }
tec
execute0_lowered:
.L_overlay_start_1:
0x0: {  	(tag) =	ssettag $0x1  }
0x1: {  	s0 =	srdreg.scid  }
0x2: {  	s1 =	sshll.u32 s0, $0x4  }
0x3: {  	s4 =	rddreg [dreg:$0x0];
	s0 =	stileid.u32;
	s1 =	sand.u32 $0x10, s1  }
0x4: {  	s2 =	rddreg [dreg:$0x1];
	s7 =	simm.s32 $0x1;
	s1 =	sor.u32 s0, s1  }
0x5: {  	s8 =	simm.s32 $0x2;
	s11 =	simm.s32 $0x0;
	s3 =	sshll.u32 s1, $0x7  }
0x6: {  	s10 =	simm.s32 $0x0;
	s4 =	sadd.s32 $0x800, s4;
	s6 =	ssub.s32 $0xC8000, s3  }
.Ltmp0:
0x7: {  	s1 =	rddreg [dreg:$0x2];
	s5 =	sand.u32 $0xF80, s6;
	(pc) =	sbr.rel .LBB1_1-.Ltmp0, $4  }
0x8: {  	_ =	strace $0x8000004A;
	s9 =	smov.u32 s3;
	p0 =	sne.s32 s5, $0x0  }
0x9: {  	s6 =	sshrl.u32 s6, $0xC;
	s5 =	simm.s32 $0x1;
	s7 =	simm.s32 @!p0 $0x0  }
0xa: {  	[sflag:s5] =	ssyncpa.u1 $0x0;
	p0 =	por $0x0, $0x0;
	s6 =	sadd.s32 s7, s6  }
0xb: {  	[sflag:s8] =	ssyncpa.u1 $0x0;
	s8 =	simm.s32 $0x640000;
	s7 =	sadd.s32 $0x1, s6  }
.LBB1_4:
0xc: {  	s14 =	sshll.u32 s11, $0x3  }
0xd: {  	s30 =	sand.u32 $0x7F, s11;
	s15 =	sand.u32 $0xFFFFFC00, s14  }
0xe: {  	s11 =	sor.u32 s30, s15  }
0xf: {  	s15 =	smulhi.u32 $0x51EB851F, s11  }
0x10: {  	s14 =	smulhi.u32 $0x51EB851F, s14  }
0x11: {  	s15 =	sshrl.u32 s15, $0x12  }
0x12: {  	s14 =	sshrl.u32 s14, $0x12;
	s15 =	smul.u32 $0xC8000, s15  }
0x13: {  	s14 =	sand.u32 $0x1F, s14  }
0x14: {  	s14 =	smul.u32 $0x19000, s14;
	s11 =	ssub.s32 s11, s15  }
0x15: {  	s15 =	sand.u32 $0x7, s11  }
0x16: {  	s14 =	sadd.s32 s2, s14;
	s11 =	sshrl.u32 s11, $0x3;
	s15 =	sshll.u32 s15, $0x12  }
0x17: {  	[tilespmem:s13+$0x0 ss:$0x81] =	vst.msk $0xffff, v0;
	s11 =	sadd.s32 s11, s14;
	s31 =	sor.u32 $0x400, s15  }
0x18: {  	[hbm4b:s11+s31] =	stream.strided.scatter [tilespmem:s12], [sflag:$0x2], $0x1000, s8, s31, $0x20;
	[tilespmem:$0x4040] =	vst v63  }
.LBB1_5:
0x19: {  	s13 =	sadd.s32 $0x1000, s9  }
0x1a: {  	p2 =	sgt.s32 s13, $0xC7FFF  }
0x1b: {  	s13 =	smov.u32 @p2 s3;
	p2 =	sne.s32 s10, s7  }
.Ltmp1:
0x1c: {  	p1 =	slt.u32 s10, $0x2;
	(pc) =	sbr.rel @!p2 .LBB1_6-.Ltmp1, $4  }
0x1d: {  	s12 =	simm.s32 @!p1 $0x2  }
0x1e: {  	s14 =	sadd.s32 $0x1, s10;
	_ =	swait.ge @!p1 [sflag:s12], $0x1000  }
0x1f: {  	s11 =	smov.u32 s9;
	p0 =	por !p0, !p0;
	[sflag:s12] =	ssyncset.done @!p1 $0x0  }
0x20: {  	s10 =	smov.u32 s14;
	s9 =	smov.u32 s13;
	[sflag:s12] =	ssyncadd.s32 @!p1 $0xFFFFF000  }
.LBB1_1:
0x21: {  	p1 =	sge.u32 s10, s6  }
0x22: {  	s12 =	sand.u32 @!p1 $0x1FFFFFF, s9  }
0x23: {  	s13 =	smulhi.u32 @!p1 $0x147AE15, s12;
	_ =	sdelay $0x1  }
0x24: {  	s13 =	sshrl.u32 @!p1 s13, $0xC  }
0x25: {  	s13 =	smul.u32 @!p1 $0xC8000, s13;
	_ =	sdelay $0x1  }
0x26: {  	s31 =	sadd.s32 $0xFFFFFFFF, s10;
	s14 =	sxor.u32 @!p1 $0xFFFFFFFF, s10;
	s12 =	ssub.s32 @!p1 s12, s13  }
0x27: {  	s15 =	simm.s32 @!p1 $0x80;
	s14 =	sshll.u32 @!p1 s14, $0xC;
	s12 =	sshll.u32 @!p1 s12, $0x4  }
0x28: {  	s13 =	sand.u32 @!p1 $0x1000, s14;
	s14 =	simm.s32 @!p1 $0x20;
	s12 =	sadd.s32 @!p1 s4, s12  }
0x29: {  	[tilespmem:s13], [sflag:$0x1] =	stream.strided.gather @!p1 [hbm4b:s12+s14], $0x1000, s15, s14, $0x38;
	[tilespmem:$0x4040] =	vst v63  }
0x2a: {  	p1 =	sge.u32 s31, s6  }
.Ltmp2:
0x2b: {  	_ = 	snop;
	(pc) =	sbr.rel @p1 .LBB1_5-.Ltmp2, $1  }
0x2c: {  	_ =	sdelay $0x3  }
0x2d: {  	s12 =	simm.s32 $0x1  }
0x2e: {  	_ =	swait.ge [sflag:s5], $0x1000;
	s12 =	simm.s32 @!p0 $0x0  }
0x2f: {  	[sflag:s5] =	ssyncset.done $0x0;
	s13 =	sshll.u32 s12, $0xC  }
0x30: {  	[sflag:s5] =	ssyncadd.s32 $0xFFFFF000;
	s16 =	sor.u32 $0x10, s13  }
0x31: {  	s12 =	smul.u32 $0x4080, s12;
	v1 =	vld [tilespmem:s16+$0x0]  }
0x32: {  	s30 =	sand.u32 $0x1, s10;
	v0 =	vld [tilespmem:s16+$0xFFFFFFF0]  }
0x33: {  	s13 =	smul.u32 $0x4080, s30;
	s12 =	sshrl.u32 s12, $0x2  }
0x34: {  	s14 =	sor.u32 $0x2000, s12  }
0x35: {  	s31 =	sshrl.u32 s13, $0x2;
	s13 =	sadd.s32 $0x0, s14  }
0x36: {  	s15 =	simm.s32 $0x4;
	s16 =	sadd.s32 $0x20, s16;
	s12 =	sor.u32 $0x2000, s31;
	[tilespmem:s13+$0x810 ss:$0x81] =	vst.msk $0xffff, v1  }
.LBB1_3:
0x37: {  	v1 =	vld [tilespmem:s16+$0x0];
	p1 =	sne.s32 s15, $0x1FC;
	[tilespmem:s13+$0x0 ss:$0x81] =	vst.msk $0xffff, v0;
	s13 =	smov.u32 s15;
	s15 =	sadd.s32 $0x4, s15  }
.Ltmp3:
0x38: {  	v0 =	vld [tilespmem:s16+$0xFFFFFFF0];
	(pc) =	sbr.rel @p1 .LBB1_3-.Ltmp3, $4  }
0x39: {  	_ = 	snop  }
0x3a: {  	s13 =	sshra.s32 s13, $0x2  }
0x3b: {  	s13 =	sadd.s32 s13, s14  }
0x3c: {  	s16 =	sadd.s32 $0x20, s16;
	[tilespmem:s13+$0x810 ss:$0x81] =	vst.msk $0xffff, v1  }
.Ltmp4:
0x3d: {  	_ = 	snop;
	(pc) =	sbr.rel .LBB1_4-.Ltmp4, $1  }
0x3e: {  	_ =	sdelay $0x3  }
.LBB1_6:
0x3f: {  	_ =	sfence.sel $0x180000  }
0x40: {  	s2 =	simm.s32 $0x1;
	[bflag:$0x0] =	sbarrier.arrive $0xFFFF  }
0x41: {  	s31 =	simm.s32 $0x2;
	[sflag:s2] =	ssyncpa.u1 $0x1  }
0x42: {  	[sflag:s31] =	ssyncpa.u1 $0x1  }
0x43: {  	p0 =	sne.s32 s0, $0x0;
	_ =	strace $0x9000004A  }
0x44: {  	s0 =	sadd.s32 @!p0 $0x100000, s1;
	[bflag:$0x2] =	sbarrier.arrive $0xFFFF  }
0x45: {  	[sflag:s0] =	ssyncadd.tile.s32 @!p0 $0x1;
	_ =	shalt  }
.Lfunc_end1:
_tile_overlayer_lowered:
.L_overlay_start_2:
0x46: {  	(tag) =	ssettag $0x2  }
0x47: {  	s0 =	rddreg [dreg:$0x0];
	s2 =	stileid.u32  }
0x48: {  	s1 =	rddreg [dreg:$0x1];
	p0 =	sne.s32 s2, $0x0  }
0x49: {  	s3 =	rddreg [dreg:$0x2];
	[bflag:$0x3] =	sbarrier.arrive $0xFFFF;
	s2 =	simm.s32 @!p0 $0x1C01  }
0x4a: {  	[timem:s3], [sflag:s2] =	dma.local @!p0 [hbm:s0], s1  }
0x4b: {  	s0 =	simm.s32 @!p0 $0x1  }
0x4c: {  	_ =	swait.ge @!p0 [sflag:s0], s1  }
0x4d: {  	s1 =	ssub.s32 @!p0 $0x0, s1;
	[sflag:s0] =	ssyncset.done @!p0 $0x0  }
0x4e: {  	[sflag:s0] =	ssyncadd.s32 @!p0 s1  }
0x4f: {  	[bflag:$0x3] =	sbarrier.arrive $0xFFFF  }
0x50: {  	_ =	shalt  }

</sc_bundles>
